<compile_context>
chip_gen: v7x
topology: tpu7x:2x2x1
jax: 0.10.2.dev20260603
libtpu: 0.0.44.dev20260713+nightly
codegen_flags: <defaults>
</compile_context>

<pallas_src>
import functools
import jax
import jax.numpy as jnp
from jax import lax
from jax.experimental import pallas as pl
from jax.experimental.pallas import tpu as pltpu
from jax.experimental.pallas import tpu_sc as plsc

B = 200
NPG = 250
M = 400
H = 128
N = B * NPG
E = 2 * M * B
NP = 50048
STRIPE = NP // 16
KB = 125
R = 2000

f32 = jnp.float32
i32 = jnp.int32


def _vmesh():
    return plsc.VectorSubcoreMesh(core_axis_name="c", subcore_axis_name="s")


_SC_PARAMS = pltpu.CompilerParams(use_tc_tiling_on_sc=False)



def sc_count(d12, zeros16, ones_src):
    @functools.partial(
        pl.kernel,
        out_type=jax.ShapeDtypeStruct((2, NP, 16), f32),
        mesh=_vmesh(),
        compiler_params=_SC_PARAMS,
        scratch_types=[pltpu.VMEM((40, KB), i32),
                       pltpu.VMEM((KB, 16), f32),
                       pltpu.VMEM_SHARED((NP, 16), f32)],
    )
    def k(d_hbm, z_hbm, ones_hbm, out_hbm, didx_v, ones_v, acc):
        ci = lax.axis_index("c")
        ti = lax.axis_index("s")
        pltpu.sync_copy(z_hbm, acc.at[pl.ds(ti * STRIPE, STRIPE)])
        pltpu.sync_copy(ones_hbm, ones_v)
        pltpu.sync_copy(d_hbm.at[ci, ti], didx_v)
        plsc.subcore_barrier()

        @pl.loop(0, 40)
        def _(j):
            pltpu.sync_copy(ones_v, acc.at[didx_v.at[j]], add=True)

        plsc.subcore_barrier()
        pltpu.sync_copy(acc.at[pl.ds(ti * STRIPE, STRIPE)],
                        out_hbm.at[ci, pl.ds(ti * STRIPE, STRIPE)])

    return k(d12, zeros16, ones_src)


def sc_scatter16(s12, d12, xp, zeros16):
    @functools.partial(
        pl.kernel,
        out_type=jax.ShapeDtypeStruct((2, NP, 16), f32),
        mesh=_vmesh(),
        compiler_params=_SC_PARAMS,
        scratch_types=[pltpu.VMEM((40, KB), i32),
                       pltpu.VMEM((40, KB), i32),
                       pltpu.VMEM((KB, 16), f32),
                       pltpu.VMEM((KB, 16), f32),
                       pltpu.VMEM_SHARED((NP, 16), f32),
                       pltpu.SemaphoreType.DMA,
                       pltpu.SemaphoreType.DMA],
    )
    def k(s_hbm, d_hbm, t_hbm, z_hbm, out_hbm, sidx_v, didx_v, rows0, rows1,
          acc, sem0, sem1):
        ci = lax.axis_index("c")
        ti = lax.axis_index("s")
        pltpu.sync_copy(z_hbm, acc.at[pl.ds(ti * STRIPE, STRIPE)])
        pltpu.sync_copy(s_hbm.at[ci, ti], sidx_v)
        pltpu.sync_copy(d_hbm.at[ci, ti], didx_v)
        plsc.subcore_barrier()
        pltpu.async_copy(t_hbm.at[sidx_v.at[0]], rows0, sem0)

        @pl.loop(0, 40, step=2)
        def _(j):
            pltpu.async_copy(t_hbm.at[sidx_v.at[j + 1]], rows1, sem1)
            pltpu.make_async_copy(t_hbm.at[sidx_v.at[0]], rows0, sem0).wait()
            pltpu.sync_copy(rows0, acc.at[didx_v.at[j]], add=True)

            @pl.when(j + 2 < 40)
            def _():
                pltpu.async_copy(t_hbm.at[sidx_v.at[j + 2]], rows0, sem0)

            pltpu.make_async_copy(t_hbm.at[sidx_v.at[0]], rows1, sem1).wait()
            pltpu.sync_copy(rows1, acc.at[didx_v.at[j + 1]], add=True)

        plsc.subcore_barrier()
        pltpu.sync_copy(acc.at[pl.ds(ti * STRIPE, STRIPE)],
                        out_hbm.at[ci, pl.ds(ti * STRIPE, STRIPE)])

    return k(s12, d12, xp, zeros16)


def sc_conv2(s3, d3, hp4, zeros32):
    @functools.partial(
        pl.kernel,
        out_type=jax.ShapeDtypeStruct((2, 2, NP, 32), f32),
        mesh=_vmesh(),
        compiler_params=_SC_PARAMS,
        scratch_types=[pltpu.VMEM((80, KB), i32),
                       pltpu.VMEM((80, KB), i32),
                       pltpu.VMEM((KB, 32), f32),
                       pltpu.VMEM((KB, 32), f32),
                       pltpu.VMEM_SHARED((NP, 32), f32),
                       pltpu.SemaphoreType.DMA,
                       pltpu.SemaphoreType.DMA],
    )
    def k(s_hbm, d_hbm, t_hbm, z_hbm, out_hbm, sidx_v, didx_v, rows0, rows1,
          acc, sem0, sem1):
        ci = lax.axis_index("c")
        ti = lax.axis_index("s")
        pltpu.sync_copy(d_hbm.at[ti], didx_v)
        pltpu.sync_copy(s_hbm.at[ti], sidx_v)
        for cc in range(4):
            t_c = t_hbm.at[cc]

            @pl.when(ci == cc // 2)
            def _():
                kk = cc % 2
                pltpu.sync_copy(z_hbm, acc.at[pl.ds(ti * STRIPE, STRIPE)])
                plsc.subcore_barrier()
                pltpu.async_copy(t_c.at[sidx_v.at[0]], rows0, sem0)

                @pl.loop(0, 80, step=2)
                def _(j):
                    pltpu.async_copy(t_c.at[sidx_v.at[j + 1]], rows1, sem1)
                    pltpu.make_async_copy(t_c.at[sidx_v.at[0]], rows0,
                                          sem0).wait()
                    pltpu.sync_copy(rows0, acc.at[didx_v.at[j]], add=True)

                    @pl.when(j + 2 < 80)
                    def _():
                        pltpu.async_copy(t_c.at[sidx_v.at[j + 2]], rows0,
                                         sem0)

                    pltpu.make_async_copy(t_c.at[sidx_v.at[0]], rows1,
                                          sem1).wait()
                    pltpu.sync_copy(rows1, acc.at[didx_v.at[j + 1]], add=True)

                plsc.subcore_barrier()
                pltpu.sync_copy(acc.at[pl.ds(ti * STRIPE, STRIPE)],
                                out_hbm.at[ci, kk,
                                           pl.ds(ti * STRIPE, STRIPE)])

    return k(s3, d3, hp4, zeros32)


def sc_gather(table, pcidx):
    @functools.partial(
        pl.kernel,
        out_type=jax.ShapeDtypeStruct((2, 80000, H), f32),
        mesh=_vmesh(),
        compiler_params=_SC_PARAMS,
        scratch_types=[pltpu.VMEM((40, KB), i32),
                       pltpu.VMEM((KB, H), f32),
                       pltpu.VMEM((KB, H), f32),
                       pltpu.SemaphoreType.DMA,
                       pltpu.SemaphoreType.DMA],
    )
    def k(t_hbm, i_hbm, out_hbm, sidx_v, rows0, rows1, sem0, sem1):
        ci = lax.axis_index("c")
        ti = lax.axis_index("s")
        pltpu.sync_copy(i_hbm.at[ci, ti], sidx_v)
        base = ti * 5000
        pltpu.async_copy(t_hbm.at[sidx_v.at[0]], rows0, sem0)

        @pl.loop(0, 40, step=2)
        def _(j):
            pltpu.async_copy(t_hbm.at[sidx_v.at[j + 1]], rows1, sem1)
            pltpu.make_async_copy(t_hbm.at[sidx_v.at[0]], rows0, sem0).wait()
            pltpu.sync_copy(rows0, out_hbm.at[ci, pl.ds(base + j * KB, KB)])

            @pl.when(j + 2 < 40)
            def _():
                pltpu.async_copy(t_hbm.at[sidx_v.at[j + 2]], rows0, sem0)

            pltpu.make_async_copy(t_hbm.at[sidx_v.at[0]], rows1, sem1).wait()
            pltpu.sync_copy(rows1,
                            out_hbm.at[ci, pl.ds(base + (j + 1) * KB, KB)])

    return k(table, pcidx)



def tc_prep(cnt, x):
    def body(cnt_ref, x_ref, o_ref):
        c = cnt_ref[0, :, 0:1] + cnt_ref[1, :, 0:1]
        dis = lax.rsqrt(1.0 + c)
        xs = x_ref[...] * dis
        o_ref[...] = jnp.concatenate(
            [xs, dis, jnp.zeros((R, 13), f32)], axis=1)

    return pl.pallas_call(
        body,
        grid=(N // R,),
        in_specs=[pl.BlockSpec((2, R, 16), lambda i: (0, i, 0)),
                  pl.BlockSpec((R, 2), lambda i: (i, 0))],
        out_specs=pl.BlockSpec((R, 16), lambda i: (i, 0)),
        out_shape=jax.ShapeDtypeStruct((N, 16), f32),
    )(cnt, x)


def tc_conv1(scat1, xp, W_g1, b_g1):
    def body(s_ref, xp_ref, w_ref, b_ref, o_ref):
        tot = s_ref[0, :, 0:2] + s_ref[1, :, 0:2] + xp_ref[:, 0:2]
        dis = xp_ref[:, 2:3]
        agg = tot * dis
        hw = lax.dot_general(agg, w_ref[...], (((1,), (0,)), ((), ())),
                             preferred_element_type=f32)
        h = jax.nn.relu(hw + b_ref[...])
        hp = h * dis
        for c in range(4):
            o_ref[c] = hp[:, 32 * c:32 * c + 32]

    return pl.pallas_call(
        body,
        grid=(N // R,),
        in_specs=[pl.BlockSpec((2, R, 16), lambda i: (0, i, 0)),
                  pl.BlockSpec((R, 16), lambda i: (i, 0)),
                  pl.BlockSpec((2, H), lambda i: (0, 0)),
                  pl.BlockSpec((1, H), lambda i: (0, 0))],
        out_specs=pl.BlockSpec((4, R, 32), lambda i: (0, i, 0)),
        out_shape=jax.ShapeDtypeStruct((4, N, 32), f32),
    )(scat1, xp, W_g1, b_g1.reshape(1, H))


def tc_finalize(scat2, hp, xp, W_g2, b_g2):
    def body(s_ref, hp_ref, xp_ref, wg_ref, bg_ref, ag_ref, S_ref):
        dis = xp_ref[:, 2:3]
        parts = []
        for c in range(4):
            agc = (s_ref[c] + hp_ref[c]) * dis
            parts.append(lax.dot_general(
                agc, wg_ref[pl.ds(32 * c, 32), :],
                (((1,), (0,)), ((), ())), preferred_element_type=f32))
        xg = parts[0] + parts[1] + parts[2] + parts[3] + bg_ref[...]
        ag_ref[...] = xg
        S_ref[...] = jnp.sum(xg.reshape(R // NPG, NPG, H), axis=1,
                             keepdims=True)

    return pl.pallas_call(
        body,
        grid=(N // R,),
        in_specs=[pl.BlockSpec((4, R, 32), lambda i: (0, i, 0)),
                  pl.BlockSpec((4, R, 32), lambda i: (0, i, 0)),
                  pl.BlockSpec((R, 16), lambda i: (i, 0)),
                  pl.BlockSpec((H, H), lambda i: (0, 0)),
                  pl.BlockSpec((1, H), lambda i: (0, 0))],
        out_specs=[pl.BlockSpec((R, H), lambda i: (i, 0)),
                   pl.BlockSpec((R // NPG, 1, H), lambda i: (i, 0, 0))],
        out_shape=[jax.ShapeDtypeStruct((N, H), f32),
                   jax.ShapeDtypeStruct((B, 1, H), f32)],
    )(scat2, hp, xp, W_g2, b_g2.reshape(1, H))


def tc_main(x12, S, ns3, invd, incp, incc, A, AT, Ws1r, Wc1r,
            W_s2, b_s2, W_c2, b_c2, bs1, bc1, xiT):
    GB = 8
    MB = GB * M

    def body(x12_ref, S_ref, ns_ref, invd_ref, incp_ref, incc_ref,
             A_ref, AT_ref, Gs_ref, Gc_ref, Ws2_ref, bs2_ref, Wc2_ref,
             bc2_ref, bse_ref, bce_ref, xiT_ref, z_ref, zc_ref):
        dot = lambda a, b: lax.dot_general(
            a, b, (((1,), (0,)), ((), ())), preferred_element_type=f32)
        dotT = lambda a, b: lax.dot_general(
            a, b, (((1,), (1,)), ((), ())), preferred_element_type=f32)
        x1 = x12_ref[0]
        x2 = x12_ref[1]
        Sg = S_ref[:, 0, :]
        sg_term = dot(Sg, Gs_ref[2]) + bse_ref[...]
        cg_term = dot(Sg, Gc_ref[2]) + bce_ref[...]
        sg_full = jnp.repeat(sg_term, M, axis=0)
        cg_full = jnp.repeat(cg_term, M, axis=0)
        s_pre = dot(x1, Gs_ref[0]) + dot(x2, Gs_ref[1]) + sg_full
        sml = dot(jax.nn.relu(s_pre), Ws2_ref[...]) + bs2_ref[...]
        c_pre = dot(x1, Gc_ref[0]) + dot(x2, Gc_ref[1]) + cg_full
        cml = dot(jax.nn.relu(c_pre), Wc2_ref[...]) + bc2_ref[...]
        smlT = sml.T.reshape(4, GB, M)
        cmlT = cml.T.reshape(3, GB, M)
        ns = ns_ref[:, 0, :]
        jidx = lax.broadcasted_iota(i32, (GB, M), 1)
        mask = jidx >= (M - ns)
        one = jnp.ones((GB, M), f32)
        zero = jnp.zeros((GB, M), f32)
        graph_topo = jnp.where(mask, jax.nn.sigmoid(smlT[0]), one)
        p_flow = (jnp.where(mask, smlT[1], zero)
                  + jnp.where(mask, zero, cmlT[0]))
        vp = jnp.where(mask, smlT[2], zero) + jnp.where(mask, zero, cmlT[1])
        vcv = jnp.where(mask, smlT[3], zero) + jnp.where(mask, zero, cmlT[2])
        incp_all = incp_ref[...].reshape(GB * NPG, M)
        incc_all = incc_ref[...].reshape(GB * NPG, M)
        vfull = (dotT(vp, incp_all) + dotT(vcv, incc_all)).reshape(
            GB, GB, NPG)
        gsel = lax.broadcasted_iota(i32, (GB, GB, 1), 0) == \
            lax.broadcasted_iota(i32, (GB, GB, 1), 1)
        vsum = jnp.sum(jnp.where(gsel, vfull, 0.0), axis=0)
        v = invd_ref[:, 0, :] * vsum
        lidx = lax.broadcasted_iota(i32, (GB, NPG), 1)
        v = jnp.where(lidx == 0, jnp.float32(1.0), v)
        pfc = p_flow * graph_topo
        qfc = dot(v, A_ref[...]) * graph_topo
        pg = xiT_ref[:, 0, :] + dot(pfc, AT_ref[...])
        qg = xiT_ref[:, 1, :] + dot(qfc, AT_ref[...])
        z_ref[:, 0, 0:M] = pfc
        z_ref[:, 0, M:M + NPG] = v
        z_ref[:, 0, M + NPG:M + NPG + M] = graph_topo
        zc_ref[:, 0, 0:M] = qfc
        zc_ref[:, 0, M:M + NPG] = pg
        zc_ref[:, 0, M + NPG:M + 2 * NPG] = qg

    return pl.pallas_call(
        body,
        grid=(B // GB,),
        in_specs=[pl.BlockSpec((2, MB, H), lambda g: (0, g, 0)),
                  pl.BlockSpec((GB, 1, H), lambda g: (g, 0, 0)),
                  pl.BlockSpec((GB, 1, 1), lambda g: (g, 0, 0)),
                  pl.BlockSpec((GB, 1, NPG), lambda g: (g, 0, 0)),
                  pl.BlockSpec((GB, NPG, M), lambda g: (g, 0, 0)),
                  pl.BlockSpec((GB, NPG, M), lambda g: (g, 0, 0)),
                  pl.BlockSpec((NPG, M), lambda g: (0, 0)),
                  pl.BlockSpec((M, NPG), lambda g: (0, 0)),
                  pl.BlockSpec((3, H, 4 * H), lambda g: (0, 0, 0)),
                  pl.BlockSpec((3, H, 3 * H), lambda g: (0, 0, 0)),
                  pl.BlockSpec((4 * H, 4), lambda g: (0, 0)),
                  pl.BlockSpec((1, 4), lambda g: (0, 0)),
                  pl.BlockSpec((3 * H, 3), lambda g: (0, 0)),
                  pl.BlockSpec((1, 3), lambda g: (0, 0)),
                  pl.BlockSpec((1, 4 * H), lambda g: (0, 0)),
                  pl.BlockSpec((1, 3 * H), lambda g: (0, 0)),
                  pl.BlockSpec((GB, 2, NPG), lambda g: (g, 0, 0))],
        out_specs=[pl.BlockSpec((GB, 1, 2 * M + NPG), lambda g: (g, 0, 0)),
                   pl.BlockSpec((GB, 1, M + 2 * NPG), lambda g: (g, 0, 0))],
        out_shape=[jax.ShapeDtypeStruct((B, 1, 2 * M + NPG), f32),
                   jax.ShapeDtypeStruct((B, 1, M + 2 * NPG), f32)],
    )(x12, S, ns3, invd, incp, incc, A, AT, Ws1r, Wc1r,
      W_s2, b_s2.reshape(1, 4), W_c2, b_c2.reshape(1, 3), bs1, bc1,
      xiT)


def kernel(x, edge_index, numSwitches, inv_degree, inc_parents, inc_childs, A,
           W_g1, b_g1, W_g2, b_g2, W_s1, b_s1, W_s2, b_s2, W_c1, b_c1,
           W_c2, b_c2):
    e0 = edge_index[0].astype(i32)
    e1 = edge_index[1].astype(i32)
    s12 = e0.reshape(2, 16, 40, KB)
    d12 = e1.reshape(2, 16, 40, KB)
    d3 = e1.reshape(16, 80, KB)
    s3 = e0.reshape(16, 80, KB)
    er = e0.reshape(B, 2 * M)
    pcidx = jnp.stack([er[:, :M].reshape(-1),
                       er[:, M:].reshape(-1)]).reshape(2, 16, 40, KB)
    zeros16 = jnp.zeros((STRIPE, 16), f32)
    zeros32 = jnp.zeros((STRIPE, 32), f32)
    ones_src = jnp.ones((KB, 16), f32)

    cnt = sc_count(d12, zeros16, ones_src)
    xp = tc_prep(cnt, x)
    scat1 = sc_scatter16(s12, d12, xp, zeros16)
    hp = tc_conv1(scat1, xp, W_g1, b_g1)
    scat2 = sc_conv2(s3, d3, hp, zeros32)
    ag, S = tc_finalize(scat2.reshape(4, NP, 32), hp, xp, W_g2, b_g2)
    x12 = sc_gather(ag, pcidx)

    ns3 = numSwitches.astype(i32).reshape(B, 1, 1)
    invd = inv_degree.reshape(B, 1, NPG)
    xiT = x.reshape(B, NPG, 2).transpose(0, 2, 1)
    z, zc = tc_main(x12, S, ns3, invd, inc_parents, inc_childs, A, A.T,
                    W_s1.reshape(3, H, 4 * H), W_c1.reshape(3, H, 3 * H),
                    W_s2, b_s2, W_c2, b_c2,
                    b_s1.reshape(1, 4 * H), b_c1.reshape(1, 3 * H), xiT)
    return (z.reshape(B, 2 * M + NPG), zc.reshape(B, M + 2 * NPG))

# --- scband reference (transcript-rebuilt; emitter-appended) ---
"""Pipeline reference for scband-gcn-local-mlp-13726715478779 (READ-ONLY COPY).

The authoritative reference and input builder live on the scoring server;
editing this copy changes nothing except your own understanding.
"""

import jax, jax.numpy as jnp
import numpy as np

B = 200
NPG = 250
M = 400
N = B * NPG
E = 2 * M * B
H = 128
FIN = 2


def gcn_conv(x, src, dst, W, b, n):
    sl = jnp.arange(n)
    s = jnp.concatenate([src, sl])
    d = jnp.concatenate([dst, sl])
    deg = jax.ops.segment_sum(jnp.ones(s.shape[0], dtype=x.dtype), d, num_segments=n)
    dis = 1.0 / jnp.sqrt(jnp.maximum(deg, 1.0))
    norm = dis[s] * dis[d]
    msg = x[s] * norm[:, None]
    agg = jax.ops.segment_sum(msg, d, num_segments=n)
    return agg @ W + b


def setup_inputs(seed: int = 0) -> dict:
    key = jax.random.key(seed)
    ks = jax.random.split(key, 24)
    inp = {}
    inp["x"] = jax.random.normal(ks[0], (N, FIN), dtype=jnp.float32)
    inp["edge_index"] = jax.random.randint(ks[1], (2, E), 0, N)
    inp["numSwitches"] = jax.random.randint(ks[2], (B,), 0, M)
    inp["inv_degree"] = jax.random.uniform(ks[3], (B, NPG), dtype=jnp.float32)
    inp["inc_parents"] = jax.random.normal(ks[4], (B, NPG, M), dtype=jnp.float32)
    inp["inc_childs"] = jax.random.normal(ks[5], (B, NPG, M), dtype=jnp.float32)
    inp["A"] = jax.random.normal(ks[6], (NPG, M), dtype=jnp.float32)
    def w(k, shape):
        return jax.random.normal(k, shape, dtype=jnp.float32) / np.sqrt(shape[0])
    inp["W_g1"] = w(ks[7], (FIN, H)); inp["b_g1"] = jnp.zeros((H,), jnp.float32)
    inp["W_g2"] = w(ks[8], (H, H)); inp["b_g2"] = jnp.zeros((H,), jnp.float32)
    inp["W_s1"] = w(ks[9], (3 * H, 4 * H)); inp["b_s1"] = jnp.zeros((4 * H,), jnp.float32)
    inp["W_s2"] = w(ks[10], (4 * H, 4)); inp["b_s2"] = jnp.zeros((4,), jnp.float32)
    inp["W_c1"] = w(ks[11], (3 * H, 3 * H)); inp["b_c1"] = jnp.zeros((3 * H,), jnp.float32)
    inp["W_c2"] = w(ks[12], (3 * H, 3)); inp["b_c2"] = jnp.zeros((3,), jnp.float32)
    return inp


def reference(x, edge_index, numSwitches, inv_degree, inc_parents, inc_childs, A,
              W_g1, b_g1, W_g2, b_g2, W_s1, b_s1, W_s2, b_s2, W_c1, b_c1, W_c2, b_c2):
    n = x.shape[0]
    src, dst = edge_index[0], edge_index[1]
    h = jax.nn.relu(gcn_conv(x, src, dst, W_g1, b_g1, n))
    xg = gcn_conv(h, src, dst, W_g2, b_g2, n)
    x_input = x.reshape(B, -1, 2)
    mask = jnp.arange(M)[None, :] >= (M - numSwitches[:, None])
    x_nn = xg.reshape(B, -1, xg.shape[1])
    edges = edge_index[0].reshape(B, -1)
    half = edges.shape[1] // 2
    parent_edges = edges[:, :half]
    child_edges = edges[:, half:]
    x_g = jnp.sum(x_nn, axis=1)
    x1 = xg[parent_edges]
    x2 = xg[child_edges]
    xg_ext = jnp.broadcast_to(x_g[:, None, :], (B, half, x_g.shape[1]))
    mlp_in = jnp.concatenate([x1, x2, xg_ext], axis=2).reshape(B * half, -1)
    smlp_out = (jax.nn.relu(mlp_in @ W_s1 + b_s1) @ W_s2 + b_s2).reshape(B, half, 4)
    p_switch = jax.nn.sigmoid(smlp_out[:, :, 0])
    ones_bm = jnp.ones((B, M), dtype=x.dtype)
    zeros_bm = jnp.zeros((B, M), dtype=x.dtype)
    graph_topo = jnp.where(mask, p_switch, ones_bm)
    ps_flow = jnp.where(mask, smlp_out[:, :, 1], zeros_bm)
    vs_parent = jnp.where(mask, smlp_out[:, :, 2], zeros_bm)
    vs_child = jnp.where(mask, smlp_out[:, :, 3], zeros_bm)
    cmlp_out = (jax.nn.relu(mlp_in @ W_c1 + b_c1) @ W_c2 + b_c2).reshape(B, half, 3)
    pc_flow = jnp.where(mask, zeros_bm, cmlp_out[:, :, 0])
    vc_parent = jnp.where(mask, zeros_bm, cmlp_out[:, :, 1])
    vc_child = jnp.where(mask, zeros_bm, cmlp_out[:, :, 2])
    p_flow = ps_flow + pc_flow
    vp = (vc_parent + vs_parent)[:, :, None]
    vc = (vc_child + vs_child)[:, :, None]
    v = (inv_degree[:, :, None] * (inc_parents @ vp) + inv_degree[:, :, None] * (inc_childs @ vc)).squeeze(-1)
    v = v.at[:, 0].set(1.0)
    pfc = p_flow * graph_topo
    qfc = (v @ A) * graph_topo
    pg = x_input[:, :, 0] + pfc @ A.T
    qg = x_input[:, :, 1] + qfc @ A.T
    z = jnp.concatenate([pfc, v, graph_topo], axis=1)
    zc = jnp.concatenate([qfc, pg, qg], axis=1)
    return (z, zc)

if __name__ == "__main__":
    import jax
    _d = setup_inputs()
    print(jax.jit(kernel)(*tuple(_d.values())))

</pallas_src>

<mosaic_0001>
#map = affine_map<(d0, d1) -> (0, 0, 0)>
#map1 = affine_map<(d0, d1) -> (0, 0)>
#map2 = affine_map<(d0, d1) -> (0, 0, 0, 0)>
module attributes {stable_mosaic.version = 14 : i64} {
  func.func @k(%arg0: i32, %arg1: i32, %arg2: memref<16x80x125xi32, #tpu.memory_space<hbm>>, %arg3: memref<16x80x125xi32, #tpu.memory_space<hbm>>, %arg4: memref<4x50000x32xf32, #tpu.memory_space<hbm>>, %arg5: memref<3128x32xf32, #tpu.memory_space<hbm>>, %arg6: memref<2x2x50048x32xf32, #tpu.memory_space<hbm>>, %arg7: memref<80x125xi32, #tpu.memory_space<vmem>>, %arg8: memref<80x125xi32, #tpu.memory_space<vmem>>, %arg9: memref<125x32xf32, #tpu.memory_space<vmem>>, %arg10: memref<125x32xf32, #tpu.memory_space<vmem>>, %arg11: memref<50048x32xf32, #tpu.memory_space<vmem_shared>>, %arg12: memref<!tpu.dma_semaphore, #tpu.memory_space<semaphore_mem>>, %arg13: memref<!tpu.dma_semaphore, #tpu.memory_space<semaphore_mem>>) attributes {dimension_semantics = [#tpu.dimension_semantics<core_parallel>, #tpu.dimension_semantics<subcore_parallel>], iteration_bounds = array<i64: 2, 16>, scalar_prefetch = 0 : i64, scratch_operands = 7 : i64, tpu.core_type = #tpu.core_type<sc_vector_subcore>, window_params = [{transform_indices = #map}, {transform_indices = #map}, {transform_indices = #map}, {transform_indices = #map1}, {transform_indices = #map2}]} {
    "tpu.region"() ({
      %run_scoped3A = tpu.sem_alloc : memref<!tpu.dma_semaphore, #tpu.memory_space<semaphore_mem>>
      %dma_start3A = arith.constant 0 : i32
      %dma_start3A_21 = arith.constant 0 : i32
      %dma_start3A_22 = tpu.memref_slice %arg3[%arg1, %dma_start3A, %dma_start3A_21] : memref<16x80x125xi32, #tpu.memory_space<hbm>> -> memref<1x80x125xi32, #tpu.memory_space<hbm>>
      %dma_start3A_23 = tpu.memref_squeeze %dma_start3A_22 : memref<1x80x125xi32, #tpu.memory_space<hbm>> -> memref<80x125xi32, #tpu.memory_space<hbm>>
      %dma_start3A_24 = arith.constant 0 : i32
      %dma_start3A_25 = arith.constant 0 : i32
      %dma_start3A_26 = tpu.memref_slice %arg3[%arg1, %dma_start3A_24, %dma_start3A_25] : memref<16x80x125xi32, #tpu.memory_space<hbm>> -> memref<1x80x125xi32, #tpu.memory_space<hbm>>
      %dma_start3A_27 = tpu.memref_squeeze %dma_start3A_26 : memref<1x80x125xi32, #tpu.memory_space<hbm>> -> memref<80x125xi32, #tpu.memory_space<hbm>>
      tpu.enqueue_dma source(%dma_start3A_27 : memref<80x125xi32, #tpu.memory_space<hbm>>) target(%arg8 : memref<80x125xi32, #tpu.memory_space<vmem>>) target_semaphore(%run_scoped3A : memref<!tpu.dma_semaphore, #tpu.memory_space<semaphore_mem>>)
      %dma_wait3A = arith.constant 0 : i32
      %dma_wait3A_28 = arith.constant 0 : i32
      %dma_wait3A_29 = tpu.memref_slice %arg3[%arg1, %dma_wait3A, %dma_wait3A_28] : memref<16x80x125xi32, #tpu.memory_space<hbm>> -> memref<1x80x125xi32, #tpu.memory_space<hbm>>
      %dma_wait3A_30 = tpu.memref_squeeze %dma_wait3A_29 : memref<1x80x125xi32, #tpu.memory_space<hbm>> -> memref<80x125xi32, #tpu.memory_space<hbm>>
      %dma_wait3A_31 = arith.constant 0 : i32
      %dma_wait3A_32 = arith.constant 0 : i32
      %dma_wait3A_33 = tpu.memref_slice %arg3[%arg1, %dma_wait3A_31, %dma_wait3A_32] : memref<16x80x125xi32, #tpu.memory_space<hbm>> -> memref<1x80x125xi32, #tpu.memory_space<hbm>>
      %dma_wait3A_34 = tpu.memref_squeeze %dma_wait3A_33 : memref<1x80x125xi32, #tpu.memory_space<hbm>> -> memref<80x125xi32, #tpu.memory_space<hbm>>
      tpu.wait_dma2 semaphore(%run_scoped3A : memref<!tpu.dma_semaphore, #tpu.memory_space<semaphore_mem>>) src(%dma_wait3A_34 : memref<80x125xi32, #tpu.memory_space<hbm>>) dst(%arg8 : memref<80x125xi32, #tpu.memory_space<vmem>>)
      tpu.yield
    }) : () -> ()
    "tpu.region"() ({
      %run_scoped3A = tpu.sem_alloc : memref<!tpu.dma_semaphore, #tpu.memory_space<semaphore_mem>>
      %dma_start3A = arith.constant 0 : i32
      %dma_start3A_21 = arith.constant 0 : i32
      %dma_start3A_22 = tpu.memref_slice %arg2[%arg1, %dma_start3A, %dma_start3A_21] : memref<16x80x125xi32, #tpu.memory_space<hbm>> -> memref<1x80x125xi32, #tpu.memory_space<hbm>>
      %dma_start3A_23 = tpu.memref_squeeze %dma_start3A_22 : memref<1x80x125xi32, #tpu.memory_space<hbm>> -> memref<80x125xi32, #tpu.memory_space<hbm>>
      %dma_start3A_24 = arith.constant 0 : i32
      %dma_start3A_25 = arith.constant 0 : i32
      %dma_start3A_26 = tpu.memref_slice %arg2[%arg1, %dma_start3A_24, %dma_start3A_25] : memref<16x80x125xi32, #tpu.memory_space<hbm>> -> memref<1x80x125xi32, #tpu.memory_space<hbm>>
      %dma_start3A_27 = tpu.memref_squeeze %dma_start3A_26 : memref<1x80x125xi32, #tpu.memory_space<hbm>> -> memref<80x125xi32, #tpu.memory_space<hbm>>
      tpu.enqueue_dma source(%dma_start3A_27 : memref<80x125xi32, #tpu.memory_space<hbm>>) target(%arg7 : memref<80x125xi32, #tpu.memory_space<vmem>>) target_semaphore(%run_scoped3A : memref<!tpu.dma_semaphore, #tpu.memory_space<semaphore_mem>>)
      %dma_wait3A = arith.constant 0 : i32
      %dma_wait3A_28 = arith.constant 0 : i32
      %dma_wait3A_29 = tpu.memref_slice %arg2[%arg1, %dma_wait3A, %dma_wait3A_28] : memref<16x80x125xi32, #tpu.memory_space<hbm>> -> memref<1x80x125xi32, #tpu.memory_space<hbm>>
      %dma_wait3A_30 = tpu.memref_squeeze %dma_wait3A_29 : memref<1x80x125xi32, #tpu.memory_space<hbm>> -> memref<80x125xi32, #tpu.memory_space<hbm>>
      %dma_wait3A_31 = arith.constant 0 : i32
      %dma_wait3A_32 = arith.constant 0 : i32
      %dma_wait3A_33 = tpu.memref_slice %arg2[%arg1, %dma_wait3A_31, %dma_wait3A_32] : memref<16x80x125xi32, #tpu.memory_space<hbm>> -> memref<1x80x125xi32, #tpu.memory_space<hbm>>
      %dma_wait3A_34 = tpu.memref_squeeze %dma_wait3A_33 : memref<1x80x125xi32, #tpu.memory_space<hbm>> -> memref<80x125xi32, #tpu.memory_space<hbm>>
      tpu.wait_dma2 semaphore(%run_scoped3A : memref<!tpu.dma_semaphore, #tpu.memory_space<semaphore_mem>>) src(%dma_wait3A_34 : memref<80x125xi32, #tpu.memory_space<hbm>>) dst(%arg7 : memref<80x125xi32, #tpu.memory_space<vmem>>)
      tpu.yield
    }) : () -> ()
    %eq3A = arith.constant 0 : i32
    %eq3A_0 = arith.cmpi eq, %arg0, %eq3A : i32
    %convert_element_type3A = arith.extui %eq3A_0 : i1 to i32
    %cond3A = arith.constant 0 : i32
    %cond3A_1 = arith.constant 0 : i32
    %cond3A_2 = arith.cmpi ne, %convert_element_type3A, %cond3A_1 : i32
    scf.if %cond3A_2 {
      %mul3A = arith.constant 3128 : i32
      %mul3A_21 = arith.muli %arg1, %mul3A : i32
      "tpu.region"() ({
        %run_scoped3A_41 = tpu.sem_alloc : memref<!tpu.dma_semaphore, #tpu.memory_space<semaphore_mem>>
        %dma_start3A_42 = arith.constant 0 : i32
        %dma_start3A_43 = tpu.memref_slice %arg11[%mul3A_21, %dma_start3A_42] : memref<50048x32xf32, #tpu.memory_space<vmem_shared>> -> memref<3128x32xf32, #tpu.memory_space<vmem_shared>>
        tpu.enqueue_dma source(%arg5 : memref<3128x32xf32, #tpu.memory_space<hbm>>) target(%dma_start3A_43 : memref<3128x32xf32, #tpu.memory_space<vmem_shared>>) target_semaphore(%run_scoped3A_41 : memref<!tpu.dma_semaphore, #tpu.memory_space<semaphore_mem>>)
        %dma_wait3A = arith.constant 0 : i32
        %dma_wait3A_44 = tpu.memref_slice %arg11[%mul3A_21, %dma_wait3A] : memref<50048x32xf32, #tpu.memory_space<vmem_shared>> -> memref<3128x32xf32, #tpu.memory_space<vmem_shared>>
        tpu.wait_dma2 semaphore(%run_scoped3A_41 : memref<!tpu.dma_semaphore, #tpu.memory_space<semaphore_mem>>) src(%arg5 : memref<3128x32xf32, #tpu.memory_space<hbm>>) dst(%dma_wait3A_44 : memref<3128x32xf32, #tpu.memory_space<vmem_shared>>)
        tpu.yield
      }) : () -> ()
      %barrier3A = arith.constant 0 : index
      tpu.barrier barrier_id(%barrier3A)
      %dma_start3A = arith.constant 0 : i32
      %dma_start3A_22 = arith.constant 0 : i32
      %dma_start3A_23 = tpu.memref_slice %arg7[%dma_start3A, %dma_start3A_22] : memref<80x125xi32, #tpu.memory_space<vmem>> -> memref<1x125xi32, #tpu.memory_space<vmem>>
      %dma_start3A_24 = tpu.memref_squeeze %dma_start3A_23 : memref<1x125xi32, #tpu.memory_space<vmem>> -> memref<125xi32, #tpu.memory_space<vmem>>
      %dma_start3A_25 = arith.constant 0 : i32
      %dma_start3A_26 = arith.constant 0 : i32
      %dma_start3A_27 = tpu.memref_slice %arg4[%cond3A, %dma_start3A_25, %dma_start3A_26] : memref<4x50000x32xf32, #tpu.memory_space<hbm>> -> memref<1x50000x32xf32, #tpu.memory_space<hbm>>
      %dma_start3A_28 = tpu.memref_squeeze %dma_start3A_27 : memref<1x50000x32xf32, #tpu.memory_space<hbm>> -> memref<50000x32xf32, #tpu.memory_space<hbm>>
      %dma_start3A_29 = arith.constant 0 : i32
      %dma_start3A_30 = arith.constant 0 : i32
      %dma_start3A_31 = tpu.memref_slice %dma_start3A_28[%dma_start3A_29, %dma_start3A_30] : memref<50000x32xf32, #tpu.memory_space<hbm>> -> memref<50000x32xf32, #tpu.memory_space<hbm>>
      tpu.enqueue_indirect_dma source(%dma_start3A_31 : memref<50000x32xf32, #tpu.memory_space<hbm>>) target(%arg9 : memref<125x32xf32, #tpu.memory_space<vmem>>) offsets(%dma_start3A_24 : memref<125xi32, #tpu.memory_space<vmem>>) semaphore(%arg12 : memref<!tpu.dma_semaphore, #tpu.memory_space<semaphore_mem>>)
      %scan3A = arith.constant 0 : i32
      %scan3A_32 = arith.constant 40 : i32
      %scan3A_33 = arith.addi %scan3A, %scan3A_32 : i32
      %scan3A_34 = arith.constant 1 : i32
      scf.for %scan3A_41 = %scan3A to %scan3A_33 step %scan3A_34  : i32 {
        %mul3A_42 = arith.constant 2 : i32
        %mul3A_43 = arith.muli %scan3A_41, %mul3A_42 : i32
        %add3A = arith.constant 0 : i32
        %add3A_44 = arith.addi %add3A, %mul3A_43 : i32
        %add3A_45 = arith.constant 1 : i32
        %add3A_46 = arith.addi %add3A_44, %add3A_45 : i32
        %dma_start3A_47 = arith.constant 0 : i32
        %dma_start3A_48 = tpu.memref_slice %arg7[%add3A_46, %dma_start3A_47] : memref<80x125xi32, #tpu.memory_space<vmem>> -> memref<1x125xi32, #tpu.memory_space<vmem>>
        %dma_start3A_49 = tpu.memref_squeeze %dma_start3A_48 : memref<1x125xi32, #tpu.memory_space<vmem>> -> memref<125xi32, #tpu.memory_space<vmem>>
        %dma_start3A_50 = arith.constant 0 : i32
        %dma_start3A_51 = arith.constant 0 : i32
        %dma_start3A_52 = tpu.memref_slice %arg4[%cond3A, %dma_start3A_50, %dma_start3A_51] : memref<4x50000x32xf32, #tpu.memory_space<hbm>> -> memref<1x50000x32xf32, #tpu.memory_space<hbm>>
        %dma_start3A_53 = tpu.memref_squeeze %dma_start3A_52 : memref<1x50000x32xf32, #tpu.memory_space<hbm>> -> memref<50000x32xf32, #tpu.memory_space<hbm>>
        %dma_start3A_54 = arith.constant 0 : i32
        %dma_start3A_55 = arith.constant 0 : i32
        %dma_start3A_56 = tpu.memref_slice %dma_start3A_53[%dma_start3A_54, %dma_start3A_55] : memref<50000x32xf32, #tpu.memory_space<hbm>> -> memref<50000x32xf32, #tpu.memory_space<hbm>>
        tpu.enqueue_indirect_dma source(%dma_start3A_56 : memref<50000x32xf32, #tpu.memory_space<hbm>>) target(%arg10 : memref<125x32xf32, #tpu.memory_space<vmem>>) offsets(%dma_start3A_49 : memref<125xi32, #tpu.memory_space<vmem>>) semaphore(%arg13 : memref<!tpu.dma_semaphore, #tpu.memory_space<semaphore_mem>>)
        %dma_wait3A = arith.constant 0 : i32
        %dma_wait3A_57 = arith.constant 0 : i32
        %dma_wait3A_58 = tpu.memref_slice %arg7[%dma_wait3A, %dma_wait3A_57] : memref<80x125xi32, #tpu.memory_space<vmem>> -> memref<1x125xi32, #tpu.memory_space<vmem>>
        %dma_wait3A_59 = tpu.memref_squeeze %dma_wait3A_58 : memref<1x125xi32, #tpu.memory_space<vmem>> -> memref<125xi32, #tpu.memory_space<vmem>>
        %dma_wait3A_60 = arith.constant 0 : i32
        %dma_wait3A_61 = arith.constant 0 : i32
        %dma_wait3A_62 = tpu.memref_slice %arg4[%cond3A, %dma_wait3A_60, %dma_wait3A_61] : memref<4x50000x32xf32, #tpu.memory_space<hbm>> -> memref<1x50000x32xf32, #tpu.memory_space<hbm>>
        %dma_wait3A_63 = tpu.memref_squeeze %dma_wait3A_62 : memref<1x50000x32xf32, #tpu.memory_space<hbm>> -> memref<50000x32xf32, #tpu.memory_space<hbm>>
        %dma_wait3A_64 = arith.constant 0 : i32
        %dma_wait3A_65 = arith.constant 0 : i32
        %dma_wait3A_66 = tpu.memref_slice %dma_wait3A_63[%dma_wait3A_64, %dma_wait3A_65] : memref<50000x32xf32, #tpu.memory_space<hbm>> -> memref<50000x32xf32, #tpu.memory_space<hbm>>
        tpu.wait_indirect_dma semaphore(%arg12 : memref<!tpu.dma_semaphore, #tpu.memory_space<semaphore_mem>>) src(%dma_wait3A_66 : memref<50000x32xf32, #tpu.memory_space<hbm>>) dst(%arg9 : memref<125x32xf32, #tpu.memory_space<vmem>>)
        "tpu.region"() ({
          %run_scoped3A_86 = tpu.sem_alloc : memref<!tpu.dma_semaphore, #tpu.memory_space<semaphore_mem>>
          %dma_start3A_87 = arith.constant 0 : i32
          %dma_start3A_88 = tpu.memref_slice %arg8[%add3A_44, %dma_start3A_87] : memref<80x125xi32, #tpu.memory_space<vmem>> -> memref<1x125xi32, #tpu.memory_space<vmem>>
          %dma_start3A_89 = tpu.memref_squeeze %dma_start3A_88 : memref<1x125xi32, #tpu.memory_space<vmem>> -> memref<125xi32, #tpu.memory_space<vmem>>
          %dma_start3A_90 = arith.constant 0 : i32
          %dma_start3A_91 = arith.constant 0 : i32
          %dma_start3A_92 = tpu.memref_slice %arg11[%dma_start3A_90, %dma_start3A_91] : memref<50048x32xf32, #tpu.memory_space<vmem_shared>> -> memref<50048x32xf32, #tpu.memory_space<vmem_shared>>
          tpu.enqueue_indirect_dma source(%arg9 : memref<125x32xf32, #tpu.memory_space<vmem>>) target(%dma_start3A_92 : memref<50048x32xf32, #tpu.memory_space<vmem_shared>>) offsets(%dma_start3A_89 : memref<125xi32, #tpu.memory_space<vmem>>) semaphore(%run_scoped3A_86 : memref<!tpu.dma_semaphore, #tpu.memory_space<semaphore_mem>>) {add = true}
          %dma_wait3A_93 = arith.constant 0 : i32
          %dma_wait3A_94 = tpu.memref_slice %arg8[%add3A_44, %dma_wait3A_93] : memref<80x125xi32, #tpu.memory_space<vmem>> -> memref<1x125xi32, #tpu.memory_space<vmem>>
          %dma_wait3A_95 = tpu.memref_squeeze %dma_wait3A_94 : memref<1x125xi32, #tpu.memory_space<vmem>> -> memref<125xi32, #tpu.memory_space<vmem>>
          %dma_wait3A_96 = arith.constant 0 : i32
          %dma_wait3A_97 = arith.constant 0 : i32
          %dma_wait3A_98 = tpu.memref_slice %arg11[%dma_wait3A_96, %dma_wait3A_97] : memref<50048x32xf32, #tpu.memory_space<vmem_shared>> -> memref<50048x32xf32, #tpu.memory_space<vmem_shared>>
          tpu.wait_indirect_dma semaphore(%run_scoped3A_86 : memref<!tpu.dma_semaphore, #tpu.memory_space<semaphore_mem>>) src(%arg9 : memref<125x32xf32, #tpu.memory_space<vmem>>) dst(%dma_wait3A_98 : memref<50048x32xf32, #tpu.memory_space<vmem_shared>>)
          tpu.yield
        }) : () -> ()
        %add3A_67 = arith.constant 2 : i32
        %add3A_68 = arith.addi %add3A_44, %add3A_67 : i32
        %lt3A = arith.constant 80 : i32
        %lt3A_69 = arith.cmpi slt, %add3A_68, %lt3A : i32
        %convert_element_type3A_70 = arith.extui %lt3A_69 : i1 to i32
        %cond3A_71 = arith.constant 0 : i32
        %cond3A_72 = arith.cmpi ne, %convert_element_type3A_70, %cond3A_71 : i32
        scf.if %cond3A_72 {
          %add3A_86 = arith.constant 2 : i32
          %add3A_87 = arith.addi %add3A_44, %add3A_86 : i32
          %dma_start3A_88 = arith.constant 0 : i32
          %dma_start3A_89 = tpu.memref_slice %arg7[%add3A_87, %dma_start3A_88] : memref<80x125xi32, #tpu.memory_space<vmem>> -> memref<1x125xi32, #tpu.memory_space<vmem>>
          %dma_start3A_90 = tpu.memref_squeeze %dma_start3A_89 : memref<1x125xi32, #tpu.memory_space<vmem>> -> memref<125xi32, #tpu.memory_space<vmem>>
          %dma_start3A_91 = arith.constant 0 : i32
          %dma_start3A_92 = arith.constant 0 : i32
          %dma_start3A_93 = tpu.memref_slice %arg4[%cond3A, %dma_start3A_91, %dma_start3A_92] : memref<4x50000x32xf32, #tpu.memory_space<hbm>> -> memref<1x50000x32xf32, #tpu.memory_space<hbm>>
          %dma_start3A_94 = tpu.memref_squeeze %dma_start3A_93 : memref<1x50000x32xf32, #tpu.memory_space<hbm>> -> memref<50000x32xf32, #tpu.memory_space<hbm>>
          %dma_start3A_95 = arith.constant 0 : i32
          %dma_start3A_96 = arith.constant 0 : i32
          %dma_start3A_97 = tpu.memref_slice %dma_start3A_94[%dma_start3A_95, %dma_start3A_96] : memref<50000x32xf32, #tpu.memory_space<hbm>> -> memref<50000x32xf32, #tpu.memory_space<hbm>>
          tpu.enqueue_indirect_dma source(%dma_start3A_97 : memref<50000x32xf32, #tpu.memory_space<hbm>>) target(%arg9 : memref<125x32xf32, #tpu.memory_space<vmem>>) offsets(%dma_start3A_90 : memref<125xi32, #tpu.memory_space<vmem>>) semaphore(%arg12 : memref<!tpu.dma_semaphore, #tpu.memory_space<semaphore_mem>>)
        } else {
        }
        %dma_wait3A_73 = arith.constant 0 : i32
        %dma_wait3A_74 = arith.constant 0 : i32
        %dma_wait3A_75 = tpu.memref_slice %arg7[%dma_wait3A_73, %dma_wait3A_74] : memref<80x125xi32, #tpu.memory_space<vmem>> -> memref<1x125xi32, #tpu.memory_space<vmem>>
        %dma_wait3A_76 = tpu.memref_squeeze %dma_wait3A_75 : memref<1x125xi32, #tpu.memory_space<vmem>> -> memref<125xi32, #tpu.memory_space<vmem>>
        %dma_wait3A_77 = arith.constant 0 : i32
        %dma_wait3A_78 = arith.constant 0 : i32
        %dma_wait3A_79 = tpu.memref_slice %arg4[%cond3A, %dma_wait3A_77, %dma_wait3A_78] : memref<4x50000x32xf32, #tpu.memory_space<hbm>> -> memref<1x50000x32xf32, #tpu.memory_space<hbm>>
        %dma_wait3A_80 = tpu.memref_squeeze %dma_wait3A_79 : memref<1x50000x32xf32, #tpu.memory_space<hbm>> -> memref<50000x32xf32, #tpu.memory_space<hbm>>
        %dma_wait3A_81 = arith.constant 0 : i32
        %dma_wait3A_82 = arith.constant 0 : i32
        %dma_wait3A_83 = tpu.memref_slice %dma_wait3A_80[%dma_wait3A_81, %dma_wait3A_82] : memref<50000x32xf32, #tpu.memory_space<hbm>> -> memref<50000x32xf32, #tpu.memory_space<hbm>>
        tpu.wait_indirect_dma semaphore(%arg13 : memref<!tpu.dma_semaphore, #tpu.memory_space<semaphore_mem>>) src(%dma_wait3A_83 : memref<50000x32xf32, #tpu.memory_space<hbm>>) dst(%arg10 : memref<125x32xf32, #tpu.memory_space<vmem>>)
        %add3A_84 = arith.constant 1 : i32
        %add3A_85 = arith.addi %add3A_44, %add3A_84 : i32
        "tpu.region"() ({
          %run_scoped3A_86 = tpu.sem_alloc : memref<!tpu.dma_semaphore, #tpu.memory_space<semaphore_mem>>
          %dma_start3A_87 = arith.constant 0 : i32
          %dma_start3A_88 = tpu.memref_slice %arg8[%add3A_85, %dma_start3A_87] : memref<80x125xi32, #tpu.memory_space<vmem>> -> memref<1x125xi32, #tpu.memory_space<vmem>>
          %dma_start3A_89 = tpu.memref_squeeze %dma_start3A_88 : memref<1x125xi32, #tpu.memory_space<vmem>> -> memref<125xi32, #tpu.memory_space<vmem>>
          %dma_start3A_90 = arith.constant 0 : i32
          %dma_start3A_91 = arith.constant 0 : i32
          %dma_start3A_92 = tpu.memref_slice %arg11[%dma_start3A_90, %dma_start3A_91] : memref<50048x32xf32, #tpu.memory_space<vmem_shared>> -> memref<50048x32xf32, #tpu.memory_space<vmem_shared>>
          tpu.enqueue_indirect_dma source(%arg10 : memref<125x32xf32, #tpu.memory_space<vmem>>) target(%dma_start3A_92 : memref<50048x32xf32, #tpu.memory_space<vmem_shared>>) offsets(%dma_start3A_89 : memref<125xi32, #tpu.memory_space<vmem>>) semaphore(%run_scoped3A_86 : memref<!tpu.dma_semaphore, #tpu.memory_space<semaphore_mem>>) {add = true}
          %dma_wait3A_93 = arith.constant 0 : i32
          %dma_wait3A_94 = tpu.memref_slice %arg8[%add3A_85, %dma_wait3A_93] : memref<80x125xi32, #tpu.memory_space<vmem>> -> memref<1x125xi32, #tpu.memory_space<vmem>>
          %dma_wait3A_95 = tpu.memref_squeeze %dma_wait3A_94 : memref<1x125xi32, #tpu.memory_space<vmem>> -> memref<125xi32, #tpu.memory_space<vmem>>
          %dma_wait3A_96 = arith.constant 0 : i32
          %dma_wait3A_97 = arith.constant 0 : i32
          %dma_wait3A_98 = tpu.memref_slice %arg11[%dma_wait3A_96, %dma_wait3A_97] : memref<50048x32xf32, #tpu.memory_space<vmem_shared>> -> memref<50048x32xf32, #tpu.memory_space<vmem_shared>>
          tpu.wait_indirect_dma semaphore(%run_scoped3A_86 : memref<!tpu.dma_semaphore, #tpu.memory_space<semaphore_mem>>) src(%arg10 : memref<125x32xf32, #tpu.memory_space<vmem>>) dst(%dma_wait3A_98 : memref<50048x32xf32, #tpu.memory_space<vmem_shared>>)
          tpu.yield
        }) : () -> ()
      }
      %scan3A_35 = arith.constant 40 : i32
      %barrier3A_36 = arith.constant 0 : index
      tpu.barrier barrier_id(%barrier3A_36)
      %mul3A_37 = arith.constant 3128 : i32
      %mul3A_38 = arith.muli %arg1, %mul3A_37 : i32
      %mul3A_39 = arith.constant 3128 : i32
      %mul3A_40 = arith.muli %arg1, %mul3A_39 : i32
      %run_scoped3A = arith.constant 0 : i32
      "tpu.region"() ({
        %run_scoped3A_41 = tpu.sem_alloc : memref<!tpu.dma_semaphore, #tpu.memory_space<semaphore_mem>>
        %dma_start3A_42 = arith.constant 0 : i32
        %dma_start3A_43 = tpu.memref_slice %arg6[%arg0, %run_scoped3A, %mul3A_40, %dma_start3A_42] : memref<2x2x50048x32xf32, #tpu.memory_space<hbm>> -> memref<1x1x3128x32xf32, #tpu.memory_space<hbm>>
        %dma_start3A_44 = tpu.memref_squeeze %dma_start3A_43 : memref<1x1x3128x32xf32, #tpu.memory_space<hbm>> -> memref<3128x32xf32, #tpu.memory_space<hbm>>
        %dma_start3A_45 = arith.constant 0 : i32
        %dma_start3A_46 = tpu.memref_slice %arg11[%mul3A_38, %dma_start3A_45] : memref<50048x32xf32, #tpu.memory_space<vmem_shared>> -> memref<3128x32xf32, #tpu.memory_space<vmem_shared>>
        tpu.enqueue_dma source(%dma_start3A_46 : memref<3128x32xf32, #tpu.memory_space<vmem_shared>>) target(%dma_start3A_44 : memref<3128x32xf32, #tpu.memory_space<hbm>>) target_semaphore(%run_scoped3A_41 : memref<!tpu.dma_semaphore, #tpu.memory_space<semaphore_mem>>)
        %dma_wait3A = arith.constant 0 : i32
        %dma_wait3A_47 = tpu.memref_slice %arg6[%arg0, %run_scoped3A, %mul3A_40, %dma_wait3A] : memref<2x2x50048x32xf32, #tpu.memory_space<hbm>> -> memref<1x1x3128x32xf32, #tpu.memory_space<hbm>>
        %dma_wait3A_48 = tpu.memref_squeeze %dma_wait3A_47 : memref<1x1x3128x32xf32, #tpu.memory_space<hbm>> -> memref<3128x32xf32, #tpu.memory_space<hbm>>
        %dma_wait3A_49 = arith.constant 0 : i32
        %dma_wait3A_50 = tpu.memref_slice %arg11[%mul3A_38, %dma_wait3A_49] : memref<50048x32xf32, #tpu.memory_space<vmem_shared>> -> memref<3128x32xf32, #tpu.memory_space<vmem_shared>>
        tpu.wait_dma2 semaphore(%run_scoped3A_41 : memref<!tpu.dma_semaphore, #tpu.memory_space<semaphore_mem>>) src(%dma_wait3A_50 : memref<3128x32xf32, #tpu.memory_space<vmem_shared>>) dst(%dma_wait3A_48 : memref<3128x32xf32, #tpu.memory_space<hbm>>)
        tpu.yield
      }) : () -> ()
    } else {
    }
    %eq3A_3 = arith.constant 0 : i32
    %eq3A_4 = arith.cmpi eq, %arg0, %eq3A_3 : i32
    %convert_element_type3A_5 = arith.extui %eq3A_4 : i1 to i32
    %cond3A_6 = arith.constant 1 : i32
    %cond3A_7 = arith.constant 0 : i32
    %cond3A_8 = arith.cmpi ne, %convert_element_type3A_5, %cond3A_7 : i32
    scf.if %cond3A_8 {
      %mul3A = arith.constant 3128 : i32
      %mul3A_21 = arith.muli %arg1, %mul3A : i32
      "tpu.region"() ({
        %run_scoped3A_41 = tpu.sem_alloc : memref<!tpu.dma_semaphore, #tpu.memory_space<semaphore_mem>>
        %dma_start3A_42 = arith.constant 0 : i32
        %dma_start3A_43 = tpu.memref_slice %arg11[%mul3A_21, %dma_start3A_42] : memref<50048x32xf32, #tpu.memory_space<vmem_shared>> -> memref<3128x32xf32, #tpu.memory_space<vmem_shared>>
        tpu.enqueue_dma source(%arg5 : memref<3128x32xf32, #tpu.memory_space<hbm>>) target(%dma_start3A_43 : memref<3128x32xf32, #tpu.memory_space<vmem_shared>>) target_semaphore(%run_scoped3A_41 : memref<!tpu.dma_semaphore, #tpu.memory_space<semaphore_mem>>)
        %dma_wait3A = arith.constant 0 : i32
        %dma_wait3A_44 = tpu.memref_slice %arg11[%mul3A_21, %dma_wait3A] : memref<50048x32xf32, #tpu.memory_space<vmem_shared>> -> memref<3128x32xf32, #tpu.memory_space<vmem_shared>>
        tpu.wait_dma2 semaphore(%run_scoped3A_41 : memref<!tpu.dma_semaphore, #tpu.memory_space<semaphore_mem>>) src(%arg5 : memref<3128x32xf32, #tpu.memory_space<hbm>>) dst(%dma_wait3A_44 : memref<3128x32xf32, #tpu.memory_space<vmem_shared>>)
        tpu.yield
      }) : () -> ()
      %barrier3A = arith.constant 0 : index
      tpu.barrier barrier_id(%barrier3A)
      %dma_start3A = arith.constant 0 : i32
      %dma_start3A_22 = arith.constant 0 : i32
      %dma_start3A_23 = tpu.memref_slice %arg7[%dma_start3A, %dma_start3A_22] : memref<80x125xi32, #tpu.memory_space<vmem>> -> memref<1x125xi32, #tpu.memory_space<vmem>>
      %dma_start3A_24 = tpu.memref_squeeze %dma_start3A_23 : memref<1x125xi32, #tpu.memory_space<vmem>> -> memref<125xi32, #tpu.memory_space<vmem>>
      %dma_start3A_25 = arith.constant 0 : i32
      %dma_start3A_26 = arith.constant 0 : i32
      %dma_start3A_27 = tpu.memref_slice %arg4[%cond3A_6, %dma_start3A_25, %dma_start3A_26] : memref<4x50000x32xf32, #tpu.memory_space<hbm>> -> memref<1x50000x32xf32, #tpu.memory_space<hbm>>
      %dma_start3A_28 = tpu.memref_squeeze %dma_start3A_27 : memref<1x50000x32xf32, #tpu.memory_space<hbm>> -> memref<50000x32xf32, #tpu.memory_space<hbm>>
      %dma_start3A_29 = arith.constant 0 : i32
      %dma_start3A_30 = arith.constant 0 : i32
      %dma_start3A_31 = tpu.memref_slice %dma_start3A_28[%dma_start3A_29, %dma_start3A_30] : memref<50000x32xf32, #tpu.memory_space<hbm>> -> memref<50000x32xf32, #tpu.memory_space<hbm>>
      tpu.enqueue_indirect_dma source(%dma_start3A_31 : memref<50000x32xf32, #tpu.memory_space<hbm>>) target(%arg9 : memref<125x32xf32, #tpu.memory_space<vmem>>) offsets(%dma_start3A_24 : memref<125xi32, #tpu.memory_space<vmem>>) semaphore(%arg12 : memref<!tpu.dma_semaphore, #tpu.memory_space<semaphore_mem>>)
      %scan3A = arith.constant 0 : i32
      %scan3A_32 = arith.constant 40 : i32
      %scan3A_33 = arith.addi %scan3A, %scan3A_32 : i32
      %scan3A_34 = arith.constant 1 : i32
      scf.for %scan3A_41 = %scan3A to %scan3A_33 step %scan3A_34  : i32 {
        %mul3A_42 = arith.constant 2 : i32
        %mul3A_43 = arith.muli %scan3A_41, %mul3A_42 : i32
        %add3A = arith.constant 0 : i32
        %add3A_44 = arith.addi %add3A, %mul3A_43 : i32
        %add3A_45 = arith.constant 1 : i32
        %add3A_46 = arith.addi %add3A_44, %add3A_45 : i32
        %dma_start3A_47 = arith.constant 0 : i32
        %dma_start3A_48 = tpu.memref_slice %arg7[%add3A_46, %dma_start3A_47] : memref<80x125xi32, #tpu.memory_space<vmem>> -> memref<1x125xi32, #tpu.memory_space<vmem>>
        %dma_start3A_49 = tpu.memref_squeeze %dma_start3A_48 : memref<1x125xi32, #tpu.memory_space<vmem>> -> memref<125xi32, #tpu.memory_space<vmem>>
        %dma_start3A_50 = arith.constant 0 : i32
        %dma_start3A_51 = arith.constant 0 : i32
        %dma_start3A_52 = tpu.memref_slice %arg4[%cond3A_6, %dma_start3A_50, %dma_start3A_51] : memref<4x50000x32xf32, #tpu.memory_space<hbm>> -> memref<1x50000x32xf32, #tpu.memory_space<hbm>>
        %dma_start3A_53 = tpu.memref_squeeze %dma_start3A_52 : memref<1x50000x32xf32, #tpu.memory_space<hbm>> -> memref<50000x32xf32, #tpu.memory_space<hbm>>
        %dma_start3A_54 = arith.constant 0 : i32
        %dma_start3A_55 = arith.constant 0 : i32
        %dma_start3A_56 = tpu.memref_slice %dma_start3A_53[%dma_start3A_54, %dma_start3A_55] : memref<50000x32xf32, #tpu.memory_space<hbm>> -> memref<50000x32xf32, #tpu.memory_space<hbm>>
        tpu.enqueue_indirect_dma source(%dma_start3A_56 : memref<50000x32xf32, #tpu.memory_space<hbm>>) target(%arg10 : memref<125x32xf32, #tpu.memory_space<vmem>>) offsets(%dma_start3A_49 : memref<125xi32, #tpu.memory_space<vmem>>) semaphore(%arg13 : memref<!tpu.dma_semaphore, #tpu.memory_space<semaphore_mem>>)
        %dma_wait3A = arith.constant 0 : i32
        %dma_wait3A_57 = arith.constant 0 : i32
        %dma_wait3A_58 = tpu.memref_slice %arg7[%dma_wait3A, %dma_wait3A_57] : memref<80x125xi32, #tpu.memory_space<vmem>> -> memref<1x125xi32, #tpu.memory_space<vmem>>
        %dma_wait3A_59 = tpu.memref_squeeze %dma_wait3A_58 : memref<1x125xi32, #tpu.memory_space<vmem>> -> memref<125xi32, #tpu.memory_space<vmem>>
        %dma_wait3A_60 = arith.constant 0 : i32
        %dma_wait3A_61 = arith.constant 0 : i32
        %dma_wait3A_62 = tpu.memref_slice %arg4[%cond3A_6, %dma_wait3A_60, %dma_wait3A_61] : memref<4x50000x32xf32, #tpu.memory_space<hbm>> -> memref<1x50000x32xf32, #tpu.memory_space<hbm>>
        %dma_wait3A_63 = tpu.memref_squeeze %dma_wait3A_62 : memref<1x50000x32xf32, #tpu.memory_space<hbm>> -> memref<50000x32xf32, #tpu.memory_space<hbm>>
        %dma_wait3A_64 = arith.constant 0 : i32
        %dma_wait3A_65 = arith.constant 0 : i32
        %dma_wait3A_66 = tpu.memref_slice %dma_wait3A_63[%dma_wait3A_64, %dma_wait3A_65] : memref<50000x32xf32, #tpu.memory_space<hbm>> -> memref<50000x32xf32, #tpu.memory_space<hbm>>
        tpu.wait_indirect_dma semaphore(%arg12 : memref<!tpu.dma_semaphore, #tpu.memory_space<semaphore_mem>>) src(%dma_wait3A_66 : memref<50000x32xf32, #tpu.memory_space<hbm>>) dst(%arg9 : memref<125x32xf32, #tpu.memory_space<vmem>>)
        "tpu.region"() ({
          %run_scoped3A_86 = tpu.sem_alloc : memref<!tpu.dma_semaphore, #tpu.memory_space<semaphore_mem>>
          %dma_start3A_87 = arith.constant 0 : i32
          %dma_start3A_88 = tpu.memref_slice %arg8[%add3A_44, %dma_start3A_87] : memref<80x125xi32, #tpu.memory_space<vmem>> -> memref<1x125xi32, #tpu.memory_space<vmem>>
          %dma_start3A_89 = tpu.memref_squeeze %dma_start3A_88 : memref<1x125xi32, #tpu.memory_space<vmem>> -> memref<125xi32, #tpu.memory_space<vmem>>
          %dma_start3A_90 = arith.constant 0 : i32
          %dma_start3A_91 = arith.constant 0 : i32
          %dma_start3A_92 = tpu.memref_slice %arg11[%dma_start3A_90, %dma_start3A_91] : memref<50048x32xf32, #tpu.memory_space<vmem_shared>> -> memref<50048x32xf32, #tpu.memory_space<vmem_shared>>
          tpu.enqueue_indirect_dma source(%arg9 : memref<125x32xf32, #tpu.memory_space<vmem>>) target(%dma_start3A_92 : memref<50048x32xf32, #tpu.memory_space<vmem_shared>>) offsets(%dma_start3A_89 : memref<125xi32, #tpu.memory_space<vmem>>) semaphore(%run_scoped3A_86 : memref<!tpu.dma_semaphore, #tpu.memory_space<semaphore_mem>>) {add = true}
          %dma_wait3A_93 = arith.constant 0 : i32
          %dma_wait3A_94 = tpu.memref_slice %arg8[%add3A_44, %dma_wait3A_93] : memref<80x125xi32, #tpu.memory_space<vmem>> -> memref<1x125xi32, #tpu.memory_space<vmem>>
          %dma_wait3A_95 = tpu.memref_squeeze %dma_wait3A_94 : memref<1x125xi32, #tpu.memory_space<vmem>> -> memref<125xi32, #tpu.memory_space<vmem>>
          %dma_wait3A_96 = arith.constant 0 : i32
          %dma_wait3A_97 = arith.constant 0 : i32
          %dma_wait3A_98 = tpu.memref_slice %arg11[%dma_wait3A_96, %dma_wait3A_97] : memref<50048x32xf32, #tpu.memory_space<vmem_shared>> -> memref<50048x32xf32, #tpu.memory_space<vmem_shared>>
          tpu.wait_indirect_dma semaphore(%run_scoped3A_86 : memref<!tpu.dma_semaphore, #tpu.memory_space<semaphore_mem>>) src(%arg9 : memref<125x32xf32, #tpu.memory_space<vmem>>) dst(%dma_wait3A_98 : memref<50048x32xf32, #tpu.memory_space<vmem_shared>>)
          tpu.yield
        }) : () -> ()
        %add3A_67 = arith.constant 2 : i32
        %add3A_68 = arith.addi %add3A_44, %add3A_67 : i32
        %lt3A = arith.constant 80 : i32
        %lt3A_69 = arith.cmpi slt, %add3A_68, %lt3A : i32
        %convert_element_type3A_70 = arith.extui %lt3A_69 : i1 to i32
        %cond3A_71 = arith.constant 0 : i32
        %cond3A_72 = arith.cmpi ne, %convert_element_type3A_70, %cond3A_71 : i32
        scf.if %cond3A_72 {
          %add3A_86 = arith.constant 2 : i32
          %add3A_87 = arith.addi %add3A_44, %add3A_86 : i32
          %dma_start3A_88 = arith.constant 0 : i32
          %dma_start3A_89 = tpu.memref_slice %arg7[%add3A_87, %dma_start3A_88] : memref<80x125xi32, #tpu.memory_space<vmem>> -> memref<1x125xi32, #tpu.memory_space<vmem>>
          %dma_start3A_90 = tpu.memref_squeeze %dma_start3A_89 : memref<1x125xi32, #tpu.memory_space<vmem>> -> memref<125xi32, #tpu.memory_space<vmem>>
          %dma_start3A_91 = arith.constant 0 : i32
          %dma_start3A_92 = arith.constant 0 : i32
          %dma_start3A_93 = tpu.memref_slice %arg4[%cond3A_6, %dma_start3A_91, %dma_start3A_92] : memref<4x50000x32xf32, #tpu.memory_space<hbm>> -> memref<1x50000x32xf32, #tpu.memory_space<hbm>>
          %dma_start3A_94 = tpu.memref_squeeze %dma_start3A_93 : memref<1x50000x32xf32, #tpu.memory_space<hbm>> -> memref<50000x32xf32, #tpu.memory_space<hbm>>
          %dma_start3A_95 = arith.constant 0 : i32
          %dma_start3A_96 = arith.constant 0 : i32
          %dma_start3A_97 = tpu.memref_slice %dma_start3A_94[%dma_start3A_95, %dma_start3A_96] : memref<50000x32xf32, #tpu.memory_space<hbm>> -> memref<50000x32xf32, #tpu.memory_space<hbm>>
          tpu.enqueue_indirect_dma source(%dma_start3A_97 : memref<50000x32xf32, #tpu.memory_space<hbm>>) target(%arg9 : memref<125x32xf32, #tpu.memory_space<vmem>>) offsets(%dma_start3A_90 : memref<125xi32, #tpu.memory_space<vmem>>) semaphore(%arg12 : memref<!tpu.dma_semaphore, #tpu.memory_space<semaphore_mem>>)
        } else {
        }
        %dma_wait3A_73 = arith.constant 0 : i32
        %dma_wait3A_74 = arith.constant 0 : i32
        %dma_wait3A_75 = tpu.memref_slice %arg7[%dma_wait3A_73, %dma_wait3A_74] : memref<80x125xi32, #tpu.memory_space<vmem>> -> memref<1x125xi32, #tpu.memory_space<vmem>>
        %dma_wait3A_76 = tpu.memref_squeeze %dma_wait3A_75 : memref<1x125xi32, #tpu.memory_space<vmem>> -> memref<125xi32, #tpu.memory_space<vmem>>
        %dma_wait3A_77 = arith.constant 0 : i32
        %dma_wait3A_78 = arith.constant 0 : i32
        %dma_wait3A_79 = tpu.memref_slice %arg4[%cond3A_6, %dma_wait3A_77, %dma_wait3A_78] : memref<4x50000x32xf32, #tpu.memory_space<hbm>> -> memref<1x50000x32xf32, #tpu.memory_space<hbm>>
        %dma_wait3A_80 = tpu.memref_squeeze %dma_wait3A_79 : memref<1x50000x32xf32, #tpu.memory_space<hbm>> -> memref<50000x32xf32, #tpu.memory_space<hbm>>
        %dma_wait3A_81 = arith.constant 0 : i32
        %dma_wait3A_82 = arith.constant 0 : i32
        %dma_wait3A_83 = tpu.memref_slice %dma_wait3A_80[%dma_wait3A_81, %dma_wait3A_82] : memref<50000x32xf32, #tpu.memory_space<hbm>> -> memref<50000x32xf32, #tpu.memory_space<hbm>>
        tpu.wait_indirect_dma semaphore(%arg13 : memref<!tpu.dma_semaphore, #tpu.memory_space<semaphore_mem>>) src(%dma_wait3A_83 : memref<50000x32xf32, #tpu.memory_space<hbm>>) dst(%arg10 : memref<125x32xf32, #tpu.memory_space<vmem>>)
        %add3A_84 = arith.constant 1 : i32
        %add3A_85 = arith.addi %add3A_44, %add3A_84 : i32
        "tpu.region"() ({
          %run_scoped3A_86 = tpu.sem_alloc : memref<!tpu.dma_semaphore, #tpu.memory_space<semaphore_mem>>
          %dma_start3A_87 = arith.constant 0 : i32
          %dma_start3A_88 = tpu.memref_slice %arg8[%add3A_85, %dma_start3A_87] : memref<80x125xi32, #tpu.memory_space<vmem>> -> memref<1x125xi32, #tpu.memory_space<vmem>>
          %dma_start3A_89 = tpu.memref_squeeze %dma_start3A_88 : memref<1x125xi32, #tpu.memory_space<vmem>> -> memref<125xi32, #tpu.memory_space<vmem>>
          %dma_start3A_90 = arith.constant 0 : i32
          %dma_start3A_91 = arith.constant 0 : i32
          %dma_start3A_92 = tpu.memref_slice %arg11[%dma_start3A_90, %dma_start3A_91] : memref<50048x32xf32, #tpu.memory_space<vmem_shared>> -> memref<50048x32xf32, #tpu.memory_space<vmem_shared>>
          tpu.enqueue_indirect_dma source(%arg10 : memref<125x32xf32, #tpu.memory_space<vmem>>) target(%dma_start3A_92 : memref<50048x32xf32, #tpu.memory_space<vmem_shared>>) offsets(%dma_start3A_89 : memref<125xi32, #tpu.memory_space<vmem>>) semaphore(%run_scoped3A_86 : memref<!tpu.dma_semaphore, #tpu.memory_space<semaphore_mem>>) {add = true}
          %dma_wait3A_93 = arith.constant 0 : i32
          %dma_wait3A_94 = tpu.memref_slice %arg8[%add3A_85, %dma_wait3A_93] : memref<80x125xi32, #tpu.memory_space<vmem>> -> memref<1x125xi32, #tpu.memory_space<vmem>>
          %dma_wait3A_95 = tpu.memref_squeeze %dma_wait3A_94 : memref<1x125xi32, #tpu.memory_space<vmem>> -> memref<125xi32, #tpu.memory_space<vmem>>
          %dma_wait3A_96 = arith.constant 0 : i32
          %dma_wait3A_97 = arith.constant 0 : i32
          %dma_wait3A_98 = tpu.memref_slice %arg11[%dma_wait3A_96, %dma_wait3A_97] : memref<50048x32xf32, #tpu.memory_space<vmem_shared>> -> memref<50048x32xf32, #tpu.memory_space<vmem_shared>>
          tpu.wait_indirect_dma semaphore(%run_scoped3A_86 : memref<!tpu.dma_semaphore, #tpu.memory_space<semaphore_mem>>) src(%arg10 : memref<125x32xf32, #tpu.memory_space<vmem>>) dst(%dma_wait3A_98 : memref<50048x32xf32, #tpu.memory_space<vmem_shared>>)
          tpu.yield
        }) : () -> ()
      }
      %scan3A_35 = arith.constant 40 : i32
      %barrier3A_36 = arith.constant 0 : index
      tpu.barrier barrier_id(%barrier3A_36)
      %mul3A_37 = arith.constant 3128 : i32
      %mul3A_38 = arith.muli %arg1, %mul3A_37 : i32
      %mul3A_39 = arith.constant 3128 : i32
      %mul3A_40 = arith.muli %arg1, %mul3A_39 : i32
      %run_scoped3A = arith.constant 1 : i32
      "tpu.region"() ({
        %run_scoped3A_41 = tpu.sem_alloc : memref<!tpu.dma_semaphore, #tpu.memory_space<semaphore_mem>>
        %dma_start3A_42 = arith.constant 0 : i32
        %dma_start3A_43 = tpu.memref_slice %arg6[%arg0, %run_scoped3A, %mul3A_40, %dma_start3A_42] : memref<2x2x50048x32xf32, #tpu.memory_space<hbm>> -> memref<1x1x3128x32xf32, #tpu.memory_space<hbm>>
        %dma_start3A_44 = tpu.memref_squeeze %dma_start3A_43 : memref<1x1x3128x32xf32, #tpu.memory_space<hbm>> -> memref<3128x32xf32, #tpu.memory_space<hbm>>
        %dma_start3A_45 = arith.constant 0 : i32
        %dma_start3A_46 = tpu.memref_slice %arg11[%mul3A_38, %dma_start3A_45] : memref<50048x32xf32, #tpu.memory_space<vmem_shared>> -> memref<3128x32xf32, #tpu.memory_space<vmem_shared>>
        tpu.enqueue_dma source(%dma_start3A_46 : memref<3128x32xf32, #tpu.memory_space<vmem_shared>>) target(%dma_start3A_44 : memref<3128x32xf32, #tpu.memory_space<hbm>>) target_semaphore(%run_scoped3A_41 : memref<!tpu.dma_semaphore, #tpu.memory_space<semaphore_mem>>)
        %dma_wait3A = arith.constant 0 : i32
        %dma_wait3A_47 = tpu.memref_slice %arg6[%arg0, %run_scoped3A, %mul3A_40, %dma_wait3A] : memref<2x2x50048x32xf32, #tpu.memory_space<hbm>> -> memref<1x1x3128x32xf32, #tpu.memory_space<hbm>>
        %dma_wait3A_48 = tpu.memref_squeeze %dma_wait3A_47 : memref<1x1x3128x32xf32, #tpu.memory_space<hbm>> -> memref<3128x32xf32, #tpu.memory_space<hbm>>
        %dma_wait3A_49 = arith.constant 0 : i32
        %dma_wait3A_50 = tpu.memref_slice %arg11[%mul3A_38, %dma_wait3A_49] : memref<50048x32xf32, #tpu.memory_space<vmem_shared>> -> memref<3128x32xf32, #tpu.memory_space<vmem_shared>>
        tpu.wait_dma2 semaphore(%run_scoped3A_41 : memref<!tpu.dma_semaphore, #tpu.memory_space<semaphore_mem>>) src(%dma_wait3A_50 : memref<3128x32xf32, #tpu.memory_space<vmem_shared>>) dst(%dma_wait3A_48 : memref<3128x32xf32, #tpu.memory_space<hbm>>)
        tpu.yield
      }) : () -> ()
    } else {
    }
    %eq3A_9 = arith.constant 1 : i32
    %eq3A_10 = arith.cmpi eq, %arg0, %eq3A_9 : i32
    %convert_element_type3A_11 = arith.extui %eq3A_10 : i1 to i32
    %cond3A_12 = arith.constant 2 : i32
    %cond3A_13 = arith.constant 0 : i32
    %cond3A_14 = arith.cmpi ne, %convert_element_type3A_11, %cond3A_13 : i32
    scf.if %cond3A_14 {
      %mul3A = arith.constant 3128 : i32
      %mul3A_21 = arith.muli %arg1, %mul3A : i32
      "tpu.region"() ({
        %run_scoped3A_41 = tpu.sem_alloc : memref<!tpu.dma_semaphore, #tpu.memory_space<semaphore_mem>>
        %dma_start3A_42 = arith.constant 0 : i32
        %dma_start3A_43 = tpu.memref_slice %arg11[%mul3A_21, %dma_start3A_42] : memref<50048x32xf32, #tpu.memory_space<vmem_shared>> -> memref<3128x32xf32, #tpu.memory_space<vmem_shared>>
        tpu.enqueue_dma source(%arg5 : memref<3128x32xf32, #tpu.memory_space<hbm>>) target(%dma_start3A_43 : memref<3128x32xf32, #tpu.memory_space<vmem_shared>>) target_semaphore(%run_scoped3A_41 : memref<!tpu.dma_semaphore, #tpu.memory_space<semaphore_mem>>)
        %dma_wait3A = arith.constant 0 : i32
        %dma_wait3A_44 = tpu.memref_slice %arg11[%mul3A_21, %dma_wait3A] : memref<50048x32xf32, #tpu.memory_space<vmem_shared>> -> memref<3128x32xf32, #tpu.memory_space<vmem_shared>>
        tpu.wait_dma2 semaphore(%run_scoped3A_41 : memref<!tpu.dma_semaphore, #tpu.memory_space<semaphore_mem>>) src(%arg5 : memref<3128x32xf32, #tpu.memory_space<hbm>>) dst(%dma_wait3A_44 : memref<3128x32xf32, #tpu.memory_space<vmem_shared>>)
        tpu.yield
      }) : () -> ()
      %barrier3A = arith.constant 0 : index
      tpu.barrier barrier_id(%barrier3A)
      %dma_start3A = arith.constant 0 : i32
      %dma_start3A_22 = arith.constant 0 : i32
      %dma_start3A_23 = tpu.memref_slice %arg7[%dma_start3A, %dma_start3A_22] : memref<80x125xi32, #tpu.memory_space<vmem>> -> memref<1x125xi32, #tpu.memory_space<vmem>>
      %dma_start3A_24 = tpu.memref_squeeze %dma_start3A_23 : memref<1x125xi32, #tpu.memory_space<vmem>> -> memref<125xi32, #tpu.memory_space<vmem>>
      %dma_start3A_25 = arith.constant 0 : i32
      %dma_start3A_26 = arith.constant 0 : i32
      %dma_start3A_27 = tpu.memref_slice %arg4[%cond3A_12, %dma_start3A_25, %dma_start3A_26] : memref<4x50000x32xf32, #tpu.memory_space<hbm>> -> memref<1x50000x32xf32, #tpu.memory_space<hbm>>
      %dma_start3A_28 = tpu.memref_squeeze %dma_start3A_27 : memref<1x50000x32xf32, #tpu.memory_space<hbm>> -> memref<50000x32xf32, #tpu.memory_space<hbm>>
      %dma_start3A_29 = arith.constant 0 : i32
      %dma_start3A_30 = arith.constant 0 : i32
      %dma_start3A_31 = tpu.memref_slice %dma_start3A_28[%dma_start3A_29, %dma_start3A_30] : memref<50000x32xf32, #tpu.memory_space<hbm>> -> memref<50000x32xf32, #tpu.memory_space<hbm>>
      tpu.enqueue_indirect_dma source(%dma_start3A_31 : memref<50000x32xf32, #tpu.memory_space<hbm>>) target(%arg9 : memref<125x32xf32, #tpu.memory_space<vmem>>) offsets(%dma_start3A_24 : memref<125xi32, #tpu.memory_space<vmem>>) semaphore(%arg12 : memref<!tpu.dma_semaphore, #tpu.memory_space<semaphore_mem>>)
      %scan3A = arith.constant 0 : i32
      %scan3A_32 = arith.constant 40 : i32
      %scan3A_33 = arith.addi %scan3A, %scan3A_32 : i32
      %scan3A_34 = arith.constant 1 : i32
      scf.for %scan3A_41 = %scan3A to %scan3A_33 step %scan3A_34  : i32 {
        %mul3A_42 = arith.constant 2 : i32
        %mul3A_43 = arith.muli %scan3A_41, %mul3A_42 : i32
        %add3A = arith.constant 0 : i32
        %add3A_44 = arith.addi %add3A, %mul3A_43 : i32
        %add3A_45 = arith.constant 1 : i32
        %add3A_46 = arith.addi %add3A_44, %add3A_45 : i32
        %dma_start3A_47 = arith.constant 0 : i32
        %dma_start3A_48 = tpu.memref_slice %arg7[%add3A_46, %dma_start3A_47] : memref<80x125xi32, #tpu.memory_space<vmem>> -> memref<1x125xi32, #tpu.memory_space<vmem>>
        %dma_start3A_49 = tpu.memref_squeeze %dma_start3A_48 : memref<1x125xi32, #tpu.memory_space<vmem>> -> memref<125xi32, #tpu.memory_space<vmem>>
        %dma_start3A_50 = arith.constant 0 : i32
        %dma_start3A_51 = arith.constant 0 : i32
        %dma_start3A_52 = tpu.memref_slice %arg4[%cond3A_12, %dma_start3A_50, %dma_start3A_51] : memref<4x50000x32xf32, #tpu.memory_space<hbm>> -> memref<1x50000x32xf32, #tpu.memory_space<hbm>>
        %dma_start3A_53 = tpu.memref_squeeze %dma_start3A_52 : memref<1x50000x32xf32, #tpu.memory_space<hbm>> -> memref<50000x32xf32, #tpu.memory_space<hbm>>
        %dma_start3A_54 = arith.constant 0 : i32
        %dma_start3A_55 = arith.constant 0 : i32
        %dma_start3A_56 = tpu.memref_slice %dma_start3A_53[%dma_start3A_54, %dma_start3A_55] : memref<50000x32xf32, #tpu.memory_space<hbm>> -> memref<50000x32xf32, #tpu.memory_space<hbm>>
        tpu.enqueue_indirect_dma source(%dma_start3A_56 : memref<50000x32xf32, #tpu.memory_space<hbm>>) target(%arg10 : memref<125x32xf32, #tpu.memory_space<vmem>>) offsets(%dma_start3A_49 : memref<125xi32, #tpu.memory_space<vmem>>) semaphore(%arg13 : memref<!tpu.dma_semaphore, #tpu.memory_space<semaphore_mem>>)
        %dma_wait3A = arith.constant 0 : i32
        %dma_wait3A_57 = arith.constant 0 : i32
        %dma_wait3A_58 = tpu.memref_slice %arg7[%dma_wait3A, %dma_wait3A_57] : memref<80x125xi32, #tpu.memory_space<vmem>> -> memref<1x125xi32, #tpu.memory_space<vmem>>
        %dma_wait3A_59 = tpu.memref_squeeze %dma_wait3A_58 : memref<1x125xi32, #tpu.memory_space<vmem>> -> memref<125xi32, #tpu.memory_space<vmem>>
        %dma_wait3A_60 = arith.constant 0 : i32
        %dma_wait3A_61 = arith.constant 0 : i32
        %dma_wait3A_62 = tpu.memref_slice %arg4[%cond3A_12, %dma_wait3A_60, %dma_wait3A_61] : memref<4x50000x32xf32, #tpu.memory_space<hbm>> -> memref<1x50000x32xf32, #tpu.memory_space<hbm>>
        %dma_wait3A_63 = tpu.memref_squeeze %dma_wait3A_62 : memref<1x50000x32xf32, #tpu.memory_space<hbm>> -> memref<50000x32xf32, #tpu.memory_space<hbm>>
        %dma_wait3A_64 = arith.constant 0 : i32
        %dma_wait3A_65 = arith.constant 0 : i32
        %dma_wait3A_66 = tpu.memref_slice %dma_wait3A_63[%dma_wait3A_64, %dma_wait3A_65] : memref<50000x32xf32, #tpu.memory_space<hbm>> -> memref<50000x32xf32, #tpu.memory_space<hbm>>
        tpu.wait_indirect_dma semaphore(%arg12 : memref<!tpu.dma_semaphore, #tpu.memory_space<semaphore_mem>>) src(%dma_wait3A_66 : memref<50000x32xf32, #tpu.memory_space<hbm>>) dst(%arg9 : memref<125x32xf32, #tpu.memory_space<vmem>>)
        "tpu.region"() ({
          %run_scoped3A_86 = tpu.sem_alloc : memref<!tpu.dma_semaphore, #tpu.memory_space<semaphore_mem>>
          %dma_start3A_87 = arith.constant 0 : i32
          %dma_start3A_88 = tpu.memref_slice %arg8[%add3A_44, %dma_start3A_87] : memref<80x125xi32, #tpu.memory_space<vmem>> -> memref<1x125xi32, #tpu.memory_space<vmem>>
          %dma_start3A_89 = tpu.memref_squeeze %dma_start3A_88 : memref<1x125xi32, #tpu.memory_space<vmem>> -> memref<125xi32, #tpu.memory_space<vmem>>
          %dma_start3A_90 = arith.constant 0 : i32
          %dma_start3A_91 = arith.constant 0 : i32
          %dma_start3A_92 = tpu.memref_slice %arg11[%dma_start3A_90, %dma_start3A_91] : memref<50048x32xf32, #tpu.memory_space<vmem_shared>> -> memref<50048x32xf32, #tpu.memory_space<vmem_shared>>
          tpu.enqueue_indirect_dma source(%arg9 : memref<125x32xf32, #tpu.memory_space<vmem>>) target(%dma_start3A_92 : memref<50048x32xf32, #tpu.memory_space<vmem_shared>>) offsets(%dma_start3A_89 : memref<125xi32, #tpu.memory_space<vmem>>) semaphore(%run_scoped3A_86 : memref<!tpu.dma_semaphore, #tpu.memory_space<semaphore_mem>>) {add = true}
          %dma_wait3A_93 = arith.constant 0 : i32
          %dma_wait3A_94 = tpu.memref_slice %arg8[%add3A_44, %dma_wait3A_93] : memref<80x125xi32, #tpu.memory_space<vmem>> -> memref<1x125xi32, #tpu.memory_space<vmem>>
          %dma_wait3A_95 = tpu.memref_squeeze %dma_wait3A_94 : memref<1x125xi32, #tpu.memory_space<vmem>> -> memref<125xi32, #tpu.memory_space<vmem>>
          %dma_wait3A_96 = arith.constant 0 : i32
          %dma_wait3A_97 = arith.constant 0 : i32
          %dma_wait3A_98 = tpu.memref_slice %arg11[%dma_wait3A_96, %dma_wait3A_97] : memref<50048x32xf32, #tpu.memory_space<vmem_shared>> -> memref<50048x32xf32, #tpu.memory_space<vmem_shared>>
          tpu.wait_indirect_dma semaphore(%run_scoped3A_86 : memref<!tpu.dma_semaphore, #tpu.memory_space<semaphore_mem>>) src(%arg9 : memref<125x32xf32, #tpu.memory_space<vmem>>) dst(%dma_wait3A_98 : memref<50048x32xf32, #tpu.memory_space<vmem_shared>>)
          tpu.yield
        }) : () -> ()
        %add3A_67 = arith.constant 2 : i32
        %add3A_68 = arith.addi %add3A_44, %add3A_67 : i32
        %lt3A = arith.constant 80 : i32
        %lt3A_69 = arith.cmpi slt, %add3A_68, %lt3A : i32
        %convert_element_type3A_70 = arith.extui %lt3A_69 : i1 to i32
        %cond3A_71 = arith.constant 0 : i32
        %cond3A_72 = arith.cmpi ne, %convert_element_type3A_70, %cond3A_71 : i32
        scf.if %cond3A_72 {
          %add3A_86 = arith.constant 2 : i32
          %add3A_87 = arith.addi %add3A_44, %add3A_86 : i32
          %dma_start3A_88 = arith.constant 0 : i32
          %dma_start3A_89 = tpu.memref_slice %arg7[%add3A_87, %dma_start3A_88] : memref<80x125xi32, #tpu.memory_space<vmem>> -> memref<1x125xi32, #tpu.memory_space<vmem>>
          %dma_start3A_90 = tpu.memref_squeeze %dma_start3A_89 : memref<1x125xi32, #tpu.memory_space<vmem>> -> memref<125xi32, #tpu.memory_space<vmem>>
          %dma_start3A_91 = arith.constant 0 : i32
          %dma_start3A_92 = arith.constant 0 : i32
          %dma_start3A_93 = tpu.memref_slice %arg4[%cond3A_12, %dma_start3A_91, %dma_start3A_92] : memref<4x50000x32xf32, #tpu.memory_space<hbm>> -> memref<1x50000x32xf32, #tpu.memory_space<hbm>>
          %dma_start3A_94 = tpu.memref_squeeze %dma_start3A_93 : memref<1x50000x32xf32, #tpu.memory_space<hbm>> -> memref<50000x32xf32, #tpu.memory_space<hbm>>
          %dma_start3A_95 = arith.constant 0 : i32
          %dma_start3A_96 = arith.constant 0 : i32
          %dma_start3A_97 = tpu.memref_slice %dma_start3A_94[%dma_start3A_95, %dma_start3A_96] : memref<50000x32xf32, #tpu.memory_space<hbm>> -> memref<50000x32xf32, #tpu.memory_space<hbm>>
          tpu.enqueue_indirect_dma source(%dma_start3A_97 : memref<50000x32xf32, #tpu.memory_space<hbm>>) target(%arg9 : memref<125x32xf32, #tpu.memory_space<vmem>>) offsets(%dma_start3A_90 : memref<125xi32, #tpu.memory_space<vmem>>) semaphore(%arg12 : memref<!tpu.dma_semaphore, #tpu.memory_space<semaphore_mem>>)
        } else {
        }
        %dma_wait3A_73 = arith.constant 0 : i32
        %dma_wait3A_74 = arith.constant 0 : i32
        %dma_wait3A_75 = tpu.memref_slice %arg7[%dma_wait3A_73, %dma_wait3A_74] : memref<80x125xi32, #tpu.memory_space<vmem>> -> memref<1x125xi32, #tpu.memory_space<vmem>>
        %dma_wait3A_76 = tpu.memref_squeeze %dma_wait3A_75 : memref<1x125xi32, #tpu.memory_space<vmem>> -> memref<125xi32, #tpu.memory_space<vmem>>
        %dma_wait3A_77 = arith.constant 0 : i32
        %dma_wait3A_78 = arith.constant 0 : i32
        %dma_wait3A_79 = tpu.memref_slice %arg4[%cond3A_12, %dma_wait3A_77, %dma_wait3A_78] : memref<4x50000x32xf32, #tpu.memory_space<hbm>> -> memref<1x50000x32xf32, #tpu.memory_space<hbm>>
        %dma_wait3A_80 = tpu.memref_squeeze %dma_wait3A_79 : memref<1x50000x32xf32, #tpu.memory_space<hbm>> -> memref<50000x32xf32, #tpu.memory_space<hbm>>
        %dma_wait3A_81 = arith.constant 0 : i32
        %dma_wait3A_82 = arith.constant 0 : i32
        %dma_wait3A_83 = tpu.memref_slice %dma_wait3A_80[%dma_wait3A_81, %dma_wait3A_82] : memref<50000x32xf32, #tpu.memory_space<hbm>> -> memref<50000x32xf32, #tpu.memory_space<hbm>>
        tpu.wait_indirect_dma semaphore(%arg13 : memref<!tpu.dma_semaphore, #tpu.memory_space<semaphore_mem>>) src(%dma_wait3A_83 : memref<50000x32xf32, #tpu.memory_space<hbm>>) dst(%arg10 : memref<125x32xf32, #tpu.memory_space<vmem>>)
        %add3A_84 = arith.constant 1 : i32
        %add3A_85 = arith.addi %add3A_44, %add3A_84 : i32
        "tpu.region"() ({
          %run_scoped3A_86 = tpu.sem_alloc : memref<!tpu.dma_semaphore, #tpu.memory_space<semaphore_mem>>
          %dma_start3A_87 = arith.constant 0 : i32
          %dma_start3A_88 = tpu.memref_slice %arg8[%add3A_85, %dma_start3A_87] : memref<80x125xi32, #tpu.memory_space<vmem>> -> memref<1x125xi32, #tpu.memory_space<vmem>>
          %dma_start3A_89 = tpu.memref_squeeze %dma_start3A_88 : memref<1x125xi32, #tpu.memory_space<vmem>> -> memref<125xi32, #tpu.memory_space<vmem>>
          %dma_start3A_90 = arith.constant 0 : i32
          %dma_start3A_91 = arith.constant 0 : i32
          %dma_start3A_92 = tpu.memref_slice %arg11[%dma_start3A_90, %dma_start3A_91] : memref<50048x32xf32, #tpu.memory_space<vmem_shared>> -> memref<50048x32xf32, #tpu.memory_space<vmem_shared>>
          tpu.enqueue_indirect_dma source(%arg10 : memref<125x32xf32, #tpu.memory_space<vmem>>) target(%dma_start3A_92 : memref<50048x32xf32, #tpu.memory_space<vmem_shared>>) offsets(%dma_start3A_89 : memref<125xi32, #tpu.memory_space<vmem>>) semaphore(%run_scoped3A_86 : memref<!tpu.dma_semaphore, #tpu.memory_space<semaphore_mem>>) {add = true}
          %dma_wait3A_93 = arith.constant 0 : i32
          %dma_wait3A_94 = tpu.memref_slice %arg8[%add3A_85, %dma_wait3A_93] : memref<80x125xi32, #tpu.memory_space<vmem>> -> memref<1x125xi32, #tpu.memory_space<vmem>>
          %dma_wait3A_95 = tpu.memref_squeeze %dma_wait3A_94 : memref<1x125xi32, #tpu.memory_space<vmem>> -> memref<125xi32, #tpu.memory_space<vmem>>
          %dma_wait3A_96 = arith.constant 0 : i32
          %dma_wait3A_97 = arith.constant 0 : i32
          %dma_wait3A_98 = tpu.memref_slice %arg11[%dma_wait3A_96, %dma_wait3A_97] : memref<50048x32xf32, #tpu.memory_space<vmem_shared>> -> memref<50048x32xf32, #tpu.memory_space<vmem_shared>>
          tpu.wait_indirect_dma semaphore(%run_scoped3A_86 : memref<!tpu.dma_semaphore, #tpu.memory_space<semaphore_mem>>) src(%arg10 : memref<125x32xf32, #tpu.memory_space<vmem>>) dst(%dma_wait3A_98 : memref<50048x32xf32, #tpu.memory_space<vmem_shared>>)
          tpu.yield
        }) : () -> ()
      }
      %scan3A_35 = arith.constant 40 : i32
      %barrier3A_36 = arith.constant 0 : index
      tpu.barrier barrier_id(%barrier3A_36)
      %mul3A_37 = arith.constant 3128 : i32
      %mul3A_38 = arith.muli %arg1, %mul3A_37 : i32
      %mul3A_39 = arith.constant 3128 : i32
      %mul3A_40 = arith.muli %arg1, %mul3A_39 : i32
      %run_scoped3A = arith.constant 0 : i32
      "tpu.region"() ({
        %run_scoped3A_41 = tpu.sem_alloc : memref<!tpu.dma_semaphore, #tpu.memory_space<semaphore_mem>>
        %dma_start3A_42 = arith.constant 0 : i32
        %dma_start3A_43 = tpu.memref_slice %arg6[%arg0, %run_scoped3A, %mul3A_40, %dma_start3A_42] : memref<2x2x50048x32xf32, #tpu.memory_space<hbm>> -> memref<1x1x3128x32xf32, #tpu.memory_space<hbm>>
        %dma_start3A_44 = tpu.memref_squeeze %dma_start3A_43 : memref<1x1x3128x32xf32, #tpu.memory_space<hbm>> -> memref<3128x32xf32, #tpu.memory_space<hbm>>
        %dma_start3A_45 = arith.constant 0 : i32
        %dma_start3A_46 = tpu.memref_slice %arg11[%mul3A_38, %dma_start3A_45] : memref<50048x32xf32, #tpu.memory_space<vmem_shared>> -> memref<3128x32xf32, #tpu.memory_space<vmem_shared>>
        tpu.enqueue_dma source(%dma_start3A_46 : memref<3128x32xf32, #tpu.memory_space<vmem_shared>>) target(%dma_start3A_44 : memref<3128x32xf32, #tpu.memory_space<hbm>>) target_semaphore(%run_scoped3A_41 : memref<!tpu.dma_semaphore, #tpu.memory_space<semaphore_mem>>)
        %dma_wait3A = arith.constant 0 : i32
        %dma_wait3A_47 = tpu.memref_slice %arg6[%arg0, %run_scoped3A, %mul3A_40, %dma_wait3A] : memref<2x2x50048x32xf32, #tpu.memory_space<hbm>> -> memref<1x1x3128x32xf32, #tpu.memory_space<hbm>>
        %dma_wait3A_48 = tpu.memref_squeeze %dma_wait3A_47 : memref<1x1x3128x32xf32, #tpu.memory_space<hbm>> -> memref<3128x32xf32, #tpu.memory_space<hbm>>
        %dma_wait3A_49 = arith.constant 0 : i32
        %dma_wait3A_50 = tpu.memref_slice %arg11[%mul3A_38, %dma_wait3A_49] : memref<50048x32xf32, #tpu.memory_space<vmem_shared>> -> memref<3128x32xf32, #tpu.memory_space<vmem_shared>>
        tpu.wait_dma2 semaphore(%run_scoped3A_41 : memref<!tpu.dma_semaphore, #tpu.memory_space<semaphore_mem>>) src(%dma_wait3A_50 : memref<3128x32xf32, #tpu.memory_space<vmem_shared>>) dst(%dma_wait3A_48 : memref<3128x32xf32, #tpu.memory_space<hbm>>)
        tpu.yield
      }) : () -> ()
    } else {
    }
    %eq3A_15 = arith.constant 1 : i32
    %eq3A_16 = arith.cmpi eq, %arg0, %eq3A_15 : i32
    %convert_element_type3A_17 = arith.extui %eq3A_16 : i1 to i32
    %cond3A_18 = arith.constant 3 : i32
    %cond3A_19 = arith.constant 0 : i32
    %cond3A_20 = arith.cmpi ne, %convert_element_type3A_17, %cond3A_19 : i32
    scf.if %cond3A_20 {
      %mul3A = arith.constant 3128 : i32
      %mul3A_21 = arith.muli %arg1, %mul3A : i32
      "tpu.region"() ({
        %run_scoped3A_41 = tpu.sem_alloc : memref<!tpu.dma_semaphore, #tpu.memory_space<semaphore_mem>>
        %dma_start3A_42 = arith.constant 0 : i32
        %dma_start3A_43 = tpu.memref_slice %arg11[%mul3A_21, %dma_start3A_42] : memref<50048x32xf32, #tpu.memory_space<vmem_shared>> -> memref<3128x32xf32, #tpu.memory_space<vmem_shared>>
        tpu.enqueue_dma source(%arg5 : memref<3128x32xf32, #tpu.memory_space<hbm>>) target(%dma_start3A_43 : memref<3128x32xf32, #tpu.memory_space<vmem_shared>>) target_semaphore(%run_scoped3A_41 : memref<!tpu.dma_semaphore, #tpu.memory_space<semaphore_mem>>)
        %dma_wait3A = arith.constant 0 : i32
        %dma_wait3A_44 = tpu.memref_slice %arg11[%mul3A_21, %dma_wait3A] : memref<50048x32xf32, #tpu.memory_space<vmem_shared>> -> memref<3128x32xf32, #tpu.memory_space<vmem_shared>>
        tpu.wait_dma2 semaphore(%run_scoped3A_41 : memref<!tpu.dma_semaphore, #tpu.memory_space<semaphore_mem>>) src(%arg5 : memref<3128x32xf32, #tpu.memory_space<hbm>>) dst(%dma_wait3A_44 : memref<3128x32xf32, #tpu.memory_space<vmem_shared>>)
        tpu.yield
      }) : () -> ()
      %barrier3A = arith.constant 0 : index
      tpu.barrier barrier_id(%barrier3A)
      %dma_start3A = arith.constant 0 : i32
      %dma_start3A_22 = arith.constant 0 : i32
      %dma_start3A_23 = tpu.memref_slice %arg7[%dma_start3A, %dma_start3A_22] : memref<80x125xi32, #tpu.memory_space<vmem>> -> memref<1x125xi32, #tpu.memory_space<vmem>>
      %dma_start3A_24 = tpu.memref_squeeze %dma_start3A_23 : memref<1x125xi32, #tpu.memory_space<vmem>> -> memref<125xi32, #tpu.memory_space<vmem>>
      %dma_start3A_25 = arith.constant 0 : i32
      %dma_start3A_26 = arith.constant 0 : i32
      %dma_start3A_27 = tpu.memref_slice %arg4[%cond3A_18, %dma_start3A_25, %dma_start3A_26] : memref<4x50000x32xf32, #tpu.memory_space<hbm>> -> memref<1x50000x32xf32, #tpu.memory_space<hbm>>
      %dma_start3A_28 = tpu.memref_squeeze %dma_start3A_27 : memref<1x50000x32xf32, #tpu.memory_space<hbm>> -> memref<50000x32xf32, #tpu.memory_space<hbm>>
      %dma_start3A_29 = arith.constant 0 : i32
      %dma_start3A_30 = arith.constant 0 : i32
      %dma_start3A_31 = tpu.memref_slice %dma_start3A_28[%dma_start3A_29, %dma_start3A_30] : memref<50000x32xf32, #tpu.memory_space<hbm>> -> memref<50000x32xf32, #tpu.memory_space<hbm>>
      tpu.enqueue_indirect_dma source(%dma_start3A_31 : memref<50000x32xf32, #tpu.memory_space<hbm>>) target(%arg9 : memref<125x32xf32, #tpu.memory_space<vmem>>) offsets(%dma_start3A_24 : memref<125xi32, #tpu.memory_space<vmem>>) semaphore(%arg12 : memref<!tpu.dma_semaphore, #tpu.memory_space<semaphore_mem>>)
      %scan3A = arith.constant 0 : i32
      %scan3A_32 = arith.constant 40 : i32
      %scan3A_33 = arith.addi %scan3A, %scan3A_32 : i32
      %scan3A_34 = arith.constant 1 : i32
      scf.for %scan3A_41 = %scan3A to %scan3A_33 step %scan3A_34  : i32 {
        %mul3A_42 = arith.constant 2 : i32
        %mul3A_43 = arith.muli %scan3A_41, %mul3A_42 : i32
        %add3A = arith.constant 0 : i32
        %add3A_44 = arith.addi %add3A, %mul3A_43 : i32
        %add3A_45 = arith.constant 1 : i32
        %add3A_46 = arith.addi %add3A_44, %add3A_45 : i32
        %dma_start3A_47 = arith.constant 0 : i32
        %dma_start3A_48 = tpu.memref_slice %arg7[%add3A_46, %dma_start3A_47] : memref<80x125xi32, #tpu.memory_space<vmem>> -> memref<1x125xi32, #tpu.memory_space<vmem>>
        %dma_start3A_49 = tpu.memref_squeeze %dma_start3A_48 : memref<1x125xi32, #tpu.memory_space<vmem>> -> memref<125xi32, #tpu.memory_space<vmem>>
        %dma_start3A_50 = arith.constant 0 : i32
        %dma_start3A_51 = arith.constant 0 : i32
        %dma_start3A_52 = tpu.memref_slice %arg4[%cond3A_18, %dma_start3A_50, %dma_start3A_51] : memref<4x50000x32xf32, #tpu.memory_space<hbm>> -> memref<1x50000x32xf32, #tpu.memory_space<hbm>>
        %dma_start3A_53 = tpu.memref_squeeze %dma_start3A_52 : memref<1x50000x32xf32, #tpu.memory_space<hbm>> -> memref<50000x32xf32, #tpu.memory_space<hbm>>
        %dma_start3A_54 = arith.constant 0 : i32
        %dma_start3A_55 = arith.constant 0 : i32
        %dma_start3A_56 = tpu.memref_slice %dma_start3A_53[%dma_start3A_54, %dma_start3A_55] : memref<50000x32xf32, #tpu.memory_space<hbm>> -> memref<50000x32xf32, #tpu.memory_space<hbm>>
        tpu.enqueue_indirect_dma source(%dma_start3A_56 : memref<50000x32xf32, #tpu.memory_space<hbm>>) target(%arg10 : memref<125x32xf32, #tpu.memory_space<vmem>>) offsets(%dma_start3A_49 : memref<125xi32, #tpu.memory_space<vmem>>) semaphore(%arg13 : memref<!tpu.dma_semaphore, #tpu.memory_space<semaphore_mem>>)
        %dma_wait3A = arith.constant 0 : i32
        %dma_wait3A_57 = arith.constant 0 : i32
        %dma_wait3A_58 = tpu.memref_slice %arg7[%dma_wait3A, %dma_wait3A_57] : memref<80x125xi32, #tpu.memory_space<vmem>> -> memref<1x125xi32, #tpu.memory_space<vmem>>
        %dma_wait3A_59 = tpu.memref_squeeze %dma_wait3A_58 : memref<1x125xi32, #tpu.memory_space<vmem>> -> memref<125xi32, #tpu.memory_space<vmem>>
        %dma_wait3A_60 = arith.constant 0 : i32
        %dma_wait3A_61 = arith.constant 0 : i32
        %dma_wait3A_62 = tpu.memref_slice %arg4[%cond3A_18, %dma_wait3A_60, %dma_wait3A_61] : memref<4x50000x32xf32, #tpu.memory_space<hbm>> -> memref<1x50000x32xf32, #tpu.memory_space<hbm>>
        %dma_wait3A_63 = tpu.memref_squeeze %dma_wait3A_62 : memref<1x50000x32xf32, #tpu.memory_space<hbm>> -> memref<50000x32xf32, #tpu.memory_space<hbm>>
        %dma_wait3A_64 = arith.constant 0 : i32
        %dma_wait3A_65 = arith.constant 0 : i32
        %dma_wait3A_66 = tpu.memref_slice %dma_wait3A_63[%dma_wait3A_64, %dma_wait3A_65] : memref<50000x32xf32, #tpu.memory_space<hbm>> -> memref<50000x32xf32, #tpu.memory_space<hbm>>
        tpu.wait_indirect_dma semaphore(%arg12 : memref<!tpu.dma_semaphore, #tpu.memory_space<semaphore_mem>>) src(%dma_wait3A_66 : memref<50000x32xf32, #tpu.memory_space<hbm>>) dst(%arg9 : memref<125x32xf32, #tpu.memory_space<vmem>>)
        "tpu.region"() ({
          %run_scoped3A_86 = tpu.sem_alloc : memref<!tpu.dma_semaphore, #tpu.memory_space<semaphore_mem>>
          %dma_start3A_87 = arith.constant 0 : i32
          %dma_start3A_88 = tpu.memref_slice %arg8[%add3A_44, %dma_start3A_87] : memref<80x125xi32, #tpu.memory_space<vmem>> -> memref<1x125xi32, #tpu.memory_space<vmem>>
          %dma_start3A_89 = tpu.memref_squeeze %dma_start3A_88 : memref<1x125xi32, #tpu.memory_space<vmem>> -> memref<125xi32, #tpu.memory_space<vmem>>
          %dma_start3A_90 = arith.constant 0 : i32
          %dma_start3A_91 = arith.constant 0 : i32
          %dma_start3A_92 = tpu.memref_slice %arg11[%dma_start3A_90, %dma_start3A_91] : memref<50048x32xf32, #tpu.memory_space<vmem_shared>> -> memref<50048x32xf32, #tpu.memory_space<vmem_shared>>
          tpu.enqueue_indirect_dma source(%arg9 : memref<125x32xf32, #tpu.memory_space<vmem>>) target(%dma_start3A_92 : memref<50048x32xf32, #tpu.memory_space<vmem_shared>>) offsets(%dma_start3A_89 : memref<125xi32, #tpu.memory_space<vmem>>) semaphore(%run_scoped3A_86 : memref<!tpu.dma_semaphore, #tpu.memory_space<semaphore_mem>>) {add = true}
          %dma_wait3A_93 = arith.constant 0 : i32
          %dma_wait3A_94 = tpu.memref_slice %arg8[%add3A_44, %dma_wait3A_93] : memref<80x125xi32, #tpu.memory_space<vmem>> -> memref<1x125xi32, #tpu.memory_space<vmem>>
          %dma_wait3A_95 = tpu.memref_squeeze %dma_wait3A_94 : memref<1x125xi32, #tpu.memory_space<vmem>> -> memref<125xi32, #tpu.memory_space<vmem>>
          %dma_wait3A_96 = arith.constant 0 : i32
          %dma_wait3A_97 = arith.constant 0 : i32
          %dma_wait3A_98 = tpu.memref_slice %arg11[%dma_wait3A_96, %dma_wait3A_97] : memref<50048x32xf32, #tpu.memory_space<vmem_shared>> -> memref<50048x32xf32, #tpu.memory_space<vmem_shared>>
          tpu.wait_indirect_dma semaphore(%run_scoped3A_86 : memref<!tpu.dma_semaphore, #tpu.memory_space<semaphore_mem>>) src(%arg9 : memref<125x32xf32, #tpu.memory_space<vmem>>) dst(%dma_wait3A_98 : memref<50048x32xf32, #tpu.memory_space<vmem_shared>>)
          tpu.yield
        }) : () -> ()
        %add3A_67 = arith.constant 2 : i32
        %add3A_68 = arith.addi %add3A_44, %add3A_67 : i32
        %lt3A = arith.constant 80 : i32
        %lt3A_69 = arith.cmpi slt, %add3A_68, %lt3A : i32
        %convert_element_type3A_70 = arith.extui %lt3A_69 : i1 to i32
        %cond3A_71 = arith.constant 0 : i32
        %cond3A_72 = arith.cmpi ne, %convert_element_type3A_70, %cond3A_71 : i32
        scf.if %cond3A_72 {
          %add3A_86 = arith.constant 2 : i32
          %add3A_87 = arith.addi %add3A_44, %add3A_86 : i32
          %dma_start3A_88 = arith.constant 0 : i32
          %dma_start3A_89 = tpu.memref_slice %arg7[%add3A_87, %dma_start3A_88] : memref<80x125xi32, #tpu.memory_space<vmem>> -> memref<1x125xi32, #tpu.memory_space<vmem>>
          %dma_start3A_90 = tpu.memref_squeeze %dma_start3A_89 : memref<1x125xi32, #tpu.memory_space<vmem>> -> memref<125xi32, #tpu.memory_space<vmem>>
          %dma_start3A_91 = arith.constant 0 : i32
          %dma_start3A_92 = arith.constant 0 : i32
          %dma_start3A_93 = tpu.memref_slice %arg4[%cond3A_18, %dma_start3A_91, %dma_start3A_92] : memref<4x50000x32xf32, #tpu.memory_space<hbm>> -> memref<1x50000x32xf32, #tpu.memory_space<hbm>>
          %dma_start3A_94 = tpu.memref_squeeze %dma_start3A_93 : memref<1x50000x32xf32, #tpu.memory_space<hbm>> -> memref<50000x32xf32, #tpu.memory_space<hbm>>
          %dma_start3A_95 = arith.constant 0 : i32
          %dma_start3A_96 = arith.constant 0 : i32
          %dma_start3A_97 = tpu.memref_slice %dma_start3A_94[%dma_start3A_95, %dma_start3A_96] : memref<50000x32xf32, #tpu.memory_space<hbm>> -> memref<50000x32xf32, #tpu.memory_space<hbm>>
          tpu.enqueue_indirect_dma source(%dma_start3A_97 : memref<50000x32xf32, #tpu.memory_space<hbm>>) target(%arg9 : memref<125x32xf32, #tpu.memory_space<vmem>>) offsets(%dma_start3A_90 : memref<125xi32, #tpu.memory_space<vmem>>) semaphore(%arg12 : memref<!tpu.dma_semaphore, #tpu.memory_space<semaphore_mem>>)
        } else {
        }
        %dma_wait3A_73 = arith.constant 0 : i32
        %dma_wait3A_74 = arith.constant 0 : i32
        %dma_wait3A_75 = tpu.memref_slice %arg7[%dma_wait3A_73, %dma_wait3A_74] : memref<80x125xi32, #tpu.memory_space<vmem>> -> memref<1x125xi32, #tpu.memory_space<vmem>>
        %dma_wait3A_76 = tpu.memref_squeeze %dma_wait3A_75 : memref<1x125xi32, #tpu.memory_space<vmem>> -> memref<125xi32, #tpu.memory_space<vmem>>
        %dma_wait3A_77 = arith.constant 0 : i32
        %dma_wait3A_78 = arith.constant 0 : i32
        %dma_wait3A_79 = tpu.memref_slice %arg4[%cond3A_18, %dma_wait3A_77, %dma_wait3A_78] : memref<4x50000x32xf32, #tpu.memory_space<hbm>> -> memref<1x50000x32xf32, #tpu.memory_space<hbm>>
        %dma_wait3A_80 = tpu.memref_squeeze %dma_wait3A_79 : memref<1x50000x32xf32, #tpu.memory_space<hbm>> -> memref<50000x32xf32, #tpu.memory_space<hbm>>
        %dma_wait3A_81 = arith.constant 0 : i32
        %dma_wait3A_82 = arith.constant 0 : i32
        %dma_wait3A_83 = tpu.memref_slice %dma_wait3A_80[%dma_wait3A_81, %dma_wait3A_82] : memref<50000x32xf32, #tpu.memory_space<hbm>> -> memref<50000x32xf32, #tpu.memory_space<hbm>>
        tpu.wait_indirect_dma semaphore(%arg13 : memref<!tpu.dma_semaphore, #tpu.memory_space<semaphore_mem>>) src(%dma_wait3A_83 : memref<50000x32xf32, #tpu.memory_space<hbm>>) dst(%arg10 : memref<125x32xf32, #tpu.memory_space<vmem>>)
        %add3A_84 = arith.constant 1 : i32
        %add3A_85 = arith.addi %add3A_44, %add3A_84 : i32
        "tpu.region"() ({
          %run_scoped3A_86 = tpu.sem_alloc : memref<!tpu.dma_semaphore, #tpu.memory_space<semaphore_mem>>
          %dma_start3A_87 = arith.constant 0 : i32
          %dma_start3A_88 = tpu.memref_slice %arg8[%add3A_85, %dma_start3A_87] : memref<80x125xi32, #tpu.memory_space<vmem>> -> memref<1x125xi32, #tpu.memory_space<vmem>>
          %dma_start3A_89 = tpu.memref_squeeze %dma_start3A_88 : memref<1x125xi32, #tpu.memory_space<vmem>> -> memref<125xi32, #tpu.memory_space<vmem>>
          %dma_start3A_90 = arith.constant 0 : i32
          %dma_start3A_91 = arith.constant 0 : i32
          %dma_start3A_92 = tpu.memref_slice %arg11[%dma_start3A_90, %dma_start3A_91] : memref<50048x32xf32, #tpu.memory_space<vmem_shared>> -> memref<50048x32xf32, #tpu.memory_space<vmem_shared>>
          tpu.enqueue_indirect_dma source(%arg10 : memref<125x32xf32, #tpu.memory_space<vmem>>) target(%dma_start3A_92 : memref<50048x32xf32, #tpu.memory_space<vmem_shared>>) offsets(%dma_start3A_89 : memref<125xi32, #tpu.memory_space<vmem>>) semaphore(%run_scoped3A_86 : memref<!tpu.dma_semaphore, #tpu.memory_space<semaphore_mem>>) {add = true}
          %dma_wait3A_93 = arith.constant 0 : i32
          %dma_wait3A_94 = tpu.memref_slice %arg8[%add3A_85, %dma_wait3A_93] : memref<80x125xi32, #tpu.memory_space<vmem>> -> memref<1x125xi32, #tpu.memory_space<vmem>>
          %dma_wait3A_95 = tpu.memref_squeeze %dma_wait3A_94 : memref<1x125xi32, #tpu.memory_space<vmem>> -> memref<125xi32, #tpu.memory_space<vmem>>
          %dma_wait3A_96 = arith.constant 0 : i32
          %dma_wait3A_97 = arith.constant 0 : i32
          %dma_wait3A_98 = tpu.memref_slice %arg11[%dma_wait3A_96, %dma_wait3A_97] : memref<50048x32xf32, #tpu.memory_space<vmem_shared>> -> memref<50048x32xf32, #tpu.memory_space<vmem_shared>>
          tpu.wait_indirect_dma semaphore(%run_scoped3A_86 : memref<!tpu.dma_semaphore, #tpu.memory_space<semaphore_mem>>) src(%arg10 : memref<125x32xf32, #tpu.memory_space<vmem>>) dst(%dma_wait3A_98 : memref<50048x32xf32, #tpu.memory_space<vmem_shared>>)
          tpu.yield
        }) : () -> ()
      }
      %scan3A_35 = arith.constant 40 : i32
      %barrier3A_36 = arith.constant 0 : index
      tpu.barrier barrier_id(%barrier3A_36)
      %mul3A_37 = arith.constant 3128 : i32
      %mul3A_38 = arith.muli %arg1, %mul3A_37 : i32
      %mul3A_39 = arith.constant 3128 : i32
      %mul3A_40 = arith.muli %arg1, %mul3A_39 : i32
      %run_scoped3A = arith.constant 1 : i32
      "tpu.region"() ({
        %run_scoped3A_41 = tpu.sem_alloc : memref<!tpu.dma_semaphore, #tpu.memory_space<semaphore_mem>>
        %dma_start3A_42 = arith.constant 0 : i32
        %dma_start3A_43 = tpu.memref_slice %arg6[%arg0, %run_scoped3A, %mul3A_40, %dma_start3A_42] : memref<2x2x50048x32xf32, #tpu.memory_space<hbm>> -> memref<1x1x3128x32xf32, #tpu.memory_space<hbm>>
        %dma_start3A_44 = tpu.memref_squeeze %dma_start3A_43 : memref<1x1x3128x32xf32, #tpu.memory_space<hbm>> -> memref<3128x32xf32, #tpu.memory_space<hbm>>
        %dma_start3A_45 = arith.constant 0 : i32
        %dma_start3A_46 = tpu.memref_slice %arg11[%mul3A_38, %dma_start3A_45] : memref<50048x32xf32, #tpu.memory_space<vmem_shared>> -> memref<3128x32xf32, #tpu.memory_space<vmem_shared>>
        tpu.enqueue_dma source(%dma_start3A_46 : memref<3128x32xf32, #tpu.memory_space<vmem_shared>>) target(%dma_start3A_44 : memref<3128x32xf32, #tpu.memory_space<hbm>>) target_semaphore(%run_scoped3A_41 : memref<!tpu.dma_semaphore, #tpu.memory_space<semaphore_mem>>)
        %dma_wait3A = arith.constant 0 : i32
        %dma_wait3A_47 = tpu.memref_slice %arg6[%arg0, %run_scoped3A, %mul3A_40, %dma_wait3A] : memref<2x2x50048x32xf32, #tpu.memory_space<hbm>> -> memref<1x1x3128x32xf32, #tpu.memory_space<hbm>>
        %dma_wait3A_48 = tpu.memref_squeeze %dma_wait3A_47 : memref<1x1x3128x32xf32, #tpu.memory_space<hbm>> -> memref<3128x32xf32, #tpu.memory_space<hbm>>
        %dma_wait3A_49 = arith.constant 0 : i32
        %dma_wait3A_50 = tpu.memref_slice %arg11[%mul3A_38, %dma_wait3A_49] : memref<50048x32xf32, #tpu.memory_space<vmem_shared>> -> memref<3128x32xf32, #tpu.memory_space<vmem_shared>>
        tpu.wait_dma2 semaphore(%run_scoped3A_41 : memref<!tpu.dma_semaphore, #tpu.memory_space<semaphore_mem>>) src(%dma_wait3A_50 : memref<3128x32xf32, #tpu.memory_space<vmem_shared>>) dst(%dma_wait3A_48 : memref<3128x32xf32, #tpu.memory_space<hbm>>)
        tpu.yield
      }) : () -> ()
    } else {
    }
    return
  }
}

#map = affine_map<(d0, d1) -> (0, 0, 0, 0)>
#map1 = affine_map<(d0, d1) -> (0, 0)>
#map2 = affine_map<(d0, d1) -> (0, 0, 0)>
module attributes {stable_mosaic.version = 14 : i64} {
  func.func @k(%arg0: i32, %arg1: i32, %arg2: memref<2x16x40x125xi32, #tpu.memory_space<hbm>>, %arg3: memref<3128x16xf32, #tpu.memory_space<hbm>>, %arg4: memref<125x16xf32, #tpu.memory_space<hbm>>, %arg5: memref<2x50048x16xf32, #tpu.memory_space<hbm>>, %arg6: memref<40x125xi32, #tpu.memory_space<vmem>>, %arg7: memref<125x16xf32, #tpu.memory_space<vmem>>, %arg8: memref<50048x16xf32, #tpu.memory_space<vmem_shared>>) attributes {dimension_semantics = [#tpu.dimension_semantics<core_parallel>, #tpu.dimension_semantics<subcore_parallel>], iteration_bounds = array<i64: 2, 16>, scalar_prefetch = 0 : i64, scratch_operands = 3 : i64, tpu.core_type = #tpu.core_type<sc_vector_subcore>, window_params = [{transform_indices = #map}, {transform_indices = #map1}, {transform_indices = #map1}, {transform_indices = #map2}]} {
    %mul3A = arith.constant 3128 : i32
    %mul3A_0 = arith.muli %arg1, %mul3A : i32
    "tpu.region"() ({
      %run_scoped3A = tpu.sem_alloc : memref<!tpu.dma_semaphore, #tpu.memory_space<semaphore_mem>>
      %dma_start3A = arith.constant 0 : i32
      %dma_start3A_10 = tpu.memref_slice %arg8[%mul3A_0, %dma_start3A] : memref<50048x16xf32, #tpu.memory_space<vmem_shared>> -> memref<3128x16xf32, #tpu.memory_space<vmem_shared>>
      tpu.enqueue_dma source(%arg3 : memref<3128x16xf32, #tpu.memory_space<hbm>>) target(%dma_start3A_10 : memref<3128x16xf32, #tpu.memory_space<vmem_shared>>) target_semaphore(%run_scoped3A : memref<!tpu.dma_semaphore, #tpu.memory_space<semaphore_mem>>)
      %dma_wait3A = arith.constant 0 : i32
      %dma_wait3A_11 = tpu.memref_slice %arg8[%mul3A_0, %dma_wait3A] : memref<50048x16xf32, #tpu.memory_space<vmem_shared>> -> memref<3128x16xf32, #tpu.memory_space<vmem_shared>>
      tpu.wait_dma2 semaphore(%run_scoped3A : memref<!tpu.dma_semaphore, #tpu.memory_space<semaphore_mem>>) src(%arg3 : memref<3128x16xf32, #tpu.memory_space<hbm>>) dst(%dma_wait3A_11 : memref<3128x16xf32, #tpu.memory_space<vmem_shared>>)
      tpu.yield
    }) : () -> ()
    "tpu.region"() ({
      %run_scoped3A = tpu.sem_alloc : memref<!tpu.dma_semaphore, #tpu.memory_space<semaphore_mem>>
      tpu.enqueue_dma source(%arg4 : memref<125x16xf32, #tpu.memory_space<hbm>>) target(%arg7 : memref<125x16xf32, #tpu.memory_space<vmem>>) target_semaphore(%run_scoped3A : memref<!tpu.dma_semaphore, #tpu.memory_space<semaphore_mem>>)
      tpu.wait_dma2 semaphore(%run_scoped3A : memref<!tpu.dma_semaphore, #tpu.memory_space<semaphore_mem>>) src(%arg4 : memref<125x16xf32, #tpu.memory_space<hbm>>) dst(%arg7 : memref<125x16xf32, #tpu.memory_space<vmem>>)
      tpu.yield
    }) : () -> ()
    "tpu.region"() ({
      %run_scoped3A = tpu.sem_alloc : memref<!tpu.dma_semaphore, #tpu.memory_space<semaphore_mem>>
      %dma_start3A = arith.constant 0 : i32
      %dma_start3A_10 = arith.constant 0 : i32
      %dma_start3A_11 = tpu.memref_slice %arg2[%arg0, %arg1, %dma_start3A, %dma_start3A_10] : memref<2x16x40x125xi32, #tpu.memory_space<hbm>> -> memref<1x1x40x125xi32, #tpu.memory_space<hbm>>
      %dma_start3A_12 = tpu.memref_squeeze %dma_start3A_11 : memref<1x1x40x125xi32, #tpu.memory_space<hbm>> -> memref<40x125xi32, #tpu.memory_space<hbm>>
      %dma_start3A_13 = arith.constant 0 : i32
      %dma_start3A_14 = arith.constant 0 : i32
      %dma_start3A_15 = tpu.memref_slice %arg2[%arg0, %arg1, %dma_start3A_13, %dma_start3A_14] : memref<2x16x40x125xi32, #tpu.memory_space<hbm>> -> memref<1x1x40x125xi32, #tpu.memory_space<hbm>>
      %dma_start3A_16 = tpu.memref_squeeze %dma_start3A_15 : memref<1x1x40x125xi32, #tpu.memory_space<hbm>> -> memref<40x125xi32, #tpu.memory_space<hbm>>
      tpu.enqueue_dma source(%dma_start3A_16 : memref<40x125xi32, #tpu.memory_space<hbm>>) target(%arg6 : memref<40x125xi32, #tpu.memory_space<vmem>>) target_semaphore(%run_scoped3A : memref<!tpu.dma_semaphore, #tpu.memory_space<semaphore_mem>>)
      %dma_wait3A = arith.constant 0 : i32
      %dma_wait3A_17 = arith.constant 0 : i32
      %dma_wait3A_18 = tpu.memref_slice %arg2[%arg0, %arg1, %dma_wait3A, %dma_wait3A_17] : memref<2x16x40x125xi32, #tpu.memory_space<hbm>> -> memref<1x1x40x125xi32, #tpu.memory_space<hbm>>
      %dma_wait3A_19 = tpu.memref_squeeze %dma_wait3A_18 : memref<1x1x40x125xi32, #tpu.memory_space<hbm>> -> memref<40x125xi32, #tpu.memory_space<hbm>>
      %dma_wait3A_20 = arith.constant 0 : i32
      %dma_wait3A_21 = arith.constant 0 : i32
      %dma_wait3A_22 = tpu.memref_slice %arg2[%arg0, %arg1, %dma_wait3A_20, %dma_wait3A_21] : memref<2x16x40x125xi32, #tpu.memory_space<hbm>> -> memref<1x1x40x125xi32, #tpu.memory_space<hbm>>
      %dma_wait3A_23 = tpu.memref_squeeze %dma_wait3A_22 : memref<1x1x40x125xi32, #tpu.memory_space<hbm>> -> memref<40x125xi32, #tpu.memory_space<hbm>>
      tpu.wait_dma2 semaphore(%run_scoped3A : memref<!tpu.dma_semaphore, #tpu.memory_space<semaphore_mem>>) src(%dma_wait3A_23 : memref<40x125xi32, #tpu.memory_space<hbm>>) dst(%arg6 : memref<40x125xi32, #tpu.memory_space<vmem>>)
      tpu.yield
    }) : () -> ()
    %barrier3A = arith.constant 0 : index
    tpu.barrier barrier_id(%barrier3A)
    %scan3A = arith.constant 0 : i32
    %scan3A_1 = arith.constant 40 : i32
    %scan3A_2 = arith.addi %scan3A, %scan3A_1 : i32
    %scan3A_3 = arith.constant 1 : i32
    scf.for %scan3A_10 = %scan3A to %scan3A_2 step %scan3A_3  : i32 {
      %mul3A_11 = arith.constant 1 : i32
      %mul3A_12 = arith.muli %scan3A_10, %mul3A_11 : i32
      %add3A = arith.constant 0 : i32
      %add3A_13 = arith.addi %add3A, %mul3A_12 : i32
      "tpu.region"() ({
        %run_scoped3A = tpu.sem_alloc : memref<!tpu.dma_semaphore, #tpu.memory_space<semaphore_mem>>
        %dma_start3A = arith.constant 0 : i32
        %dma_start3A_14 = tpu.memref_slice %arg6[%add3A_13, %dma_start3A] : memref<40x125xi32, #tpu.memory_space<vmem>> -> memref<1x125xi32, #tpu.memory_space<vmem>>
        %dma_start3A_15 = tpu.memref_squeeze %dma_start3A_14 : memref<1x125xi32, #tpu.memory_space<vmem>> -> memref<125xi32, #tpu.memory_space<vmem>>
        %dma_start3A_16 = arith.constant 0 : i32
        %dma_start3A_17 = arith.constant 0 : i32
        %dma_start3A_18 = tpu.memref_slice %arg8[%dma_start3A_16, %dma_start3A_17] : memref<50048x16xf32, #tpu.memory_space<vmem_shared>> -> memref<50048x16xf32, #tpu.memory_space<vmem_shared>>
        tpu.enqueue_indirect_dma source(%arg7 : memref<125x16xf32, #tpu.memory_space<vmem>>) target(%dma_start3A_18 : memref<50048x16xf32, #tpu.memory_space<vmem_shared>>) offsets(%dma_start3A_15 : memref<125xi32, #tpu.memory_space<vmem>>) semaphore(%run_scoped3A : memref<!tpu.dma_semaphore, #tpu.memory_space<semaphore_mem>>) {add = true}
        %dma_wait3A = arith.constant 0 : i32
        %dma_wait3A_19 = tpu.memref_slice %arg6[%add3A_13, %dma_wait3A] : memref<40x125xi32, #tpu.memory_space<vmem>> -> memref<1x125xi32, #tpu.memory_space<vmem>>
        %dma_wait3A_20 = tpu.memref_squeeze %dma_wait3A_19 : memref<1x125xi32, #tpu.memory_space<vmem>> -> memref<125xi32, #tpu.memory_space<vmem>>
        %dma_wait3A_21 = arith.constant 0 : i32
        %dma_wait3A_22 = arith.constant 0 : i32
        %dma_wait3A_23 = tpu.memref_slice %arg8[%dma_wait3A_21, %dma_wait3A_22] : memref<50048x16xf32, #tpu.memory_space<vmem_shared>> -> memref<50048x16xf32, #tpu.memory_space<vmem_shared>>
        tpu.wait_indirect_dma semaphore(%run_scoped3A : memref<!tpu.dma_semaphore, #tpu.memory_space<semaphore_mem>>) src(%arg7 : memref<125x16xf32, #tpu.memory_space<vmem>>) dst(%dma_wait3A_23 : memref<50048x16xf32, #tpu.memory_space<vmem_shared>>)
        tpu.yield
      }) : () -> ()
    }
    %scan3A_4 = arith.constant 40 : i32
    %barrier3A_5 = arith.constant 0 : index
    tpu.barrier barrier_id(%barrier3A_5)
    %mul3A_6 = arith.constant 3128 : i32
    %mul3A_7 = arith.muli %arg1, %mul3A_6 : i32
    %mul3A_8 = arith.constant 3128 : i32
    %mul3A_9 = arith.muli %arg1, %mul3A_8 : i32
    "tpu.region"() ({
      %run_scoped3A = tpu.sem_alloc : memref<!tpu.dma_semaphore, #tpu.memory_space<semaphore_mem>>
      %dma_start3A = arith.constant 0 : i32
      %dma_start3A_10 = tpu.memref_slice %arg5[%arg0, %mul3A_9, %dma_start3A] : memref<2x50048x16xf32, #tpu.memory_space<hbm>> -> memref<1x3128x16xf32, #tpu.memory_space<hbm>>
      %dma_start3A_11 = tpu.memref_squeeze %dma_start3A_10 : memref<1x3128x16xf32, #tpu.memory_space<hbm>> -> memref<3128x16xf32, #tpu.memory_space<hbm>>
      %dma_start3A_12 = arith.constant 0 : i32
      %dma_start3A_13 = tpu.memref_slice %arg8[%mul3A_7, %dma_start3A_12] : memref<50048x16xf32, #tpu.memory_space<vmem_shared>> -> memref<3128x16xf32, #tpu.memory_space<vmem_shared>>
      tpu.enqueue_dma source(%dma_start3A_13 : memref<3128x16xf32, #tpu.memory_space<vmem_shared>>) target(%dma_start3A_11 : memref<3128x16xf32, #tpu.memory_space<hbm>>) target_semaphore(%run_scoped3A : memref<!tpu.dma_semaphore, #tpu.memory_space<semaphore_mem>>)
      %dma_wait3A = arith.constant 0 : i32
      %dma_wait3A_14 = tpu.memref_slice %arg5[%arg0, %mul3A_9, %dma_wait3A] : memref<2x50048x16xf32, #tpu.memory_space<hbm>> -> memref<1x3128x16xf32, #tpu.memory_space<hbm>>
      %dma_wait3A_15 = tpu.memref_squeeze %dma_wait3A_14 : memref<1x3128x16xf32, #tpu.memory_space<hbm>> -> memref<3128x16xf32, #tpu.memory_space<hbm>>
      %dma_wait3A_16 = arith.constant 0 : i32
      %dma_wait3A_17 = tpu.memref_slice %arg8[%mul3A_7, %dma_wait3A_16] : memref<50048x16xf32, #tpu.memory_space<vmem_shared>> -> memref<3128x16xf32, #tpu.memory_space<vmem_shared>>
      tpu.wait_dma2 semaphore(%run_scoped3A : memref<!tpu.dma_semaphore, #tpu.memory_space<semaphore_mem>>) src(%dma_wait3A_17 : memref<3128x16xf32, #tpu.memory_space<vmem_shared>>) dst(%dma_wait3A_15 : memref<3128x16xf32, #tpu.memory_space<hbm>>)
      tpu.yield
    }) : () -> ()
    return
  }
}

#map = affine_map<(d0, d1) -> (0, 0)>
#map1 = affine_map<(d0, d1) -> (0, 0, 0, 0)>
#map2 = affine_map<(d0, d1) -> (0, 0, 0)>
module attributes {stable_mosaic.version = 14 : i64} {
  func.func @k(%arg0: i32, %arg1: i32, %arg2: memref<50000x128xf32, #tpu.memory_space<hbm>>, %arg3: memref<2x16x40x125xi32, #tpu.memory_space<hbm>>, %arg4: memref<2x80000x128xf32, #tpu.memory_space<hbm>>, %arg5: memref<40x125xi32, #tpu.memory_space<vmem>>, %arg6: memref<125x128xf32, #tpu.memory_space<vmem>>, %arg7: memref<125x128xf32, #tpu.memory_space<vmem>>, %arg8: memref<!tpu.dma_semaphore, #tpu.memory_space<semaphore_mem>>, %arg9: memref<!tpu.dma_semaphore, #tpu.memory_space<semaphore_mem>>) attributes {dimension_semantics = [#tpu.dimension_semantics<core_parallel>, #tpu.dimension_semantics<subcore_parallel>], iteration_bounds = array<i64: 2, 16>, scalar_prefetch = 0 : i64, scratch_operands = 5 : i64, tpu.core_type = #tpu.core_type<sc_vector_subcore>, window_params = [{transform_indices = #map}, {transform_indices = #map1}, {transform_indices = #map2}]} {
    "tpu.region"() ({
      %run_scoped3A = tpu.sem_alloc : memref<!tpu.dma_semaphore, #tpu.memory_space<semaphore_mem>>
      %dma_start3A_11 = arith.constant 0 : i32
      %dma_start3A_12 = arith.constant 0 : i32
      %dma_start3A_13 = tpu.memref_slice %arg3[%arg0, %arg1, %dma_start3A_11, %dma_start3A_12] : memref<2x16x40x125xi32, #tpu.memory_space<hbm>> -> memref<1x1x40x125xi32, #tpu.memory_space<hbm>>
      %dma_start3A_14 = tpu.memref_squeeze %dma_start3A_13 : memref<1x1x40x125xi32, #tpu.memory_space<hbm>> -> memref<40x125xi32, #tpu.memory_space<hbm>>
      %dma_start3A_15 = arith.constant 0 : i32
      %dma_start3A_16 = arith.constant 0 : i32
      %dma_start3A_17 = tpu.memref_slice %arg3[%arg0, %arg1, %dma_start3A_15, %dma_start3A_16] : memref<2x16x40x125xi32, #tpu.memory_space<hbm>> -> memref<1x1x40x125xi32, #tpu.memory_space<hbm>>
      %dma_start3A_18 = tpu.memref_squeeze %dma_start3A_17 : memref<1x1x40x125xi32, #tpu.memory_space<hbm>> -> memref<40x125xi32, #tpu.memory_space<hbm>>
      tpu.enqueue_dma source(%dma_start3A_18 : memref<40x125xi32, #tpu.memory_space<hbm>>) target(%arg5 : memref<40x125xi32, #tpu.memory_space<vmem>>) target_semaphore(%run_scoped3A : memref<!tpu.dma_semaphore, #tpu.memory_space<semaphore_mem>>)
      %dma_wait3A = arith.constant 0 : i32
      %dma_wait3A_19 = arith.constant 0 : i32
      %dma_wait3A_20 = tpu.memref_slice %arg3[%arg0, %arg1, %dma_wait3A, %dma_wait3A_19] : memref<2x16x40x125xi32, #tpu.memory_space<hbm>> -> memref<1x1x40x125xi32, #tpu.memory_space<hbm>>
      %dma_wait3A_21 = tpu.memref_squeeze %dma_wait3A_20 : memref<1x1x40x125xi32, #tpu.memory_space<hbm>> -> memref<40x125xi32, #tpu.memory_space<hbm>>
      %dma_wait3A_22 = arith.constant 0 : i32
      %dma_wait3A_23 = arith.constant 0 : i32
      %dma_wait3A_24 = tpu.memref_slice %arg3[%arg0, %arg1, %dma_wait3A_22, %dma_wait3A_23] : memref<2x16x40x125xi32, #tpu.memory_space<hbm>> -> memref<1x1x40x125xi32, #tpu.memory_space<hbm>>
      %dma_wait3A_25 = tpu.memref_squeeze %dma_wait3A_24 : memref<1x1x40x125xi32, #tpu.memory_space<hbm>> -> memref<40x125xi32, #tpu.memory_space<hbm>>
      tpu.wait_dma2 semaphore(%run_scoped3A : memref<!tpu.dma_semaphore, #tpu.memory_space<semaphore_mem>>) src(%dma_wait3A_25 : memref<40x125xi32, #tpu.memory_space<hbm>>) dst(%arg5 : memref<40x125xi32, #tpu.memory_space<vmem>>)
      tpu.yield
    }) : () -> ()
    %mul3A = arith.constant 5000 : i32
    %mul3A_0 = arith.muli %arg1, %mul3A : i32
    %dma_start3A = arith.constant 0 : i32
    %dma_start3A_1 = arith.constant 0 : i32
    %dma_start3A_2 = tpu.memref_slice %arg5[%dma_start3A, %dma_start3A_1] : memref<40x125xi32, #tpu.memory_space<vmem>> -> memref<1x125xi32, #tpu.memory_space<vmem>>
    %dma_start3A_3 = tpu.memref_squeeze %dma_start3A_2 : memref<1x125xi32, #tpu.memory_space<vmem>> -> memref<125xi32, #tpu.memory_space<vmem>>
    %dma_start3A_4 = arith.constant 0 : i32
    %dma_start3A_5 = arith.constant 0 : i32
    %dma_start3A_6 = tpu.memref_slice %arg2[%dma_start3A_4, %dma_start3A_5] : memref<50000x128xf32, #tpu.memory_space<hbm>> -> memref<50000x128xf32, #tpu.memory_space<hbm>>
    tpu.enqueue_indirect_dma source(%dma_start3A_6 : memref<50000x128xf32, #tpu.memory_space<hbm>>) target(%arg6 : memref<125x128xf32, #tpu.memory_space<vmem>>) offsets(%dma_start3A_3 : memref<125xi32, #tpu.memory_space<vmem>>) semaphore(%arg8 : memref<!tpu.dma_semaphore, #tpu.memory_space<semaphore_mem>>)
    %scan3A = arith.constant 0 : i32
    %scan3A_7 = arith.constant 20 : i32
    %scan3A_8 = arith.addi %scan3A, %scan3A_7 : i32
    %scan3A_9 = arith.constant 1 : i32
    scf.for %scan3A_11 = %scan3A to %scan3A_8 step %scan3A_9  : i32 {
      %mul3A_12 = arith.constant 2 : i32
      %mul3A_13 = arith.muli %scan3A_11, %mul3A_12 : i32
      %add3A = arith.constant 0 : i32
      %add3A_14 = arith.addi %add3A, %mul3A_13 : i32
      %add3A_15 = arith.constant 1 : i32
      %add3A_16 = arith.addi %add3A_14, %add3A_15 : i32
      %dma_start3A_17 = arith.constant 0 : i32
      %dma_start3A_18 = tpu.memref_slice %arg5[%add3A_16, %dma_start3A_17] : memref<40x125xi32, #tpu.memory_space<vmem>> -> memref<1x125xi32, #tpu.memory_space<vmem>>
      %dma_start3A_19 = tpu.memref_squeeze %dma_start3A_18 : memref<1x125xi32, #tpu.memory_space<vmem>> -> memref<125xi32, #tpu.memory_space<vmem>>
      %dma_start3A_20 = arith.constant 0 : i32
      %dma_start3A_21 = arith.constant 0 : i32
      %dma_start3A_22 = tpu.memref_slice %arg2[%dma_start3A_20, %dma_start3A_21] : memref<50000x128xf32, #tpu.memory_space<hbm>> -> memref<50000x128xf32, #tpu.memory_space<hbm>>
      tpu.enqueue_indirect_dma source(%dma_start3A_22 : memref<50000x128xf32, #tpu.memory_space<hbm>>) target(%arg7 : memref<125x128xf32, #tpu.memory_space<vmem>>) offsets(%dma_start3A_19 : memref<125xi32, #tpu.memory_space<vmem>>) semaphore(%arg9 : memref<!tpu.dma_semaphore, #tpu.memory_space<semaphore_mem>>)
      %dma_wait3A = arith.constant 0 : i32
      %dma_wait3A_23 = arith.constant 0 : i32
      %dma_wait3A_24 = tpu.memref_slice %arg5[%dma_wait3A, %dma_wait3A_23] : memref<40x125xi32, #tpu.memory_space<vmem>> -> memref<1x125xi32, #tpu.memory_space<vmem>>
      %dma_wait3A_25 = tpu.memref_squeeze %dma_wait3A_24 : memref<1x125xi32, #tpu.memory_space<vmem>> -> memref<125xi32, #tpu.memory_space<vmem>>
      %dma_wait3A_26 = arith.constant 0 : i32
      %dma_wait3A_27 = arith.constant 0 : i32
      %dma_wait3A_28 = tpu.memref_slice %arg2[%dma_wait3A_26, %dma_wait3A_27] : memref<50000x128xf32, #tpu.memory_space<hbm>> -> memref<50000x128xf32, #tpu.memory_space<hbm>>
      tpu.wait_indirect_dma semaphore(%arg8 : memref<!tpu.dma_semaphore, #tpu.memory_space<semaphore_mem>>) src(%dma_wait3A_28 : memref<50000x128xf32, #tpu.memory_space<hbm>>) dst(%arg6 : memref<125x128xf32, #tpu.memory_space<vmem>>)
      %mul3A_29 = arith.constant 125 : i32
      %mul3A_30 = arith.muli %add3A_14, %mul3A_29 : i32
      %add3A_31 = arith.addi %mul3A_0, %mul3A_30 : i32
      "tpu.region"() ({
        %run_scoped3A = tpu.sem_alloc : memref<!tpu.dma_semaphore, #tpu.memory_space<semaphore_mem>>
        %dma_start3A_48 = arith.constant 0 : i32
        %dma_start3A_49 = tpu.memref_slice %arg4[%arg0, %add3A_31, %dma_start3A_48] : memref<2x80000x128xf32, #tpu.memory_space<hbm>> -> memref<1x125x128xf32, #tpu.memory_space<hbm>>
        %dma_start3A_50 = tpu.memref_squeeze %dma_start3A_49 : memref<1x125x128xf32, #tpu.memory_space<hbm>> -> memref<125x128xf32, #tpu.memory_space<hbm>>
        %dma_start3A_51 = arith.constant 0 : i32
        %dma_start3A_52 = tpu.memref_slice %arg4[%arg0, %add3A_31, %dma_start3A_51] : memref<2x80000x128xf32, #tpu.memory_space<hbm>> -> memref<1x125x128xf32, #tpu.memory_space<hbm>>
        %dma_start3A_53 = tpu.memref_squeeze %dma_start3A_52 : memref<1x125x128xf32, #tpu.memory_space<hbm>> -> memref<125x128xf32, #tpu.memory_space<hbm>>
        tpu.enqueue_dma source(%arg6 : memref<125x128xf32, #tpu.memory_space<vmem>>) target(%dma_start3A_53 : memref<125x128xf32, #tpu.memory_space<hbm>>) target_semaphore(%run_scoped3A : memref<!tpu.dma_semaphore, #tpu.memory_space<semaphore_mem>>)
        %dma_wait3A_54 = arith.constant 0 : i32
        %dma_wait3A_55 = tpu.memref_slice %arg4[%arg0, %add3A_31, %dma_wait3A_54] : memref<2x80000x128xf32, #tpu.memory_space<hbm>> -> memref<1x125x128xf32, #tpu.memory_space<hbm>>
        %dma_wait3A_56 = tpu.memref_squeeze %dma_wait3A_55 : memref<1x125x128xf32, #tpu.memory_space<hbm>> -> memref<125x128xf32, #tpu.memory_space<hbm>>
        %dma_wait3A_57 = arith.constant 0 : i32
        %dma_wait3A_58 = tpu.memref_slice %arg4[%arg0, %add3A_31, %dma_wait3A_57] : memref<2x80000x128xf32, #tpu.memory_space<hbm>> -> memref<1x125x128xf32, #tpu.memory_space<hbm>>
        %dma_wait3A_59 = tpu.memref_squeeze %dma_wait3A_58 : memref<1x125x128xf32, #tpu.memory_space<hbm>> -> memref<125x128xf32, #tpu.memory_space<hbm>>
        tpu.wait_dma2 semaphore(%run_scoped3A : memref<!tpu.dma_semaphore, #tpu.memory_space<semaphore_mem>>) src(%arg6 : memref<125x128xf32, #tpu.memory_space<vmem>>) dst(%dma_wait3A_59 : memref<125x128xf32, #tpu.memory_space<hbm>>)
        tpu.yield
      }) : () -> ()
      %add3A_32 = arith.constant 2 : i32
      %add3A_33 = arith.addi %add3A_14, %add3A_32 : i32
      %lt3A = arith.constant 40 : i32
      %lt3A_34 = arith.cmpi slt, %add3A_33, %lt3A : i32
      %convert_element_type3A = arith.extui %lt3A_34 : i1 to i32
      %cond3A = arith.constant 0 : i32
      %cond3A_35 = arith.cmpi ne, %convert_element_type3A, %cond3A : i32
      scf.if %cond3A_35 {
        %add3A_48 = arith.constant 2 : i32
        %add3A_49 = arith.addi %add3A_14, %add3A_48 : i32
        %dma_start3A_50 = arith.constant 0 : i32
        %dma_start3A_51 = tpu.memref_slice %arg5[%add3A_49, %dma_start3A_50] : memref<40x125xi32, #tpu.memory_space<vmem>> -> memref<1x125xi32, #tpu.memory_space<vmem>>
        %dma_start3A_52 = tpu.memref_squeeze %dma_start3A_51 : memref<1x125xi32, #tpu.memory_space<vmem>> -> memref<125xi32, #tpu.memory_space<vmem>>
        %dma_start3A_53 = arith.constant 0 : i32
        %dma_start3A_54 = arith.constant 0 : i32
        %dma_start3A_55 = tpu.memref_slice %arg2[%dma_start3A_53, %dma_start3A_54] : memref<50000x128xf32, #tpu.memory_space<hbm>> -> memref<50000x128xf32, #tpu.memory_space<hbm>>
        tpu.enqueue_indirect_dma source(%dma_start3A_55 : memref<50000x128xf32, #tpu.memory_space<hbm>>) target(%arg6 : memref<125x128xf32, #tpu.memory_space<vmem>>) offsets(%dma_start3A_52 : memref<125xi32, #tpu.memory_space<vmem>>) semaphore(%arg8 : memref<!tpu.dma_semaphore, #tpu.memory_space<semaphore_mem>>)
      } else {
      }
      %dma_wait3A_36 = arith.constant 0 : i32
      %dma_wait3A_37 = arith.constant 0 : i32
      %dma_wait3A_38 = tpu.memref_slice %arg5[%dma_wait3A_36, %dma_wait3A_37] : memref<40x125xi32, #tpu.memory_space<vmem>> -> memref<1x125xi32, #tpu.memory_space<vmem>>
      %dma_wait3A_39 = tpu.memref_squeeze %dma_wait3A_38 : memref<1x125xi32, #tpu.memory_space<vmem>> -> memref<125xi32, #tpu.memory_space<vmem>>
      %dma_wait3A_40 = arith.constant 0 : i32
      %dma_wait3A_41 = arith.constant 0 : i32
      %dma_wait3A_42 = tpu.memref_slice %arg2[%dma_wait3A_40, %dma_wait3A_41] : memref<50000x128xf32, #tpu.memory_space<hbm>> -> memref<50000x128xf32, #tpu.memory_space<hbm>>
      tpu.wait_indirect_dma semaphore(%arg9 : memref<!tpu.dma_semaphore, #tpu.memory_space<semaphore_mem>>) src(%dma_wait3A_42 : memref<50000x128xf32, #tpu.memory_space<hbm>>) dst(%arg7 : memref<125x128xf32, #tpu.memory_space<vmem>>)
      %add3A_43 = arith.constant 1 : i32
      %add3A_44 = arith.addi %add3A_14, %add3A_43 : i32
      %mul3A_45 = arith.constant 125 : i32
      %mul3A_46 = arith.muli %add3A_44, %mul3A_45 : i32
      %add3A_47 = arith.addi %mul3A_0, %mul3A_46 : i32
      "tpu.region"() ({
        %run_scoped3A = tpu.sem_alloc : memref<!tpu.dma_semaphore, #tpu.memory_space<semaphore_mem>>
        %dma_start3A_48 = arith.constant 0 : i32
        %dma_start3A_49 = tpu.memref_slice %arg4[%arg0, %add3A_47, %dma_start3A_48] : memref<2x80000x128xf32, #tpu.memory_space<hbm>> -> memref<1x125x128xf32, #tpu.memory_space<hbm>>
        %dma_start3A_50 = tpu.memref_squeeze %dma_start3A_49 : memref<1x125x128xf32, #tpu.memory_space<hbm>> -> memref<125x128xf32, #tpu.memory_space<hbm>>
        %dma_start3A_51 = arith.constant 0 : i32
        %dma_start3A_52 = tpu.memref_slice %arg4[%arg0, %add3A_47, %dma_start3A_51] : memref<2x80000x128xf32, #tpu.memory_space<hbm>> -> memref<1x125x128xf32, #tpu.memory_space<hbm>>
        %dma_start3A_53 = tpu.memref_squeeze %dma_start3A_52 : memref<1x125x128xf32, #tpu.memory_space<hbm>> -> memref<125x128xf32, #tpu.memory_space<hbm>>
        tpu.enqueue_dma source(%arg7 : memref<125x128xf32, #tpu.memory_space<vmem>>) target(%dma_start3A_53 : memref<125x128xf32, #tpu.memory_space<hbm>>) target_semaphore(%run_scoped3A : memref<!tpu.dma_semaphore, #tpu.memory_space<semaphore_mem>>)
        %dma_wait3A_54 = arith.constant 0 : i32
        %dma_wait3A_55 = tpu.memref_slice %arg4[%arg0, %add3A_47, %dma_wait3A_54] : memref<2x80000x128xf32, #tpu.memory_space<hbm>> -> memref<1x125x128xf32, #tpu.memory_space<hbm>>
        %dma_wait3A_56 = tpu.memref_squeeze %dma_wait3A_55 : memref<1x125x128xf32, #tpu.memory_space<hbm>> -> memref<125x128xf32, #tpu.memory_space<hbm>>
        %dma_wait3A_57 = arith.constant 0 : i32
        %dma_wait3A_58 = tpu.memref_slice %arg4[%arg0, %add3A_47, %dma_wait3A_57] : memref<2x80000x128xf32, #tpu.memory_space<hbm>> -> memref<1x125x128xf32, #tpu.memory_space<hbm>>
        %dma_wait3A_59 = tpu.memref_squeeze %dma_wait3A_58 : memref<1x125x128xf32, #tpu.memory_space<hbm>> -> memref<125x128xf32, #tpu.memory_space<hbm>>
        tpu.wait_dma2 semaphore(%run_scoped3A : memref<!tpu.dma_semaphore, #tpu.memory_space<semaphore_mem>>) src(%arg7 : memref<125x128xf32, #tpu.memory_space<vmem>>) dst(%dma_wait3A_59 : memref<125x128xf32, #tpu.memory_space<hbm>>)
        tpu.yield
      }) : () -> ()
    }
    %scan3A_10 = arith.constant 20 : i32
    return
  }
}

#map = affine_map<(d0, d1) -> (0, 0, 0, 0)>
#map1 = affine_map<(d0, d1) -> (0, 0)>
#map2 = affine_map<(d0, d1) -> (0, 0, 0)>
module attributes {stable_mosaic.version = 14 : i64} {
  func.func @k(%arg0: i32, %arg1: i32, %arg2: memref<2x16x40x125xi32, #tpu.memory_space<hbm>>, %arg3: memref<2x16x40x125xi32, #tpu.memory_space<hbm>>, %arg4: memref<50000x16xf32, #tpu.memory_space<hbm>>, %arg5: memref<3128x16xf32, #tpu.memory_space<hbm>>, %arg6: memref<2x50048x16xf32, #tpu.memory_space<hbm>>, %arg7: memref<40x125xi32, #tpu.memory_space<vmem>>, %arg8: memref<40x125xi32, #tpu.memory_space<vmem>>, %arg9: memref<125x16xf32, #tpu.memory_space<vmem>>, %arg10: memref<125x16xf32, #tpu.memory_space<vmem>>, %arg11: memref<50048x16xf32, #tpu.memory_space<vmem_shared>>, %arg12: memref<!tpu.dma_semaphore, #tpu.memory_space<semaphore_mem>>, %arg13: memref<!tpu.dma_semaphore, #tpu.memory_space<semaphore_mem>>) attributes {dimension_semantics = [#tpu.dimension_semantics<core_parallel>, #tpu.dimension_semantics<subcore_parallel>], iteration_bounds = array<i64: 2, 16>, scalar_prefetch = 0 : i64, scratch_operands = 7 : i64, tpu.core_type = #tpu.core_type<sc_vector_subcore>, window_params = [{transform_indices = #map}, {transform_indices = #map}, {transform_indices = #map1}, {transform_indices = #map1}, {transform_indices = #map2}]} {
    %mul3A = arith.constant 3128 : i32
    %mul3A_0 = arith.muli %arg1, %mul3A : i32
    "tpu.region"() ({
      %run_scoped3A = tpu.sem_alloc : memref<!tpu.dma_semaphore, #tpu.memory_space<semaphore_mem>>
      %dma_start3A_16 = arith.constant 0 : i32
      %dma_start3A_17 = tpu.memref_slice %arg11[%mul3A_0, %dma_start3A_16] : memref<50048x16xf32, #tpu.memory_space<vmem_shared>> -> memref<3128x16xf32, #tpu.memory_space<vmem_shared>>
      tpu.enqueue_dma source(%arg5 : memref<3128x16xf32, #tpu.memory_space<hbm>>) target(%dma_start3A_17 : memref<3128x16xf32, #tpu.memory_space<vmem_shared>>) target_semaphore(%run_scoped3A : memref<!tpu.dma_semaphore, #tpu.memory_space<semaphore_mem>>)
      %dma_wait3A = arith.constant 0 : i32
      %dma_wait3A_18 = tpu.memref_slice %arg11[%mul3A_0, %dma_wait3A] : memref<50048x16xf32, #tpu.memory_space<vmem_shared>> -> memref<3128x16xf32, #tpu.memory_space<vmem_shared>>
      tpu.wait_dma2 semaphore(%run_scoped3A : memref<!tpu.dma_semaphore, #tpu.memory_space<semaphore_mem>>) src(%arg5 : memref<3128x16xf32, #tpu.memory_space<hbm>>) dst(%dma_wait3A_18 : memref<3128x16xf32, #tpu.memory_space<vmem_shared>>)
      tpu.yield
    }) : () -> ()
    "tpu.region"() ({
      %run_scoped3A = tpu.sem_alloc : memref<!tpu.dma_semaphore, #tpu.memory_space<semaphore_mem>>
      %dma_start3A_16 = arith.constant 0 : i32
      %dma_start3A_17 = arith.constant 0 : i32
      %dma_start3A_18 = tpu.memref_slice %arg2[%arg0, %arg1, %dma_start3A_16, %dma_start3A_17] : memref<2x16x40x125xi32, #tpu.memory_space<hbm>> -> memref<1x1x40x125xi32, #tpu.memory_space<hbm>>
      %dma_start3A_19 = tpu.memref_squeeze %dma_start3A_18 : memref<1x1x40x125xi32, #tpu.memory_space<hbm>> -> memref<40x125xi32, #tpu.memory_space<hbm>>
      %dma_start3A_20 = arith.constant 0 : i32
      %dma_start3A_21 = arith.constant 0 : i32
      %dma_start3A_22 = tpu.memref_slice %arg2[%arg0, %arg1, %dma_start3A_20, %dma_start3A_21] : memref<2x16x40x125xi32, #tpu.memory_space<hbm>> -> memref<1x1x40x125xi32, #tpu.memory_space<hbm>>
      %dma_start3A_23 = tpu.memref_squeeze %dma_start3A_22 : memref<1x1x40x125xi32, #tpu.memory_space<hbm>> -> memref<40x125xi32, #tpu.memory_space<hbm>>
      tpu.enqueue_dma source(%dma_start3A_23 : memref<40x125xi32, #tpu.memory_space<hbm>>) target(%arg7 : memref<40x125xi32, #tpu.memory_space<vmem>>) target_semaphore(%run_scoped3A : memref<!tpu.dma_semaphore, #tpu.memory_space<semaphore_mem>>)
      %dma_wait3A = arith.constant 0 : i32
      %dma_wait3A_24 = arith.constant 0 : i32
      %dma_wait3A_25 = tpu.memref_slice %arg2[%arg0, %arg1, %dma_wait3A, %dma_wait3A_24] : memref<2x16x40x125xi32, #tpu.memory_space<hbm>> -> memref<1x1x40x125xi32, #tpu.memory_space<hbm>>
      %dma_wait3A_26 = tpu.memref_squeeze %dma_wait3A_25 : memref<1x1x40x125xi32, #tpu.memory_space<hbm>> -> memref<40x125xi32, #tpu.memory_space<hbm>>
      %dma_wait3A_27 = arith.constant 0 : i32
      %dma_wait3A_28 = arith.constant 0 : i32
      %dma_wait3A_29 = tpu.memref_slice %arg2[%arg0, %arg1, %dma_wait3A_27, %dma_wait3A_28] : memref<2x16x40x125xi32, #tpu.memory_space<hbm>> -> memref<1x1x40x125xi32, #tpu.memory_space<hbm>>
      %dma_wait3A_30 = tpu.memref_squeeze %dma_wait3A_29 : memref<1x1x40x125xi32, #tpu.memory_space<hbm>> -> memref<40x125xi32, #tpu.memory_space<hbm>>
      tpu.wait_dma2 semaphore(%run_scoped3A : memref<!tpu.dma_semaphore, #tpu.memory_space<semaphore_mem>>) src(%dma_wait3A_30 : memref<40x125xi32, #tpu.memory_space<hbm>>) dst(%arg7 : memref<40x125xi32, #tpu.memory_space<vmem>>)
      tpu.yield
    }) : () -> ()
    "tpu.region"() ({
      %run_scoped3A = tpu.sem_alloc : memref<!tpu.dma_semaphore, #tpu.memory_space<semaphore_mem>>
      %dma_start3A_16 = arith.constant 0 : i32
      %dma_start3A_17 = arith.constant 0 : i32
      %dma_start3A_18 = tpu.memref_slice %arg3[%arg0, %arg1, %dma_start3A_16, %dma_start3A_17] : memref<2x16x40x125xi32, #tpu.memory_space<hbm>> -> memref<1x1x40x125xi32, #tpu.memory_space<hbm>>
      %dma_start3A_19 = tpu.memref_squeeze %dma_start3A_18 : memref<1x1x40x125xi32, #tpu.memory_space<hbm>> -> memref<40x125xi32, #tpu.memory_space<hbm>>
      %dma_start3A_20 = arith.constant 0 : i32
      %dma_start3A_21 = arith.constant 0 : i32
      %dma_start3A_22 = tpu.memref_slice %arg3[%arg0, %arg1, %dma_start3A_20, %dma_start3A_21] : memref<2x16x40x125xi32, #tpu.memory_space<hbm>> -> memref<1x1x40x125xi32, #tpu.memory_space<hbm>>
      %dma_start3A_23 = tpu.memref_squeeze %dma_start3A_22 : memref<1x1x40x125xi32, #tpu.memory_space<hbm>> -> memref<40x125xi32, #tpu.memory_space<hbm>>
      tpu.enqueue_dma source(%dma_start3A_23 : memref<40x125xi32, #tpu.memory_space<hbm>>) target(%arg8 : memref<40x125xi32, #tpu.memory_space<vmem>>) target_semaphore(%run_scoped3A : memref<!tpu.dma_semaphore, #tpu.memory_space<semaphore_mem>>)
      %dma_wait3A = arith.constant 0 : i32
      %dma_wait3A_24 = arith.constant 0 : i32
      %dma_wait3A_25 = tpu.memref_slice %arg3[%arg0, %arg1, %dma_wait3A, %dma_wait3A_24] : memref<2x16x40x125xi32, #tpu.memory_space<hbm>> -> memref<1x1x40x125xi32, #tpu.memory_space<hbm>>
      %dma_wait3A_26 = tpu.memref_squeeze %dma_wait3A_25 : memref<1x1x40x125xi32, #tpu.memory_space<hbm>> -> memref<40x125xi32, #tpu.memory_space<hbm>>
      %dma_wait3A_27 = arith.constant 0 : i32
      %dma_wait3A_28 = arith.constant 0 : i32
      %dma_wait3A_29 = tpu.memref_slice %arg3[%arg0, %arg1, %dma_wait3A_27, %dma_wait3A_28] : memref<2x16x40x125xi32, #tpu.memory_space<hbm>> -> memref<1x1x40x125xi32, #tpu.memory_space<hbm>>
      %dma_wait3A_30 = tpu.memref_squeeze %dma_wait3A_29 : memref<1x1x40x125xi32, #tpu.memory_space<hbm>> -> memref<40x125xi32, #tpu.memory_space<hbm>>
      tpu.wait_dma2 semaphore(%run_scoped3A : memref<!tpu.dma_semaphore, #tpu.memory_space<semaphore_mem>>) src(%dma_wait3A_30 : memref<40x125xi32, #tpu.memory_space<hbm>>) dst(%arg8 : memref<40x125xi32, #tpu.memory_space<vmem>>)
      tpu.yield
    }) : () -> ()
    %barrier3A = arith.constant 0 : index
    tpu.barrier barrier_id(%barrier3A)
    %dma_start3A = arith.constant 0 : i32
    %dma_start3A_1 = arith.constant 0 : i32
    %dma_start3A_2 = tpu.memref_slice %arg7[%dma_start3A, %dma_start3A_1] : memref<40x125xi32, #tpu.memory_space<vmem>> -> memref<1x125xi32, #tpu.memory_space<vmem>>
    %dma_start3A_3 = tpu.memref_squeeze %dma_start3A_2 : memref<1x125xi32, #tpu.memory_space<vmem>> -> memref<125xi32, #tpu.memory_space<vmem>>
    %dma_start3A_4 = arith.constant 0 : i32
    %dma_start3A_5 = arith.constant 0 : i32
    %dma_start3A_6 = tpu.memref_slice %arg4[%dma_start3A_4, %dma_start3A_5] : memref<50000x16xf32, #tpu.memory_space<hbm>> -> memref<50000x16xf32, #tpu.memory_space<hbm>>
    tpu.enqueue_indirect_dma source(%dma_start3A_6 : memref<50000x16xf32, #tpu.memory_space<hbm>>) target(%arg9 : memref<125x16xf32, #tpu.memory_space<vmem>>) offsets(%dma_start3A_3 : memref<125xi32, #tpu.memory_space<vmem>>) semaphore(%arg12 : memref<!tpu.dma_semaphore, #tpu.memory_space<semaphore_mem>>)
    %scan3A = arith.constant 0 : i32
    %scan3A_7 = arith.constant 20 : i32
    %scan3A_8 = arith.addi %scan3A, %scan3A_7 : i32
    %scan3A_9 = arith.constant 1 : i32
    scf.for %scan3A_16 = %scan3A to %scan3A_8 step %scan3A_9  : i32 {
      %mul3A_17 = arith.constant 2 : i32
      %mul3A_18 = arith.muli %scan3A_16, %mul3A_17 : i32
      %add3A = arith.constant 0 : i32
      %add3A_19 = arith.addi %add3A, %mul3A_18 : i32
      %add3A_20 = arith.constant 1 : i32
      %add3A_21 = arith.addi %add3A_19, %add3A_20 : i32
      %dma_start3A_22 = arith.constant 0 : i32
      %dma_start3A_23 = tpu.memref_slice %arg7[%add3A_21, %dma_start3A_22] : memref<40x125xi32, #tpu.memory_space<vmem>> -> memref<1x125xi32, #tpu.memory_space<vmem>>
      %dma_start3A_24 = tpu.memref_squeeze %dma_start3A_23 : memref<1x125xi32, #tpu.memory_space<vmem>> -> memref<125xi32, #tpu.memory_space<vmem>>
      %dma_start3A_25 = arith.constant 0 : i32
      %dma_start3A_26 = arith.constant 0 : i32
      %dma_start3A_27 = tpu.memref_slice %arg4[%dma_start3A_25, %dma_start3A_26] : memref<50000x16xf32, #tpu.memory_space<hbm>> -> memref<50000x16xf32, #tpu.memory_space<hbm>>
      tpu.enqueue_indirect_dma source(%dma_start3A_27 : memref<50000x16xf32, #tpu.memory_space<hbm>>) target(%arg10 : memref<125x16xf32, #tpu.memory_space<vmem>>) offsets(%dma_start3A_24 : memref<125xi32, #tpu.memory_space<vmem>>) semaphore(%arg13 : memref<!tpu.dma_semaphore, #tpu.memory_space<semaphore_mem>>)
      %dma_wait3A = arith.constant 0 : i32
      %dma_wait3A_28 = arith.constant 0 : i32
      %dma_wait3A_29 = tpu.memref_slice %arg7[%dma_wait3A, %dma_wait3A_28] : memref<40x125xi32, #tpu.memory_space<vmem>> -> memref<1x125xi32, #tpu.memory_space<vmem>>
      %dma_wait3A_30 = tpu.memref_squeeze %dma_wait3A_29 : memref<1x125xi32, #tpu.memory_space<vmem>> -> memref<125xi32, #tpu.memory_space<vmem>>
      %dma_wait3A_31 = arith.constant 0 : i32
      %dma_wait3A_32 = arith.constant 0 : i32
      %dma_wait3A_33 = tpu.memref_slice %arg4[%dma_wait3A_31, %dma_wait3A_32] : memref<50000x16xf32, #tpu.memory_space<hbm>> -> memref<50000x16xf32, #tpu.memory_space<hbm>>
      tpu.wait_indirect_dma semaphore(%arg12 : memref<!tpu.dma_semaphore, #tpu.memory_space<semaphore_mem>>) src(%dma_wait3A_33 : memref<50000x16xf32, #tpu.memory_space<hbm>>) dst(%arg9 : memref<125x16xf32, #tpu.memory_space<vmem>>)
      "tpu.region"() ({
        %run_scoped3A = tpu.sem_alloc : memref<!tpu.dma_semaphore, #tpu.memory_space<semaphore_mem>>
        %dma_start3A_47 = arith.constant 0 : i32
        %dma_start3A_48 = tpu.memref_slice %arg8[%add3A_19, %dma_start3A_47] : memref<40x125xi32, #tpu.memory_space<vmem>> -> memref<1x125xi32, #tpu.memory_space<vmem>>
        %dma_start3A_49 = tpu.memref_squeeze %dma_start3A_48 : memref<1x125xi32, #tpu.memory_space<vmem>> -> memref<125xi32, #tpu.memory_space<vmem>>
        %dma_start3A_50 = arith.constant 0 : i32
        %dma_start3A_51 = arith.constant 0 : i32
        %dma_start3A_52 = tpu.memref_slice %arg11[%dma_start3A_50, %dma_start3A_51] : memref<50048x16xf32, #tpu.memory_space<vmem_shared>> -> memref<50048x16xf32, #tpu.memory_space<vmem_shared>>
        tpu.enqueue_indirect_dma source(%arg9 : memref<125x16xf32, #tpu.memory_space<vmem>>) target(%dma_start3A_52 : memref<50048x16xf32, #tpu.memory_space<vmem_shared>>) offsets(%dma_start3A_49 : memref<125xi32, #tpu.memory_space<vmem>>) semaphore(%run_scoped3A : memref<!tpu.dma_semaphore, #tpu.memory_space<semaphore_mem>>) {add = true}
        %dma_wait3A_53 = arith.constant 0 : i32
        %dma_wait3A_54 = tpu.memref_slice %arg8[%add3A_19, %dma_wait3A_53] : memref<40x125xi32, #tpu.memory_space<vmem>> -> memref<1x125xi32, #tpu.memory_space<vmem>>
        %dma_wait3A_55 = tpu.memref_squeeze %dma_wait3A_54 : memref<1x125xi32, #tpu.memory_space<vmem>> -> memref<125xi32, #tpu.memory_space<vmem>>
        %dma_wait3A_56 = arith.constant 0 : i32
        %dma_wait3A_57 = arith.constant 0 : i32
        %dma_wait3A_58 = tpu.memref_slice %arg11[%dma_wait3A_56, %dma_wait3A_57] : memref<50048x16xf32, #tpu.memory_space<vmem_shared>> -> memref<50048x16xf32, #tpu.memory_space<vmem_shared>>
        tpu.wait_indirect_dma semaphore(%run_scoped3A : memref<!tpu.dma_semaphore, #tpu.memory_space<semaphore_mem>>) src(%arg9 : memref<125x16xf32, #tpu.memory_space<vmem>>) dst(%dma_wait3A_58 : memref<50048x16xf32, #tpu.memory_space<vmem_shared>>)
        tpu.yield
      }) : () -> ()
      %add3A_34 = arith.constant 2 : i32
      %add3A_35 = arith.addi %add3A_19, %add3A_34 : i32
      %lt3A = arith.constant 40 : i32
      %lt3A_36 = arith.cmpi slt, %add3A_35, %lt3A : i32
      %convert_element_type3A = arith.extui %lt3A_36 : i1 to i32
      %cond3A = arith.constant 0 : i32
      %cond3A_37 = arith.cmpi ne, %convert_element_type3A, %cond3A : i32
      scf.if %cond3A_37 {
        %add3A_47 = arith.constant 2 : i32
        %add3A_48 = arith.addi %add3A_19, %add3A_47 : i32
        %dma_start3A_49 = arith.constant 0 : i32
        %dma_start3A_50 = tpu.memref_slice %arg7[%add3A_48, %dma_start3A_49] : memref<40x125xi32, #tpu.memory_space<vmem>> -> memref<1x125xi32, #tpu.memory_space<vmem>>
        %dma_start3A_51 = tpu.memref_squeeze %dma_start3A_50 : memref<1x125xi32, #tpu.memory_space<vmem>> -> memref<125xi32, #tpu.memory_space<vmem>>
        %dma_start3A_52 = arith.constant 0 : i32
        %dma_start3A_53 = arith.constant 0 : i32
        %dma_start3A_54 = tpu.memref_slice %arg4[%dma_start3A_52, %dma_start3A_53] : memref<50000x16xf32, #tpu.memory_space<hbm>> -> memref<50000x16xf32, #tpu.memory_space<hbm>>
        tpu.enqueue_indirect_dma source(%dma_start3A_54 : memref<50000x16xf32, #tpu.memory_space<hbm>>) target(%arg9 : memref<125x16xf32, #tpu.memory_space<vmem>>) offsets(%dma_start3A_51 : memref<125xi32, #tpu.memory_space<vmem>>) semaphore(%arg12 : memref<!tpu.dma_semaphore, #tpu.memory_space<semaphore_mem>>)
      } else {
      }
      %dma_wait3A_38 = arith.constant 0 : i32
      %dma_wait3A_39 = arith.constant 0 : i32
      %dma_wait3A_40 = tpu.memref_slice %arg7[%dma_wait3A_38, %dma_wait3A_39] : memref<40x125xi32, #tpu.memory_space<vmem>> -> memref<1x125xi32, #tpu.memory_space<vmem>>
      %dma_wait3A_41 = tpu.memref_squeeze %dma_wait3A_40 : memref<1x125xi32, #tpu.memory_space<vmem>> -> memref<125xi32, #tpu.memory_space<vmem>>
      %dma_wait3A_42 = arith.constant 0 : i32
      %dma_wait3A_43 = arith.constant 0 : i32
      %dma_wait3A_44 = tpu.memref_slice %arg4[%dma_wait3A_42, %dma_wait3A_43] : memref<50000x16xf32, #tpu.memory_space<hbm>> -> memref<50000x16xf32, #tpu.memory_space<hbm>>
      tpu.wait_indirect_dma semaphore(%arg13 : memref<!tpu.dma_semaphore, #tpu.memory_space<semaphore_mem>>) src(%dma_wait3A_44 : memref<50000x16xf32, #tpu.memory_space<hbm>>) dst(%arg10 : memref<125x16xf32, #tpu.memory_space<vmem>>)
      %add3A_45 = arith.constant 1 : i32
      %add3A_46 = arith.addi %add3A_19, %add3A_45 : i32
      "tpu.region"() ({
        %run_scoped3A = tpu.sem_alloc : memref<!tpu.dma_semaphore, #tpu.memory_space<semaphore_mem>>
        %dma_start3A_47 = arith.constant 0 : i32
        %dma_start3A_48 = tpu.memref_slice %arg8[%add3A_46, %dma_start3A_47] : memref<40x125xi32, #tpu.memory_space<vmem>> -> memref<1x125xi32, #tpu.memory_space<vmem>>
        %dma_start3A_49 = tpu.memref_squeeze %dma_start3A_48 : memref<1x125xi32, #tpu.memory_space<vmem>> -> memref<125xi32, #tpu.memory_space<vmem>>
        %dma_start3A_50 = arith.constant 0 : i32
        %dma_start3A_51 = arith.constant 0 : i32
        %dma_start3A_52 = tpu.memref_slice %arg11[%dma_start3A_50, %dma_start3A_51] : memref<50048x16xf32, #tpu.memory_space<vmem_shared>> -> memref<50048x16xf32, #tpu.memory_space<vmem_shared>>
        tpu.enqueue_indirect_dma source(%arg10 : memref<125x16xf32, #tpu.memory_space<vmem>>) target(%dma_start3A_52 : memref<50048x16xf32, #tpu.memory_space<vmem_shared>>) offsets(%dma_start3A_49 : memref<125xi32, #tpu.memory_space<vmem>>) semaphore(%run_scoped3A : memref<!tpu.dma_semaphore, #tpu.memory_space<semaphore_mem>>) {add = true}
        %dma_wait3A_53 = arith.constant 0 : i32
        %dma_wait3A_54 = tpu.memref_slice %arg8[%add3A_46, %dma_wait3A_53] : memref<40x125xi32, #tpu.memory_space<vmem>> -> memref<1x125xi32, #tpu.memory_space<vmem>>
        %dma_wait3A_55 = tpu.memref_squeeze %dma_wait3A_54 : memref<1x125xi32, #tpu.memory_space<vmem>> -> memref<125xi32, #tpu.memory_space<vmem>>
        %dma_wait3A_56 = arith.constant 0 : i32
        %dma_wait3A_57 = arith.constant 0 : i32
        %dma_wait3A_58 = tpu.memref_slice %arg11[%dma_wait3A_56, %dma_wait3A_57] : memref<50048x16xf32, #tpu.memory_space<vmem_shared>> -> memref<50048x16xf32, #tpu.memory_space<vmem_shared>>
        tpu.wait_indirect_dma semaphore(%run_scoped3A : memref<!tpu.dma_semaphore, #tpu.memory_space<semaphore_mem>>) src(%arg10 : memref<125x16xf32, #tpu.memory_space<vmem>>) dst(%dma_wait3A_58 : memref<50048x16xf32, #tpu.memory_space<vmem_shared>>)
        tpu.yield
      }) : () -> ()
    }
    %scan3A_10 = arith.constant 20 : i32
    %barrier3A_11 = arith.constant 0 : index
    tpu.barrier barrier_id(%barrier3A_11)
    %mul3A_12 = arith.constant 3128 : i32
    %mul3A_13 = arith.muli %arg1, %mul3A_12 : i32
    %mul3A_14 = arith.constant 3128 : i32
    %mul3A_15 = arith.muli %arg1, %mul3A_14 : i32
    "tpu.region"() ({
      %run_scoped3A = tpu.sem_alloc : memref<!tpu.dma_semaphore, #tpu.memory_space<semaphore_mem>>
      %dma_start3A_16 = arith.constant 0 : i32
      %dma_start3A_17 = tpu.memref_slice %arg6[%arg0, %mul3A_15, %dma_start3A_16] : memref<2x50048x16xf32, #tpu.memory_space<hbm>> -> memref<1x3128x16xf32, #tpu.memory_space<hbm>>
      %dma_start3A_18 = tpu.memref_squeeze %dma_start3A_17 : memref<1x3128x16xf32, #tpu.memory_space<hbm>> -> memref<3128x16xf32, #tpu.memory_space<hbm>>
      %dma_start3A_19 = arith.constant 0 : i32
      %dma_start3A_20 = tpu.memref_slice %arg11[%mul3A_13, %dma_start3A_19] : memref<50048x16xf32, #tpu.memory_space<vmem_shared>> -> memref<3128x16xf32, #tpu.memory_space<vmem_shared>>
      tpu.enqueue_dma source(%dma_start3A_20 : memref<3128x16xf32, #tpu.memory_space<vmem_shared>>) target(%dma_start3A_18 : memref<3128x16xf32, #tpu.memory_space<hbm>>) target_semaphore(%run_scoped3A : memref<!tpu.dma_semaphore, #tpu.memory_space<semaphore_mem>>)
      %dma_wait3A = arith.constant 0 : i32
      %dma_wait3A_21 = tpu.memref_slice %arg6[%arg0, %mul3A_15, %dma_wait3A] : memref<2x50048x16xf32, #tpu.memory_space<hbm>> -> memref<1x3128x16xf32, #tpu.memory_space<hbm>>
      %dma_wait3A_22 = tpu.memref_squeeze %dma_wait3A_21 : memref<1x3128x16xf32, #tpu.memory_space<hbm>> -> memref<3128x16xf32, #tpu.memory_space<hbm>>
      %dma_wait3A_23 = arith.constant 0 : i32
      %dma_wait3A_24 = tpu.memref_slice %arg11[%mul3A_13, %dma_wait3A_23] : memref<50048x16xf32, #tpu.memory_space<vmem_shared>> -> memref<3128x16xf32, #tpu.memory_space<vmem_shared>>
      tpu.wait_dma2 semaphore(%run_scoped3A : memref<!tpu.dma_semaphore, #tpu.memory_space<semaphore_mem>>) src(%dma_wait3A_24 : memref<3128x16xf32, #tpu.memory_space<vmem_shared>>) dst(%dma_wait3A_22 : memref<3128x16xf32, #tpu.memory_space<hbm>>)
      tpu.yield
    }) : () -> ()
    return
  }
}

module attributes {stable_mosaic.version = 14 : i64} {
  func.func @body(%arg0: i32, %arg1: memref<2x2000x16xf32, #tpu.memory_space<vmem>>, %arg2: memref<2000x2xf32, #tpu.memory_space<vmem>>, %arg3: memref<2000x16xf32, #tpu.memory_space<vmem>>) attributes {dimension_semantics = [#tpu.dimension_semantics<arbitrary>], iteration_bounds = array<i64: 25>, scalar_prefetch = 0 : i64, scratch_operands = 0 : i64, tpu.core_type = #tpu.core_type<tc>, window_params = [{transform_indices = @transform_0, window_bounds = array<i64: 2, 2000, 16>}, {transform_indices = @transform_1, window_bounds = array<i64: 2000, 2>}, {transform_indices = @transform_2, window_bounds = array<i64: 2000, 16>}]} {
    %get3A = arith.constant 0 : index
    %get3A_0 = arith.constant 0 : index
    %get3A_1 = arith.constant 0 : index
    %get3A_2 = vector.load %arg1[%get3A, %get3A_0, %get3A_1] : memref<2x2000x16xf32, #tpu.memory_space<vmem>>, vector<1x2000x1xf32>
    %get3A_3 = vector.shape_cast %get3A_2 : vector<1x2000x1xf32> to vector<2000x1xf32>
    %get3A_4 = arith.constant 1 : index
    %get3A_5 = arith.constant 0 : index
    %get3A_6 = arith.constant 0 : index
    %get3A_7 = vector.load %arg1[%get3A_4, %get3A_5, %get3A_6] : memref<2x2000x16xf32, #tpu.memory_space<vmem>>, vector<1x2000x1xf32>
    %get3A_8 = vector.shape_cast %get3A_7 : vector<1x2000x1xf32> to vector<2000x1xf32>
    %add3A = arith.addf %get3A_3, %get3A_8 : vector<2000x1xf32>
    %add3A_9 = arith.constant 1.000000e+00 : f32
    %add3A_10 = vector.broadcast %add3A_9 : f32 to vector<2000x1xf32>
    %add3A_11 = arith.addf %add3A_10, %add3A : vector<2000x1xf32>
    %rsqrt3A = math.rsqrt %add3A_11 : vector<2000x1xf32>
    %get3A_12 = arith.constant 0 : index
    %get3A_13 = arith.constant 0 : index
    %get3A_14 = vector.load %arg2[%get3A_12, %get3A_13] : memref<2000x2xf32, #tpu.memory_space<vmem>>, vector<2000x2xf32>
    %mul3A = vector.broadcast %rsqrt3A : vector<2000x1xf32> to vector<2000x2xf32>
    %mul3A_15 = arith.mulf %get3A_14, %mul3A : vector<2000x2xf32>
    %broadcast_in_dim3A = arith.constant 0.000000e+00 : f32
    %broadcast_in_dim3A_16 = vector.broadcast %broadcast_in_dim3A : f32 to vector<2000x13xf32>
    %concatenate3A = tpu.concatenate %mul3A_15, %rsqrt3A, %broadcast_in_dim3A_16 in 1 : vector<2000x2xf32>, vector<2000x1xf32>, vector<2000x13xf32> -> vector<2000x16xf32>
    %swap3A = arith.constant 0 : index
    %swap3A_17 = arith.constant 0 : index
    %swap3A_18 = vector.load %arg3[%swap3A, %swap3A_17] : memref<2000x16xf32, #tpu.memory_space<vmem>>, vector<2000x16xf32>
    tpu.vector_store %arg3[%swap3A, %swap3A_17], %concatenate3A {strides = array<i32>} : memref<2000x16xf32, #tpu.memory_space<vmem>>, vector<2000x16xf32>,
    return
  }
  func.func @transform_0(%arg0: i32) -> (i32, i32, i32) {
    %c0_i32 = arith.constant 0 : i32
    %c0_i32_0 = arith.constant 0 : i32
    %c0_i32_1 = arith.constant 0 : i32
    return %c0_i32, %arg0, %c0_i32_0 : i32, i32, i32
  }
  func.func @transform_1(%arg0: i32) -> (i32, i32) {
    %c0_i32 = arith.constant 0 : i32
    %c0_i32_0 = arith.constant 0 : i32
    return %arg0, %c0_i32 : i32, i32
  }
  func.func @transform_2(%arg0: i32) -> (i32, i32) {
    %c0_i32 = arith.constant 0 : i32
    %c0_i32_0 = arith.constant 0 : i32
    return %arg0, %c0_i32 : i32, i32
  }
}

module attributes {stable_mosaic.version = 14 : i64} {
  func.func @body(%arg0: i32, %arg1: memref<2x2000x16xf32, #tpu.memory_space<vmem>>, %arg2: memref<2000x16xf32, #tpu.memory_space<vmem>>, %arg3: memref<2x128xf32, #tpu.memory_space<vmem>>, %arg4: memref<1x128xf32, #tpu.memory_space<vmem>>, %arg5: memref<4x2000x32xf32, #tpu.memory_space<vmem>>) attributes {dimension_semantics = [#tpu.dimension_semantics<arbitrary>], iteration_bounds = array<i64: 25>, scalar_prefetch = 0 : i64, scratch_operands = 0 : i64, tpu.core_type = #tpu.core_type<tc>, window_params = [{transform_indices = @transform_0, window_bounds = array<i64: 2, 2000, 16>}, {transform_indices = @transform_1, window_bounds = array<i64: 2000, 16>}, {pipeline_mode = #tpu.pipeline_mode<synchronous>, transform_indices = @transform_2, window_bounds = array<i64: 2, 128>}, {pipeline_mode = #tpu.pipeline_mode<synchronous>, transform_indices = @transform_3, window_bounds = array<i64: 1, 128>}, {transform_indices = @transform_4, window_bounds = array<i64: 4, 2000, 32>}]} {
    %get3A = arith.constant 0 : index
    %get3A_0 = arith.constant 0 : index
    %get3A_1 = arith.constant 0 : index
    %get3A_2 = vector.load %arg1[%get3A, %get3A_0, %get3A_1] : memref<2x2000x16xf32, #tpu.memory_space<vmem>>, vector<1x2000x2xf32>
    %get3A_3 = vector.shape_cast %get3A_2 : vector<1x2000x2xf32> to vector<2000x2xf32>
    %get3A_4 = arith.constant 1 : index
    %get3A_5 = arith.constant 0 : index
    %get3A_6 = arith.constant 0 : index
    %get3A_7 = vector.load %arg1[%get3A_4, %get3A_5, %get3A_6] : memref<2x2000x16xf32, #tpu.memory_space<vmem>>, vector<1x2000x2xf32>
    %get3A_8 = vector.shape_cast %get3A_7 : vector<1x2000x2xf32> to vector<2000x2xf32>
    %add3A = arith.addf %get3A_3, %get3A_8 : vector<2000x2xf32>
    %get3A_9 = arith.constant 0 : index
    %get3A_10 = arith.constant 0 : index
    %get3A_11 = vector.load %arg2[%get3A_9, %get3A_10] : memref<2000x16xf32, #tpu.memory_space<vmem>>, vector<2000x2xf32>
    %add3A_12 = arith.addf %add3A, %get3A_11 : vector<2000x2xf32>
    %get3A_13 = arith.constant 0 : index
    %get3A_14 = arith.constant 2 : index
    %get3A_15 = vector.load %arg2[%get3A_13, %get3A_14] : memref<2000x16xf32, #tpu.memory_space<vmem>>, vector<2000x1xf32>
    %mul3A = vector.broadcast %get3A_15 : vector<2000x1xf32> to vector<2000x2xf32>
    %mul3A_16 = arith.mulf %add3A_12, %mul3A : vector<2000x2xf32>
    %get3A_17 = arith.constant 0 : index
    %get3A_18 = arith.constant 0 : index
    %get3A_19 = vector.load %arg3[%get3A_17, %get3A_18] : memref<2x128xf32, #tpu.memory_space<vmem>>, vector<2x128xf32>
    %dot_general3A = arith.constant dense<0.000000e+00> : vector<2000x128xf32>
    %dot_general3A_20 = tpu.matmul %mul3A_16, %get3A_19, %dot_general3A {dimension_numbers = #tpu.dot_dimension_numbers<[1], [0], [0], [1], [0, 0, 1, 1], [], []>, transpose_lhs_hint = false} : vector<2000x2xf32>, vector<2x128xf32>, vector<2000x128xf32> -> vector<2000x128xf32>
    %get3A_21 = arith.constant 0 : index
    %get3A_22 = arith.constant 0 : index
    %get3A_23 = vector.load %arg4[%get3A_21, %get3A_22] : memref<1x128xf32, #tpu.memory_space<vmem>>, vector<1x128xf32>
    %add3A_24 = vector.broadcast %get3A_23 : vector<1x128xf32> to vector<2000x128xf32>
    %add3A_25 = arith.addf %dot_general3A_20, %add3A_24 : vector<2000x128xf32>
    %max3A = arith.constant 0.000000e+00 : f32
    %max3A_26 = vector.broadcast %max3A : f32 to vector<2000x128xf32>
    %max3A_27 = arith.maximumf %add3A_25, %max3A_26 : vector<2000x128xf32>
    %mul3A_28 = vector.broadcast %get3A_15 : vector<2000x1xf32> to vector<2000x128xf32>
    %mul3A_29 = arith.mulf %max3A_27, %mul3A_28 : vector<2000x128xf32>
    %slice3A = vector.extract_strided_slice %mul3A_29 {offsets = [0, 0], sizes = [2000, 32], strides = [1, 1]} : vector<2000x128xf32> to vector<2000x32xf32>
    %swap3A = arith.constant 0 : index
    %swap3A_30 = arith.constant 0 : index
    %swap3A_31 = arith.constant 0 : index
    %swap3A_32 = vector.load %arg5[%swap3A, %swap3A_30, %swap3A_31] : memref<4x2000x32xf32, #tpu.memory_space<vmem>>, vector<1x2000x32xf32>
    %swap3A_33 = vector.shape_cast %swap3A_32 : vector<1x2000x32xf32> to vector<2000x32xf32>
    %swap3A_34 = vector.shape_cast %slice3A : vector<2000x32xf32> to vector<1x2000x32xf32>
    tpu.vector_store %arg5[%swap3A, %swap3A_30, %swap3A_31], %swap3A_34 {strides = array<i32>} : memref<4x2000x32xf32, #tpu.memory_space<vmem>>, vector<1x2000x32xf32>,
    %slice3A_35 = vector.extract_strided_slice %mul3A_29 {offsets = [0, 32], sizes = [2000, 32], strides = [1, 1]} : vector<2000x128xf32> to vector<2000x32xf32>
    %swap3A_36 = arith.constant 1 : index
    %swap3A_37 = arith.constant 0 : index
    %swap3A_38 = arith.constant 0 : index
    %swap3A_39 = vector.load %arg5[%swap3A_36, %swap3A_37, %swap3A_38] : memref<4x2000x32xf32, #tpu.memory_space<vmem>>, vector<1x2000x32xf32>
    %swap3A_40 = vector.shape_cast %swap3A_39 : vector<1x2000x32xf32> to vector<2000x32xf32>
    %swap3A_41 = vector.shape_cast %slice3A_35 : vector<2000x32xf32> to vector<1x2000x32xf32>
    tpu.vector_store %arg5[%swap3A_36, %swap3A_37, %swap3A_38], %swap3A_41 {strides = array<i32>} : memref<4x2000x32xf32, #tpu.memory_space<vmem>>, vector<1x2000x32xf32>,
    %slice3A_42 = vector.extract_strided_slice %mul3A_29 {offsets = [0, 64], sizes = [2000, 32], strides = [1, 1]} : vector<2000x128xf32> to vector<2000x32xf32>
    %swap3A_43 = arith.constant 2 : index
    %swap3A_44 = arith.constant 0 : index
    %swap3A_45 = arith.constant 0 : index
    %swap3A_46 = vector.load %arg5[%swap3A_43, %swap3A_44, %swap3A_45] : memref<4x2000x32xf32, #tpu.memory_space<vmem>>, vector<1x2000x32xf32>
    %swap3A_47 = vector.shape_cast %swap3A_46 : vector<1x2000x32xf32> to vector<2000x32xf32>
    %swap3A_48 = vector.shape_cast %slice3A_42 : vector<2000x32xf32> to vector<1x2000x32xf32>
    tpu.vector_store %arg5[%swap3A_43, %swap3A_44, %swap3A_45], %swap3A_48 {strides = array<i32>} : memref<4x2000x32xf32, #tpu.memory_space<vmem>>, vector<1x2000x32xf32>,
    %slice3A_49 = vector.extract_strided_slice %mul3A_29 {offsets = [0, 96], sizes = [2000, 32], strides = [1, 1]} : vector<2000x128xf32> to vector<2000x32xf32>
    %swap3A_50 = arith.constant 3 : index
    %swap3A_51 = arith.constant 0 : index
    %swap3A_52 = arith.constant 0 : index
    %swap3A_53 = vector.load %arg5[%swap3A_50, %swap3A_51, %swap3A_52] : memref<4x2000x32xf32, #tpu.memory_space<vmem>>, vector<1x2000x32xf32>
    %swap3A_54 = vector.shape_cast %swap3A_53 : vector<1x2000x32xf32> to vector<2000x32xf32>
    %swap3A_55 = vector.shape_cast %slice3A_49 : vector<2000x32xf32> to vector<1x2000x32xf32>
    tpu.vector_store %arg5[%swap3A_50, %swap3A_51, %swap3A_52], %swap3A_55 {strides = array<i32>} : memref<4x2000x32xf32, #tpu.memory_space<vmem>>, vector<1x2000x32xf32>,
    return
  }
  func.func @transform_0(%arg0: i32) -> (i32, i32, i32) {
    %c0_i32 = arith.constant 0 : i32
    %c0_i32_0 = arith.constant 0 : i32
    %c0_i32_1 = arith.constant 0 : i32
    return %c0_i32, %arg0, %c0_i32_0 : i32, i32, i32
  }
  func.func @transform_1(%arg0: i32) -> (i32, i32) {
    %c0_i32 = arith.constant 0 : i32
    %c0_i32_0 = arith.constant 0 : i32
    return %arg0, %c0_i32 : i32, i32
  }
  func.func @transform_2(%arg0: i32) -> (i32, i32) {
    %c0_i32 = arith.constant 0 : i32
    %c0_i32_0 = arith.constant 0 : i32
    %c0_i32_1 = arith.constant 0 : i32
    return %c0_i32, %c0_i32_0 : i32, i32
  }
  func.func @transform_3(%arg0: i32) -> (i32, i32) {
    %c0_i32 = arith.constant 0 : i32
    %c0_i32_0 = arith.constant 0 : i32
    %c0_i32_1 = arith.constant 0 : i32
    return %c0_i32, %c0_i32_0 : i32, i32
  }
  func.func @transform_4(%arg0: i32) -> (i32, i32, i32) {
    %c0_i32 = arith.constant 0 : i32
    %c0_i32_0 = arith.constant 0 : i32
    %c0_i32_1 = arith.constant 0 : i32
    return %c0_i32, %arg0, %c0_i32_0 : i32, i32, i32
  }
}

module attributes {stable_mosaic.version = 14 : i64} {
  func.func @body(%arg0: i32, %arg1: memref<4x2000x32xf32, #tpu.memory_space<vmem>>, %arg2: memref<4x2000x32xf32, #tpu.memory_space<vmem>>, %arg3: memref<2000x16xf32, #tpu.memory_space<vmem>>, %arg4: memref<128x128xf32, #tpu.memory_space<vmem>>, %arg5: memref<1x128xf32, #tpu.memory_space<vmem>>, %arg6: memref<2000x128xf32, #tpu.memory_space<vmem>>, %arg7: memref<8x1x128xf32, #tpu.memory_space<vmem>>) attributes {dimension_semantics = [#tpu.dimension_semantics<arbitrary>], iteration_bounds = array<i64: 25>, scalar_prefetch = 0 : i64, scratch_operands = 0 : i64, tpu.core_type = #tpu.core_type<tc>, window_params = [{transform_indices = @transform_0, window_bounds = array<i64: 4, 2000, 32>}, {transform_indices = @transform_1, window_bounds = array<i64: 4, 2000, 32>}, {transform_indices = @transform_2, window_bounds = array<i64: 2000, 16>}, {pipeline_mode = #tpu.pipeline_mode<synchronous>, transform_indices = @transform_3, window_bounds = array<i64: 128, 128>}, {pipeline_mode = #tpu.pipeline_mode<synchronous>, transform_indices = @transform_4, window_bounds = array<i64: 1, 128>}, {transform_indices = @transform_5, window_bounds = array<i64: 2000, 128>}, {transform_indices = @transform_6, window_bounds = array<i64: 8, 1, 128>}]} {
    %get3A = arith.constant 0 : index
    %get3A_0 = arith.constant 2 : index
    %get3A_1 = vector.load %arg3[%get3A, %get3A_0] : memref<2000x16xf32, #tpu.memory_space<vmem>>, vector<2000x1xf32>
    %get3A_2 = arith.constant 0 : index
    %get3A_3 = arith.constant 0 : index
    %get3A_4 = arith.constant 0 : index
    %get3A_5 = vector.load %arg1[%get3A_2, %get3A_3, %get3A_4] : memref<4x2000x32xf32, #tpu.memory_space<vmem>>, vector<1x2000x32xf32>
    %get3A_6 = vector.shape_cast %get3A_5 : vector<1x2000x32xf32> to vector<2000x32xf32>
    %get3A_7 = arith.constant 0 : index
    %get3A_8 = arith.constant 0 : index
    %get3A_9 = arith.constant 0 : index
    %get3A_10 = vector.load %arg2[%get3A_7, %get3A_8, %get3A_9] : memref<4x2000x32xf32, #tpu.memory_space<vmem>>, vector<1x2000x32xf32>
    %get3A_11 = vector.shape_cast %get3A_10 : vector<1x2000x32xf32> to vector<2000x32xf32>
    %add3A = arith.addf %get3A_6, %get3A_11 : vector<2000x32xf32>
    %mul3A = vector.broadcast %get3A_1 : vector<2000x1xf32> to vector<2000x32xf32>
    %mul3A_12 = arith.mulf %add3A, %mul3A : vector<2000x32xf32>
    %get3A_13 = arith.constant 0 : index
    %get3A_14 = arith.constant 0 : index
    %get3A_15 = vector.load %arg4[%get3A_13, %get3A_14] : memref<128x128xf32, #tpu.memory_space<vmem>>, vector<32x128xf32>
    %dot_general3A = arith.constant dense<0.000000e+00> : vector<2000x128xf32>
    %dot_general3A_16 = tpu.matmul %mul3A_12, %get3A_15, %dot_general3A {dimension_numbers = #tpu.dot_dimension_numbers<[1], [0], [0], [1], [0, 0, 1, 1], [], []>, transpose_lhs_hint = false} : vector<2000x32xf32>, vector<32x128xf32>, vector<2000x128xf32> -> vector<2000x128xf32>
    %get3A_17 = arith.constant 1 : index
    %get3A_18 = arith.constant 0 : index
    %get3A_19 = arith.constant 0 : index
    %get3A_20 = vector.load %arg1[%get3A_17, %get3A_18, %get3A_19] : memref<4x2000x32xf32, #tpu.memory_space<vmem>>, vector<1x2000x32xf32>
    %get3A_21 = vector.shape_cast %get3A_20 : vector<1x2000x32xf32> to vector<2000x32xf32>
    %get3A_22 = arith.constant 1 : index
    %get3A_23 = arith.constant 0 : index
    %get3A_24 = arith.constant 0 : index
    %get3A_25 = vector.load %arg2[%get3A_22, %get3A_23, %get3A_24] : memref<4x2000x32xf32, #tpu.memory_space<vmem>>, vector<1x2000x32xf32>
    %get3A_26 = vector.shape_cast %get3A_25 : vector<1x2000x32xf32> to vector<2000x32xf32>
    %add3A_27 = arith.addf %get3A_21, %get3A_26 : vector<2000x32xf32>
    %mul3A_28 = vector.broadcast %get3A_1 : vector<2000x1xf32> to vector<2000x32xf32>
    %mul3A_29 = arith.mulf %add3A_27, %mul3A_28 : vector<2000x32xf32>
    %get3A_30 = arith.constant 32 : index
    %get3A_31 = arith.constant 0 : index
    %get3A_32 = vector.load %arg4[%get3A_30, %get3A_31] : memref<128x128xf32, #tpu.memory_space<vmem>>, vector<32x128xf32>
    %dot_general3A_33 = arith.constant dense<0.000000e+00> : vector<2000x128xf32>
    %dot_general3A_34 = tpu.matmul %mul3A_29, %get3A_32, %dot_general3A_33 {dimension_numbers = #tpu.dot_dimension_numbers<[1], [0], [0], [1], [0, 0, 1, 1], [], []>, transpose_lhs_hint = false} : vector<2000x32xf32>, vector<32x128xf32>, vector<2000x128xf32> -> vector<2000x128xf32>
    %get3A_35 = arith.constant 2 : index
    %get3A_36 = arith.constant 0 : index
    %get3A_37 = arith.constant 0 : index
    %get3A_38 = vector.load %arg1[%get3A_35, %get3A_36, %get3A_37] : memref<4x2000x32xf32, #tpu.memory_space<vmem>>, vector<1x2000x32xf32>
    %get3A_39 = vector.shape_cast %get3A_38 : vector<1x2000x32xf32> to vector<2000x32xf32>
    %get3A_40 = arith.constant 2 : index
    %get3A_41 = arith.constant 0 : index
    %get3A_42 = arith.constant 0 : index
    %get3A_43 = vector.load %arg2[%get3A_40, %get3A_41, %get3A_42] : memref<4x2000x32xf32, #tpu.memory_space<vmem>>, vector<1x2000x32xf32>
    %get3A_44 = vector.shape_cast %get3A_43 : vector<1x2000x32xf32> to vector<2000x32xf32>
    %add3A_45 = arith.addf %get3A_39, %get3A_44 : vector<2000x32xf32>
    %mul3A_46 = vector.broadcast %get3A_1 : vector<2000x1xf32> to vector<2000x32xf32>
    %mul3A_47 = arith.mulf %add3A_45, %mul3A_46 : vector<2000x32xf32>
    %get3A_48 = arith.constant 64 : index
    %get3A_49 = arith.constant 0 : index
    %get3A_50 = vector.load %arg4[%get3A_48, %get3A_49] : memref<128x128xf32, #tpu.memory_space<vmem>>, vector<32x128xf32>
    %dot_general3A_51 = arith.constant dense<0.000000e+00> : vector<2000x128xf32>
    %dot_general3A_52 = tpu.matmul %mul3A_47, %get3A_50, %dot_general3A_51 {dimension_numbers = #tpu.dot_dimension_numbers<[1], [0], [0], [1], [0, 0, 1, 1], [], []>, transpose_lhs_hint = false} : vector<2000x32xf32>, vector<32x128xf32>, vector<2000x128xf32> -> vector<2000x128xf32>
    %get3A_53 = arith.constant 3 : index
    %get3A_54 = arith.constant 0 : index
    %get3A_55 = arith.constant 0 : index
    %get3A_56 = vector.load %arg1[%get3A_53, %get3A_54, %get3A_55] : memref<4x2000x32xf32, #tpu.memory_space<vmem>>, vector<1x2000x32xf32>
    %get3A_57 = vector.shape_cast %get3A_56 : vector<1x2000x32xf32> to vector<2000x32xf32>
    %get3A_58 = arith.constant 3 : index
    %get3A_59 = arith.constant 0 : index
    %get3A_60 = arith.constant 0 : index
    %get3A_61 = vector.load %arg2[%get3A_58, %get3A_59, %get3A_60] : memref<4x2000x32xf32, #tpu.memory_space<vmem>>, vector<1x2000x32xf32>
    %get3A_62 = vector.shape_cast %get3A_61 : vector<1x2000x32xf32> to vector<2000x32xf32>
    %add3A_63 = arith.addf %get3A_57, %get3A_62 : vector<2000x32xf32>
    %mul3A_64 = vector.broadcast %get3A_1 : vector<2000x1xf32> to vector<2000x32xf32>
    %mul3A_65 = arith.mulf %add3A_63, %mul3A_64 : vector<2000x32xf32>
    %get3A_66 = arith.constant 96 : index
    %get3A_67 = arith.constant 0 : index
    %get3A_68 = vector.load %arg4[%get3A_66, %get3A_67] : memref<128x128xf32, #tpu.memory_space<vmem>>, vector<32x128xf32>
    %dot_general3A_69 = arith.constant dense<0.000000e+00> : vector<2000x128xf32>
    %dot_general3A_70 = tpu.matmul %mul3A_65, %get3A_68, %dot_general3A_69 {dimension_numbers = #tpu.dot_dimension_numbers<[1], [0], [0], [1], [0, 0, 1, 1], [], []>, transpose_lhs_hint = false} : vector<2000x32xf32>, vector<32x128xf32>, vector<2000x128xf32> -> vector<2000x128xf32>
    %add3A_71 = arith.addf %dot_general3A_16, %dot_general3A_34 : vector<2000x128xf32>
    %add3A_72 = arith.addf %add3A_71, %dot_general3A_52 : vector<2000x128xf32>
    %add3A_73 = arith.addf %add3A_72, %dot_general3A_70 : vector<2000x128xf32>
    %get3A_74 = arith.constant 0 : index
    %get3A_75 = arith.constant 0 : index
    %get3A_76 = vector.load %arg5[%get3A_74, %get3A_75] : memref<1x128xf32, #tpu.memory_space<vmem>>, vector<1x128xf32>
    %add3A_77 = vector.broadcast %get3A_76 : vector<1x128xf32> to vector<2000x128xf32>
    %add3A_78 = arith.addf %add3A_73, %add3A_77 : vector<2000x128xf32>
    %swap3A = arith.constant 0 : index
    %swap3A_79 = arith.constant 0 : index
    %swap3A_80 = vector.load %arg6[%swap3A, %swap3A_79] : memref<2000x128xf32, #tpu.memory_space<vmem>>, vector<2000x128xf32>
    tpu.vector_store %arg6[%swap3A, %swap3A_79], %add3A_78 {strides = array<i32>} : memref<2000x128xf32, #tpu.memory_space<vmem>>, vector<2000x128xf32>,
    %reshape3A = vector.shape_cast %add3A_78 : vector<2000x128xf32> to vector<8x250x128xf32>
    %reduce_sum3A = arith.constant dense<0.000000e+00> : vector<8x128xf32>
    %reduce_sum3A_81 = vector.multi_reduction <add>, %reshape3A, %reduce_sum3A [1] : vector<8x250x128xf32> to vector<8x128xf32>
    %broadcast_in_dim3A = vector.shape_cast %reduce_sum3A_81 : vector<8x128xf32> to vector<8x1x128xf32>
    %swap3A_82 = arith.constant 0 : index
    %swap3A_83 = arith.constant 0 : index
    %swap3A_84 = arith.constant 0 : index
    %swap3A_85 = vector.load %arg7[%swap3A_82, %swap3A_83, %swap3A_84] : memref<8x1x128xf32, #tpu.memory_space<vmem>>, vector<8x1x128xf32>
    tpu.vector_store %arg7[%swap3A_82, %swap3A_83, %swap3A_84], %broadcast_in_dim3A {strides = array<i32>} : memref<8x1x128xf32, #tpu.memory_space<vmem>>, vector<8x1x128xf32>,
    return
  }
  func.func @transform_0(%arg0: i32) -> (i32, i32, i32) {
    %c0_i32 = arith.constant 0 : i32
    %c0_i32_0 = arith.constant 0 : i32
    %c0_i32_1 = arith.constant 0 : i32
    return %c0_i32, %arg0, %c0_i32_0 : i32, i32, i32
  }
  func.func @transform_1(%arg0: i32) -> (i32, i32, i32) {
    %c0_i32 = arith.constant 0 : i32
    %c0_i32_0 = arith.constant 0 : i32
    %c0_i32_1 = arith.constant 0 : i32
    return %c0_i32, %arg0, %c0_i32_0 : i32, i32, i32
  }
  func.func @transform_2(%arg0: i32) -> (i32, i32) {
    %c0_i32 = arith.constant 0 : i32
    %c0_i32_0 = arith.constant 0 : i32
    return %arg0, %c0_i32 : i32, i32
  }
  func.func @transform_3(%arg0: i32) -> (i32, i32) {
    %c0_i32 = arith.constant 0 : i32
    %c0_i32_0 = arith.constant 0 : i32
    %c0_i32_1 = arith.constant 0 : i32
    return %c0_i32, %c0_i32_0 : i32, i32
  }
  func.func @transform_4(%arg0: i32) -> (i32, i32) {
    %c0_i32 = arith.constant 0 : i32
    %c0_i32_0 = arith.constant 0 : i32
    %c0_i32_1 = arith.constant 0 : i32
    return %c0_i32, %c0_i32_0 : i32, i32
  }
  func.func @transform_5(%arg0: i32) -> (i32, i32) {
    %c0_i32 = arith.constant 0 : i32
    %c0_i32_0 = arith.constant 0 : i32
    return %arg0, %c0_i32 : i32, i32
  }
  func.func @transform_6(%arg0: i32) -> (i32, i32, i32) {
    %c0_i32 = arith.constant 0 : i32
    %c0_i32_0 = arith.constant 0 : i32
    %c0_i32_1 = arith.constant 0 : i32
    return %arg0, %c0_i32, %c0_i32_0 : i32, i32, i32
  }
}

module attributes {stable_mosaic.version = 14 : i64} {
  func.func @body(%arg0: i32, %arg1: memref<2x3200x128xf32, #tpu.memory_space<vmem>>, %arg2: memref<8x1x128xf32, #tpu.memory_space<vmem>>, %arg3: memref<8x1x1xi32, #tpu.memory_space<vmem>>, %arg4: memref<8x1x250xf32, #tpu.memory_space<vmem>>, %arg5: memref<8x250x400xf32, #tpu.memory_space<vmem>>, %arg6: memref<8x250x400xf32, #tpu.memory_space<vmem>>, %arg7: memref<250x400xf32, #tpu.memory_space<vmem>>, %arg8: memref<400x250xf32, #tpu.memory_space<vmem>>, %arg9: memref<3x128x512xf32, #tpu.memory_space<vmem>>, %arg10: memref<3x128x384xf32, #tpu.memory_space<vmem>>, %arg11: memref<512x4xf32, #tpu.memory_space<vmem>>, %arg12: memref<1x4xf32, #tpu.memory_space<vmem>>, %arg13: memref<384x3xf32, #tpu.memory_space<vmem>>, %arg14: memref<1x3xf32, #tpu.memory_space<vmem>>, %arg15: memref<1x512xf32, #tpu.memory_space<vmem>>, %arg16: memref<1x384xf32, #tpu.memory_space<vmem>>, %arg17: memref<8x2x250xf32, #tpu.memory_space<vmem>>, %arg18: memref<8x1x1050xf32, #tpu.memory_space<vmem>>, %arg19: memref<8x1x900xf32, #tpu.memory_space<vmem>>) attributes {dimension_semantics = [#tpu.dimension_semantics<arbitrary>], iteration_bounds = array<i64: 25>, scalar_prefetch = 0 : i64, scratch_operands = 0 : i64, tpu.core_type = #tpu.core_type<tc>, window_params = [{transform_indices = @transform_0, window_bounds = array<i64: 2, 3200, 128>}, {transform_indices = @transform_1, window_bounds = array<i64: 8, 1, 128>}, {transform_indices = @transform_2, window_bounds = array<i64: 8, 1, 1>}, {transform_indices = @transform_3, window_bounds = array<i64: 8, 1, 250>}, {transform_indices = @transform_4, window_bounds = array<i64: 8, 250, 400>}, {transform_indices = @transform_5, window_bounds = array<i64: 8, 250, 400>}, {pipeline_mode = #tpu.pipeline_mode<synchronous>, transform_indices = @transform_6, window_bounds = array<i64: 250, 400>}, {pipeline_mode = #tpu.pipeline_mode<synchronous>, transform_indices = @transform_7, window_bounds = array<i64: 400, 250>}, {pipeline_mode = #tpu.pipeline_mode<synchronous>, transform_indices = @transform_8, window_bounds = array<i64: 3, 128, 512>}, {pipeline_mode = #tpu.pipeline_mode<synchronous>, transform_indices = @transform_9, window_bounds = array<i64: 3, 128, 384>}, {pipeline_mode = #tpu.pipeline_mode<synchronous>, transform_indices = @transform_10, window_bounds = array<i64: 512, 4>}, {pipeline_mode = #tpu.pipeline_mode<synchronous>, transform_indices = @transform_11, window_bounds = array<i64: 1, 4>}, {pipeline_mode = #tpu.pipeline_mode<synchronous>, transform_indices = @transform_12, window_bounds = array<i64: 384, 3>}, {pipeline_mode = #tpu.pipeline_mode<synchronous>, transform_indices = @transform_13, window_bounds = array<i64: 1, 3>}, {pipeline_mode = #tpu.pipeline_mode<synchronous>, transform_indices = @transform_14, window_bounds = array<i64: 1, 512>}, {pipeline_mode = #tpu.pipeline_mode<synchronous>, transform_indices = @transform_15, window_bounds = array<i64: 1, 384>}, {transform_indices = @transform_16, window_bounds = array<i64: 8, 2, 250>}, {transform_indices = @transform_17, window_bounds = array<i64: 8, 1, 1050>}, {transform_indices = @transform_18, window_bounds = array<i64: 8, 1, 900>}]} {
    %get3A = arith.constant 0 : index
    %get3A_0 = arith.constant 0 : index
    %get3A_1 = arith.constant 0 : index
    %get3A_2 = vector.load %arg1[%get3A, %get3A_0, %get3A_1] : memref<2x3200x128xf32, #tpu.memory_space<vmem>>, vector<1x3200x128xf32>
    %get3A_3 = vector.shape_cast %get3A_2 : vector<1x3200x128xf32> to vector<3200x128xf32>
    %get3A_4 = arith.constant 1 : index
    %get3A_5 = arith.constant 0 : index
    %get3A_6 = arith.constant 0 : index
    %get3A_7 = vector.load %arg1[%get3A_4, %get3A_5, %get3A_6] : memref<2x3200x128xf32, #tpu.memory_space<vmem>>, vector<1x3200x128xf32>
    %get3A_8 = vector.shape_cast %get3A_7 : vector<1x3200x128xf32> to vector<3200x128xf32>
    %get3A_9 = arith.constant 0 : index
    %get3A_10 = arith.constant 0 : index
    %get3A_11 = arith.constant 0 : index
    %get3A_12 = vector.load %arg2[%get3A_9, %get3A_10, %get3A_11] : memref<8x1x128xf32, #tpu.memory_space<vmem>>, vector<8x1x128xf32>
    %get3A_13 = vector.shape_cast %get3A_12 : vector<8x1x128xf32> to vector<8x128xf32>
    %get3A_14 = arith.constant 2 : index
    %get3A_15 = arith.constant 0 : index
    %get3A_16 = arith.constant 0 : index
    %get3A_17 = vector.load %arg9[%get3A_14, %get3A_15, %get3A_16] : memref<3x128x512xf32, #tpu.memory_space<vmem>>, vector<1x128x512xf32>
    %get3A_18 = vector.shape_cast %get3A_17 : vector<1x128x512xf32> to vector<128x512xf32>
    %dot_general3A = arith.constant dense<0.000000e+00> : vector<8x512xf32>
    %dot_general3A_19 = tpu.matmul %get3A_13, %get3A_18, %dot_general3A {dimension_numbers = #tpu.dot_dimension_numbers<[1], [0], [0], [1], [0, 0, 1, 1], [], []>, transpose_lhs_hint = false} : vector<8x128xf32>, vector<128x512xf32>, vector<8x512xf32> -> vector<8x512xf32>
    %get3A_20 = arith.constant 0 : index
    %get3A_21 = arith.constant 0 : index
    %get3A_22 = vector.load %arg15[%get3A_20, %get3A_21] : memref<1x512xf32, #tpu.memory_space<vmem>>, vector<1x512xf32>
    %add3A = vector.broadcast %get3A_22 : vector<1x512xf32> to vector<8x512xf32>
    %add3A_23 = arith.addf %dot_general3A_19, %add3A : vector<8x512xf32>
    %get3A_24 = arith.constant 2 : index
    %get3A_25 = arith.constant 0 : index
    %get3A_26 = arith.constant 0 : index
    %get3A_27 = vector.load %arg10[%get3A_24, %get3A_25, %get3A_26] : memref<3x128x384xf32, #tpu.memory_space<vmem>>, vector<1x128x384xf32>
    %get3A_28 = vector.shape_cast %get3A_27 : vector<1x128x384xf32> to vector<128x384xf32>
    %dot_general3A_29 = arith.constant dense<0.000000e+00> : vector<8x384xf32>
    %dot_general3A_30 = tpu.matmul %get3A_13, %get3A_28, %dot_general3A_29 {dimension_numbers = #tpu.dot_dimension_numbers<[1], [0], [0], [1], [0, 0, 1, 1], [], []>, transpose_lhs_hint = false} : vector<8x128xf32>, vector<128x384xf32>, vector<8x384xf32> -> vector<8x384xf32>
    %get3A_31 = arith.constant 0 : index
    %get3A_32 = arith.constant 0 : index
    %get3A_33 = vector.load %arg16[%get3A_31, %get3A_32] : memref<1x384xf32, #tpu.memory_space<vmem>>, vector<1x384xf32>
    %add3A_34 = vector.broadcast %get3A_33 : vector<1x384xf32> to vector<8x384xf32>
    %add3A_35 = arith.addf %dot_general3A_30, %add3A_34 : vector<8x384xf32>
    %broadcast_in_dim3A = vector.shape_cast %add3A_23 : vector<8x512xf32> to vector<8x1x512xf32>
    %broadcast_in_dim3A_36 = vector.broadcast %broadcast_in_dim3A : vector<8x1x512xf32> to vector<8x400x512xf32>
    %reshape3A = vector.shape_cast %broadcast_in_dim3A_36 : vector<8x400x512xf32> to vector<3200x512xf32>
    %broadcast_in_dim3A_37 = vector.shape_cast %add3A_35 : vector<8x384xf32> to vector<8x1x384xf32>
    %broadcast_in_dim3A_38 = vector.broadcast %broadcast_in_dim3A_37 : vector<8x1x384xf32> to vector<8x400x384xf32>
    %reshape3A_39 = vector.shape_cast %broadcast_in_dim3A_38 : vector<8x400x384xf32> to vector<3200x384xf32>
    %get3A_40 = arith.constant 0 : index
    %get3A_41 = arith.constant 0 : index
    %get3A_42 = arith.constant 0 : index
    %get3A_43 = vector.load %arg9[%get3A_40, %get3A_41, %get3A_42] : memref<3x128x512xf32, #tpu.memory_space<vmem>>, vector<1x128x512xf32>
    %get3A_44 = vector.shape_cast %get3A_43 : vector<1x128x512xf32> to vector<128x512xf32>
    %dot_general3A_45 = arith.constant dense<0.000000e+00> : vector<3200x512xf32>
    %dot_general3A_46 = tpu.matmul %get3A_3, %get3A_44, %dot_general3A_45 {dimension_numbers = #tpu.dot_dimension_numbers<[1], [0], [0], [1], [0, 0, 1, 1], [], []>, transpose_lhs_hint = false} : vector<3200x128xf32>, vector<128x512xf32>, vector<3200x512xf32> -> vector<3200x512xf32>
    %get3A_47 = arith.constant 1 : index
    %get3A_48 = arith.constant 0 : index
    %get3A_49 = arith.constant 0 : index
    %get3A_50 = vector.load %arg9[%get3A_47, %get3A_48, %get3A_49] : memref<3x128x512xf32, #tpu.memory_space<vmem>>, vector<1x128x512xf32>
    %get3A_51 = vector.shape_cast %get3A_50 : vector<1x128x512xf32> to vector<128x512xf32>
    %dot_general3A_52 = arith.constant dense<0.000000e+00> : vector<3200x512xf32>
    %dot_general3A_53 = tpu.matmul %get3A_8, %get3A_51, %dot_general3A_52 {dimension_numbers = #tpu.dot_dimension_numbers<[1], [0], [0], [1], [0, 0, 1, 1], [], []>, transpose_lhs_hint = false} : vector<3200x128xf32>, vector<128x512xf32>, vector<3200x512xf32> -> vector<3200x512xf32>
    %add3A_54 = arith.addf %dot_general3A_46, %dot_general3A_53 : vector<3200x512xf32>
    %add3A_55 = arith.addf %add3A_54, %reshape3A : vector<3200x512xf32>
    %max3A = arith.constant 0.000000e+00 : f32
    %max3A_56 = vector.broadcast %max3A : f32 to vector<3200x512xf32>
    %max3A_57 = arith.maximumf %add3A_55, %max3A_56 : vector<3200x512xf32>
    %get3A_58 = arith.constant 0 : index
    %get3A_59 = arith.constant 0 : index
    %get3A_60 = vector.load %arg11[%get3A_58, %get3A_59] : memref<512x4xf32, #tpu.memory_space<vmem>>, vector<512x4xf32>
    %dot_general3A_61 = arith.constant dense<0.000000e+00> : vector<3200x4xf32>
    %dot_general3A_62 = tpu.matmul %max3A_57, %get3A_60, %dot_general3A_61 {dimension_numbers = #tpu.dot_dimension_numbers<[1], [0], [0], [1], [0, 0, 1, 1], [], []>, transpose_lhs_hint = false} : vector<3200x512xf32>, vector<512x4xf32>, vector<3200x4xf32> -> vector<3200x4xf32>
    %get3A_63 = arith.constant 0 : index
    %get3A_64 = arith.constant 0 : index
    %get3A_65 = vector.load %arg12[%get3A_63, %get3A_64] : memref<1x4xf32, #tpu.memory_space<vmem>>, vector<1x4xf32>
    %add3A_66 = vector.broadcast %get3A_65 : vector<1x4xf32> to vector<3200x4xf32>
    %add3A_67 = arith.addf %dot_general3A_62, %add3A_66 : vector<3200x4xf32>
    %get3A_68 = arith.constant 0 : index
    %get3A_69 = arith.constant 0 : index
    %get3A_70 = arith.constant 0 : index
    %get3A_71 = vector.load %arg10[%get3A_68, %get3A_69, %get3A_70] : memref<3x128x384xf32, #tpu.memory_space<vmem>>, vector<1x128x384xf32>
    %get3A_72 = vector.shape_cast %get3A_71 : vector<1x128x384xf32> to vector<128x384xf32>
    %dot_general3A_73 = arith.constant dense<0.000000e+00> : vector<3200x384xf32>
    %dot_general3A_74 = tpu.matmul %get3A_3, %get3A_72, %dot_general3A_73 {dimension_numbers = #tpu.dot_dimension_numbers<[1], [0], [0], [1], [0, 0, 1, 1], [], []>, transpose_lhs_hint = false} : vector<3200x128xf32>, vector<128x384xf32>, vector<3200x384xf32> -> vector<3200x384xf32>
    %get3A_75 = arith.constant 1 : index
    %get3A_76 = arith.constant 0 : index
    %get3A_77 = arith.constant 0 : index
    %get3A_78 = vector.load %arg10[%get3A_75, %get3A_76, %get3A_77] : memref<3x128x384xf32, #tpu.memory_space<vmem>>, vector<1x128x384xf32>
    %get3A_79 = vector.shape_cast %get3A_78 : vector<1x128x384xf32> to vector<128x384xf32>
    %dot_general3A_80 = arith.constant dense<0.000000e+00> : vector<3200x384xf32>
    %dot_general3A_81 = tpu.matmul %get3A_8, %get3A_79, %dot_general3A_80 {dimension_numbers = #tpu.dot_dimension_numbers<[1], [0], [0], [1], [0, 0, 1, 1], [], []>, transpose_lhs_hint = false} : vector<3200x128xf32>, vector<128x384xf32>, vector<3200x384xf32> -> vector<3200x384xf32>
    %add3A_82 = arith.addf %dot_general3A_74, %dot_general3A_81 : vector<3200x384xf32>
    %add3A_83 = arith.addf %add3A_82, %reshape3A_39 : vector<3200x384xf32>
    %max3A_84 = arith.constant 0.000000e+00 : f32
    %max3A_85 = vector.broadcast %max3A_84 : f32 to vector<3200x384xf32>
    %max3A_86 = arith.maximumf %add3A_83, %max3A_85 : vector<3200x384xf32>
    %get3A_87 = arith.constant 0 : index
    %get3A_88 = arith.constant 0 : index
    %get3A_89 = vector.load %arg13[%get3A_87, %get3A_88] : memref<384x3xf32, #tpu.memory_space<vmem>>, vector<384x3xf32>
    %dot_general3A_90 = arith.constant dense<0.000000e+00> : vector<3200x3xf32>
    %dot_general3A_91 = tpu.matmul %max3A_86, %get3A_89, %dot_general3A_90 {dimension_numbers = #tpu.dot_dimension_numbers<[1], [0], [0], [1], [0, 0, 1, 1], [], []>, transpose_lhs_hint = false} : vector<3200x384xf32>, vector<384x3xf32>, vector<3200x3xf32> -> vector<3200x3xf32>
    %get3A_92 = arith.constant 0 : index
    %get3A_93 = arith.constant 0 : index
    %get3A_94 = vector.load %arg14[%get3A_92, %get3A_93] : memref<1x3xf32, #tpu.memory_space<vmem>>, vector<1x3xf32>
    %add3A_95 = vector.broadcast %get3A_94 : vector<1x3xf32> to vector<3200x3xf32>
    %add3A_96 = arith.addf %dot_general3A_91, %add3A_95 : vector<3200x3xf32>
    %transpose3A = tpu.transpose %add3A_67, [1, 0] : vector<3200x4xf32> -> vector<4x3200xf32>
    %reshape3A_97 = vector.shape_cast %transpose3A : vector<4x3200xf32> to vector<4x8x400xf32>
    %transpose3A_98 = tpu.transpose %add3A_96, [1, 0] : vector<3200x3xf32> -> vector<3x3200xf32>
    %reshape3A_99 = vector.shape_cast %transpose3A_98 : vector<3x3200xf32> to vector<3x8x400xf32>
    %get3A_100 = arith.constant 0 : index
    %get3A_101 = arith.constant 0 : index
    %get3A_102 = arith.constant 0 : index
    %get3A_103 = vector.load %arg3[%get3A_100, %get3A_101, %get3A_102] : memref<8x1x1xi32, #tpu.memory_space<vmem>>, vector<8x1x1xi32>
    %get3A_104 = vector.shape_cast %get3A_103 : vector<8x1x1xi32> to vector<8x1xi32>
    %iota3A = tpu.iota {dimensions = array<i32: 1>} : vector<8x400xi32>
    %sub3A = arith.constant 400 : i32
    %sub3A_105 = vector.broadcast %sub3A : i32 to vector<8x1xi32>
    %sub3A_106 = arith.subi %sub3A_105, %get3A_104 : vector<8x1xi32>
    %ge3A = vector.broadcast %sub3A_106 : vector<8x1xi32> to vector<8x400xi32>
    %ge3A_107 = arith.cmpi sge, %iota3A, %ge3A : vector<8x400xi32>
    %broadcast_in_dim3A_108 = arith.constant 1.000000e+00 : f32
    %broadcast_in_dim3A_109 = vector.broadcast %broadcast_in_dim3A_108 : f32 to vector<8x400xf32>
    %broadcast_in_dim3A_110 = arith.constant 0.000000e+00 : f32
    %broadcast_in_dim3A_111 = vector.broadcast %broadcast_in_dim3A_110 : f32 to vector<8x400xf32>
    %slice3A = vector.extract_strided_slice %reshape3A_97 {offsets = [0, 0, 0], sizes = [1, 8, 400], strides = [1, 1, 1]} : vector<4x8x400xf32> to vector<1x8x400xf32>
    %squeeze3A = vector.shape_cast %slice3A : vector<1x8x400xf32> to vector<8x400xf32>
    %logistic3A = arith.negf %squeeze3A : vector<8x400xf32>
    %logistic3A_112 = math.exp %logistic3A : vector<8x400xf32>
    %logistic3A_113 = arith.constant 1.000000e+00 : f32
    %logistic3A_114 = vector.broadcast %logistic3A_113 : f32 to vector<8x400xf32>
    %logistic3A_115 = arith.addf %logistic3A_114, %logistic3A_112 : vector<8x400xf32>
    %logistic3A_116 = arith.divf %logistic3A_114, %logistic3A_115 : vector<8x400xf32>
    %select_n3A = arith.select %ge3A_107, %logistic3A_116, %broadcast_in_dim3A_109 : vector<8x400xi1>, vector<8x400xf32>
    %slice3A_117 = vector.extract_strided_slice %reshape3A_97 {offsets = [1, 0, 0], sizes = [1, 8, 400], strides = [1, 1, 1]} : vector<4x8x400xf32> to vector<1x8x400xf32>
    %squeeze3A_118 = vector.shape_cast %slice3A_117 : vector<1x8x400xf32> to vector<8x400xf32>
    %select_n3A_119 = arith.select %ge3A_107, %squeeze3A_118, %broadcast_in_dim3A_111 : vector<8x400xi1>, vector<8x400xf32>
    %slice3A_120 = vector.extract_strided_slice %reshape3A_99 {offsets = [0, 0, 0], sizes = [1, 8, 400], strides = [1, 1, 1]} : vector<3x8x400xf32> to vector<1x8x400xf32>
    %squeeze3A_121 = vector.shape_cast %slice3A_120 : vector<1x8x400xf32> to vector<8x400xf32>
    %select_n3A_122 = arith.select %ge3A_107, %broadcast_in_dim3A_111, %squeeze3A_121 : vector<8x400xi1>, vector<8x400xf32>
    %add3A_123 = arith.addf %select_n3A_119, %select_n3A_122 : vector<8x400xf32>
    %slice3A_124 = vector.extract_strided_slice %reshape3A_97 {offsets = [2, 0, 0], sizes = [1, 8, 400], strides = [1, 1, 1]} : vector<4x8x400xf32> to vector<1x8x400xf32>
    %squeeze3A_125 = vector.shape_cast %slice3A_124 : vector<1x8x400xf32> to vector<8x400xf32>
    %select_n3A_126 = arith.select %ge3A_107, %squeeze3A_125, %broadcast_in_dim3A_111 : vector<8x400xi1>, vector<8x400xf32>
    %slice3A_127 = vector.extract_strided_slice %reshape3A_99 {offsets = [1, 0, 0], sizes = [1, 8, 400], strides = [1, 1, 1]} : vector<3x8x400xf32> to vector<1x8x400xf32>
    %squeeze3A_128 = vector.shape_cast %slice3A_127 : vector<1x8x400xf32> to vector<8x400xf32>
    %select_n3A_129 = arith.select %ge3A_107, %broadcast_in_dim3A_111, %squeeze3A_128 : vector<8x400xi1>, vector<8x400xf32>
    %add3A_130 = arith.addf %select_n3A_126, %select_n3A_129 : vector<8x400xf32>
    %slice3A_131 = vector.extract_strided_slice %reshape3A_97 {offsets = [3, 0, 0], sizes = [1, 8, 400], strides = [1, 1, 1]} : vector<4x8x400xf32> to vector<1x8x400xf32>
    %squeeze3A_132 = vector.shape_cast %slice3A_131 : vector<1x8x400xf32> to vector<8x400xf32>
    %select_n3A_133 = arith.select %ge3A_107, %squeeze3A_132, %broadcast_in_dim3A_111 : vector<8x400xi1>, vector<8x400xf32>
    %slice3A_134 = vector.extract_strided_slice %reshape3A_99 {offsets = [2, 0, 0], sizes = [1, 8, 400], strides = [1, 1, 1]} : vector<3x8x400xf32> to vector<1x8x400xf32>
    %squeeze3A_135 = vector.shape_cast %slice3A_134 : vector<1x8x400xf32> to vector<8x400xf32>
    %select_n3A_136 = arith.select %ge3A_107, %broadcast_in_dim3A_111, %squeeze3A_135 : vector<8x400xi1>, vector<8x400xf32>
    %add3A_137 = arith.addf %select_n3A_133, %select_n3A_136 : vector<8x400xf32>
    %get3A_138 = arith.constant 0 : index
    %get3A_139 = arith.constant 0 : index
    %get3A_140 = arith.constant 0 : index
    %get3A_141 = vector.load %arg5[%get3A_138, %get3A_139, %get3A_140] : memref<8x250x400xf32, #tpu.memory_space<vmem>>, vector<8x250x400xf32>
    %reshape3A_142 = vector.shape_cast %get3A_141 : vector<8x250x400xf32> to vector<2000x400xf32>
    %get3A_143 = arith.constant 0 : index
    %get3A_144 = arith.constant 0 : index
    %get3A_145 = arith.constant 0 : index
    %get3A_146 = vector.load %arg6[%get3A_143, %get3A_144, %get3A_145] : memref<8x250x400xf32, #tpu.memory_space<vmem>>, vector<8x250x400xf32>
    %reshape3A_147 = vector.shape_cast %get3A_146 : vector<8x250x400xf32> to vector<2000x400xf32>
    %dot_general3A_148 = arith.constant dense<0.000000e+00> : vector<8x2000xf32>
    %dot_general3A_149 = tpu.matmul %add3A_130, %reshape3A_142, %dot_general3A_148 {dimension_numbers = #tpu.dot_dimension_numbers<[1], [1], [0], [0], [0, 0, 1, 0], [], []>, transpose_lhs_hint = false} : vector<8x400xf32>, vector<2000x400xf32>, vector<8x2000xf32> -> vector<8x2000xf32>
    %dot_general3A_150 = arith.constant dense<0.000000e+00> : vector<8x2000xf32>
    %dot_general3A_151 = tpu.matmul %add3A_137, %reshape3A_147, %dot_general3A_150 {dimension_numbers = #tpu.dot_dimension_numbers<[1], [1], [0], [0], [0, 0, 1, 0], [], []>, transpose_lhs_hint = false} : vector<8x400xf32>, vector<2000x400xf32>, vector<8x2000xf32> -> vector<8x2000xf32>
    %add3A_152 = arith.addf %dot_general3A_149, %dot_general3A_151 : vector<8x2000xf32>
    %reshape3A_153 = vector.shape_cast %add3A_152 : vector<8x2000xf32> to vector<8x8x250xf32>
    %iota3A_154 = tpu.iota {dimensions = array<i32: 0>} : vector<8x8x1xi32>
    %iota3A_155 = tpu.iota {dimensions = array<i32: 1>} : vector<8x8x1xi32>
    %eq3A = arith.cmpi eq, %iota3A_154, %iota3A_155 : vector<8x8x1xi32>
    %jit3A = arith.constant 0.000000e+00 : f32
    %broadcast_in_dim3A_156 = vector.shape_cast %eq3A : vector<8x8x1xi1> to vector<8x8x1xi1>
    %broadcast_in_dim3A_157 = vector.broadcast %broadcast_in_dim3A_156 : vector<8x8x1xi1> to vector<8x8x250xi1>
    %broadcast_in_dim3A_158 = vector.broadcast %jit3A : f32 to vector<8x8x250xf32>
    %select_n3A_159 = arith.select %broadcast_in_dim3A_157, %reshape3A_153, %broadcast_in_dim3A_158 : vector<8x8x250xi1>, vector<8x8x250xf32>
    %reduce_sum3A = arith.constant dense<0.000000e+00> : vector<8x250xf32>
    %reduce_sum3A_160 = vector.multi_reduction <add>, %select_n3A_159, %reduce_sum3A [0] : vector<8x8x250xf32> to vector<8x250xf32>
    %get3A_161 = arith.constant 0 : index
    %get3A_162 = arith.constant 0 : index
    %get3A_163 = arith.constant 0 : index
    %get3A_164 = vector.load %arg4[%get3A_161, %get3A_162, %get3A_163] : memref<8x1x250xf32, #tpu.memory_space<vmem>>, vector<8x1x250xf32>
    %get3A_165 = vector.shape_cast %get3A_164 : vector<8x1x250xf32> to vector<8x250xf32>
    %mul3A = arith.mulf %get3A_165, %reduce_sum3A_160 : vector<8x250xf32>
    %iota3A_166 = tpu.iota {dimensions = array<i32: 1>} : vector<8x250xi32>
    %eq3A_167 = arith.constant 0 : i32
    %eq3A_168 = vector.broadcast %eq3A_167 : i32 to vector<8x250xi32>
    %eq3A_169 = arith.cmpi eq, %iota3A_166, %eq3A_168 : vector<8x250xi32>
    %jit3A_170 = arith.constant 1.000000e+00 : f32
    %broadcast_in_dim3A_171 = vector.broadcast %jit3A_170 : f32 to vector<8x250xf32>
    %select_n3A_172 = arith.select %eq3A_169, %broadcast_in_dim3A_171, %mul3A : vector<8x250xi1>, vector<8x250xf32>
    %mul3A_173 = arith.mulf %add3A_123, %select_n3A : vector<8x400xf32>
    %get3A_174 = arith.constant 0 : index
    %get3A_175 = arith.constant 0 : index
    %get3A_176 = vector.load %arg7[%get3A_174, %get3A_175] : memref<250x400xf32, #tpu.memory_space<vmem>>, vector<250x400xf32>
    %dot_general3A_177 = arith.constant dense<0.000000e+00> : vector<8x400xf32>
    %dot_general3A_178 = tpu.matmul %select_n3A_172, %get3A_176, %dot_general3A_177 {dimension_numbers = #tpu.dot_dimension_numbers<[1], [0], [0], [1], [0, 0, 1, 1], [], []>, transpose_lhs_hint = false} : vector<8x250xf32>, vector<250x400xf32>, vector<8x400xf32> -> vector<8x400xf32>
    %mul3A_179 = arith.mulf %dot_general3A_178, %select_n3A : vector<8x400xf32>
    %get3A_180 = arith.constant 0 : index
    %get3A_181 = arith.constant 0 : index
    %get3A_182 = arith.constant 0 : index
    %get3A_183 = vector.load %arg17[%get3A_180, %get3A_181, %get3A_182] : memref<8x2x250xf32, #tpu.memory_space<vmem>>, vector<8x1x250xf32>
    %get3A_184 = vector.shape_cast %get3A_183 : vector<8x1x250xf32> to vector<8x250xf32>
    %get3A_185 = arith.constant 0 : index
    %get3A_186 = arith.constant 0 : index
    %get3A_187 = vector.load %arg8[%get3A_185, %get3A_186] : memref<400x250xf32, #tpu.memory_space<vmem>>, vector<400x250xf32>
    %dot_general3A_188 = arith.constant dense<0.000000e+00> : vector<8x250xf32>
    %dot_general3A_189 = tpu.matmul %mul3A_173, %get3A_187, %dot_general3A_188 {dimension_numbers = #tpu.dot_dimension_numbers<[1], [0], [0], [1], [0, 0, 1, 1], [], []>, transpose_lhs_hint = false} : vector<8x400xf32>, vector<400x250xf32>, vector<8x250xf32> -> vector<8x250xf32>
    %add3A_190 = arith.addf %get3A_184, %dot_general3A_189 : vector<8x250xf32>
    %get3A_191 = arith.constant 0 : index
    %get3A_192 = arith.constant 1 : index
    %get3A_193 = arith.constant 0 : index
    %get3A_194 = vector.load %arg17[%get3A_191, %get3A_192, %get3A_193] : memref<8x2x250xf32, #tpu.memory_space<vmem>>, vector<8x1x250xf32>
    %get3A_195 = vector.shape_cast %get3A_194 : vector<8x1x250xf32> to vector<8x250xf32>
    %get3A_196 = arith.constant 0 : index
    %get3A_197 = arith.constant 0 : index
    %get3A_198 = vector.load %arg8[%get3A_196, %get3A_197] : memref<400x250xf32, #tpu.memory_space<vmem>>, vector<400x250xf32>
    %dot_general3A_199 = arith.constant dense<0.000000e+00> : vector<8x250xf32>
    %dot_general3A_200 = tpu.matmul %mul3A_179, %get3A_198, %dot_general3A_199 {dimension_numbers = #tpu.dot_dimension_numbers<[1], [0], [0], [1], [0, 0, 1, 1], [], []>, transpose_lhs_hint = false} : vector<8x400xf32>, vector<400x250xf32>, vector<8x250xf32> -> vector<8x250xf32>
    %add3A_201 = arith.addf %get3A_195, %dot_general3A_200 : vector<8x250xf32>
    %swap3A = arith.constant 0 : index
    %swap3A_202 = arith.constant 0 : index
    %swap3A_203 = arith.constant 0 : index
    %swap3A_204 = vector.load %arg18[%swap3A, %swap3A_202, %swap3A_203] : memref<8x1x1050xf32, #tpu.memory_space<vmem>>, vector<8x1x400xf32>
    %swap3A_205 = vector.shape_cast %swap3A_204 : vector<8x1x400xf32> to vector<8x400xf32>
    %swap3A_206 = vector.shape_cast %mul3A_173 : vector<8x400xf32> to vector<8x1x400xf32>
    tpu.vector_store %arg18[%swap3A, %swap3A_202, %swap3A_203], %swap3A_206 {strides = array<i32>} : memref<8x1x1050xf32, #tpu.memory_space<vmem>>, vector<8x1x400xf32>,
    %swap3A_207 = arith.constant 0 : index
    %swap3A_208 = arith.constant 0 : index
    %swap3A_209 = arith.constant 400 : index
    %swap3A_210 = vector.load %arg18[%swap3A_207, %swap3A_208, %swap3A_209] : memref<8x1x1050xf32, #tpu.memory_space<vmem>>, vector<8x1x250xf32>
    %swap3A_211 = vector.shape_cast %swap3A_210 : vector<8x1x250xf32> to vector<8x250xf32>
    %swap3A_212 = vector.shape_cast %select_n3A_172 : vector<8x250xf32> to vector<8x1x250xf32>
    tpu.vector_store %arg18[%swap3A_207, %swap3A_208, %swap3A_209], %swap3A_212 {strides = array<i32>} : memref<8x1x1050xf32, #tpu.memory_space<vmem>>, vector<8x1x250xf32>,
    %swap3A_213 = arith.constant 0 : index
    %swap3A_214 = arith.constant 0 : index
    %swap3A_215 = arith.constant 650 : index
    %swap3A_216 = vector.load %arg18[%swap3A_213, %swap3A_214, %swap3A_215] : memref<8x1x1050xf32, #tpu.memory_space<vmem>>, vector<8x1x400xf32>
    %swap3A_217 = vector.shape_cast %swap3A_216 : vector<8x1x400xf32> to vector<8x400xf32>
    %swap3A_218 = vector.shape_cast %select_n3A : vector<8x400xf32> to vector<8x1x400xf32>
    tpu.vector_store %arg18[%swap3A_213, %swap3A_214, %swap3A_215], %swap3A_218 {strides = array<i32>} : memref<8x1x1050xf32, #tpu.memory_space<vmem>>, vector<8x1x400xf32>,
    %swap3A_219 = arith.constant 0 : index
    %swap3A_220 = arith.constant 0 : index
    %swap3A_221 = arith.constant 0 : index
    %swap3A_222 = vector.load %arg19[%swap3A_219, %swap3A_220, %swap3A_221] : memref<8x1x900xf32, #tpu.memory_space<vmem>>, vector<8x1x400xf32>
    %swap3A_223 = vector.shape_cast %swap3A_222 : vector<8x1x400xf32> to vector<8x400xf32>
    %swap3A_224 = vector.shape_cast %mul3A_179 : vector<8x400xf32> to vector<8x1x400xf32>
    tpu.vector_store %arg19[%swap3A_219, %swap3A_220, %swap3A_221], %swap3A_224 {strides = array<i32>} : memref<8x1x900xf32, #tpu.memory_space<vmem>>, vector<8x1x400xf32>,
    %swap3A_225 = arith.constant 0 : index
    %swap3A_226 = arith.constant 0 : index
    %swap3A_227 = arith.constant 400 : index
    %swap3A_228 = vector.load %arg19[%swap3A_225, %swap3A_226, %swap3A_227] : memref<8x1x900xf32, #tpu.memory_space<vmem>>, vector<8x1x250xf32>
    %swap3A_229 = vector.shape_cast %swap3A_228 : vector<8x1x250xf32> to vector<8x250xf32>
    %swap3A_230 = vector.shape_cast %add3A_190 : vector<8x250xf32> to vector<8x1x250xf32>
    tpu.vector_store %arg19[%swap3A_225, %swap3A_226, %swap3A_227], %swap3A_230 {strides = array<i32>} : memref<8x1x900xf32, #tpu.memory_space<vmem>>, vector<8x1x250xf32>,
    %swap3A_231 = arith.constant 0 : index
    %swap3A_232 = arith.constant 0 : index
    %swap3A_233 = arith.constant 650 : index
    %swap3A_234 = vector.load %arg19[%swap3A_231, %swap3A_232, %swap3A_233] : memref<8x1x900xf32, #tpu.memory_space<vmem>>, vector<8x1x250xf32>
    %swap3A_235 = vector.shape_cast %swap3A_234 : vector<8x1x250xf32> to vector<8x250xf32>
    %swap3A_236 = vector.shape_cast %add3A_201 : vector<8x250xf32> to vector<8x1x250xf32>
    tpu.vector_store %arg19[%swap3A_231, %swap3A_232, %swap3A_233], %swap3A_236 {strides = array<i32>} : memref<8x1x900xf32, #tpu.memory_space<vmem>>, vector<8x1x250xf32>,
    return
  }
  func.func @transform_0(%arg0: i32) -> (i32, i32, i32) {
    %c0_i32 = arith.constant 0 : i32
    %c0_i32_0 = arith.constant 0 : i32
    %c0_i32_1 = arith.constant 0 : i32
    return %c0_i32, %arg0, %c0_i32_0 : i32, i32, i32
  }
  func.func @transform_1(%arg0: i32) -> (i32, i32, i32) {
    %c0_i32 = arith.constant 0 : i32
    %c0_i32_0 = arith.constant 0 : i32
    %c0_i32_1 = arith.constant 0 : i32
    return %arg0, %c0_i32, %c0_i32_0 : i32, i32, i32
  }
  func.func @transform_2(%arg0: i32) -> (i32, i32, i32) {
    %c0_i32 = arith.constant 0 : i32
    %c0_i32_0 = arith.constant 0 : i32
    %c0_i32_1 = arith.constant 0 : i32
    return %arg0, %c0_i32, %c0_i32_0 : i32, i32, i32
  }
  func.func @transform_3(%arg0: i32) -> (i32, i32, i32) {
    %c0_i32 = arith.constant 0 : i32
    %c0_i32_0 = arith.constant 0 : i32
    %c0_i32_1 = arith.constant 0 : i32
    return %arg0, %c0_i32, %c0_i32_0 : i32, i32, i32
  }
  func.func @transform_4(%arg0: i32) -> (i32, i32, i32) {
    %c0_i32 = arith.constant 0 : i32
    %c0_i32_0 = arith.constant 0 : i32
    %c0_i32_1 = arith.constant 0 : i32
    return %arg0, %c0_i32, %c0_i32_0 : i32, i32, i32
  }
  func.func @transform_5(%arg0: i32) -> (i32, i32, i32) {
    %c0_i32 = arith.constant 0 : i32
    %c0_i32_0 = arith.constant 0 : i32
    %c0_i32_1 = arith.constant 0 : i32
    return %arg0, %c0_i32, %c0_i32_0 : i32, i32, i32
  }
  func.func @transform_6(%arg0: i32) -> (i32, i32) {
    %c0_i32 = arith.constant 0 : i32
    %c0_i32_0 = arith.constant 0 : i32
    %c0_i32_1 = arith.constant 0 : i32
    return %c0_i32, %c0_i32_0 : i32, i32
  }
  func.func @transform_7(%arg0: i32) -> (i32, i32) {
    %c0_i32 = arith.constant 0 : i32
    %c0_i32_0 = arith.constant 0 : i32
    %c0_i32_1 = arith.constant 0 : i32
    return %c0_i32, %c0_i32_0 : i32, i32
  }
  func.func @transform_8(%arg0: i32) -> (i32, i32, i32) {
    %c0_i32 = arith.constant 0 : i32
    %c0_i32_0 = arith.constant 0 : i32
    %c0_i32_1 = arith.constant 0 : i32
    %c0_i32_2 = arith.constant 0 : i32
    return %c0_i32, %c0_i32_0, %c0_i32_1 : i32, i32, i32
  }
  func.func @transform_9(%arg0: i32) -> (i32, i32, i32) {
    %c0_i32 = arith.constant 0 : i32
    %c0_i32_0 = arith.constant 0 : i32
    %c0_i32_1 = arith.constant 0 : i32
    %c0_i32_2 = arith.constant 0 : i32
    return %c0_i32, %c0_i32_0, %c0_i32_1 : i32, i32, i32
  }
  func.func @transform_10(%arg0: i32) -> (i32, i32) {
    %c0_i32 = arith.constant 0 : i32
    %c0_i32_0 = arith.constant 0 : i32
    %c0_i32_1 = arith.constant 0 : i32
    return %c0_i32, %c0_i32_0 : i32, i32
  }
  func.func @transform_11(%arg0: i32) -> (i32, i32) {
    %c0_i32 = arith.constant 0 : i32
    %c0_i32_0 = arith.constant 0 : i32
    %c0_i32_1 = arith.constant 0 : i32
    return %c0_i32, %c0_i32_0 : i32, i32
  }
  func.func @transform_12(%arg0: i32) -> (i32, i32) {
    %c0_i32 = arith.constant 0 : i32
    %c0_i32_0 = arith.constant 0 : i32
    %c0_i32_1 = arith.constant 0 : i32
    return %c0_i32, %c0_i32_0 : i32, i32
  }
  func.func @transform_13(%arg0: i32) -> (i32, i32) {
    %c0_i32 = arith.constant 0 : i32
    %c0_i32_0 = arith.constant 0 : i32
    %c0_i32_1 = arith.constant 0 : i32
    return %c0_i32, %c0_i32_0 : i32, i32
  }
  func.func @transform_14(%arg0: i32) -> (i32, i32) {
    %c0_i32 = arith.constant 0 : i32
    %c0_i32_0 = arith.constant 0 : i32
    %c0_i32_1 = arith.constant 0 : i32
    return %c0_i32, %c0_i32_0 : i32, i32
  }
  func.func @transform_15(%arg0: i32) -> (i32, i32) {
    %c0_i32 = arith.constant 0 : i32
    %c0_i32_0 = arith.constant 0 : i32
    %c0_i32_1 = arith.constant 0 : i32
    return %c0_i32, %c0_i32_0 : i32, i32
  }
  func.func @transform_16(%arg0: i32) -> (i32, i32, i32) {
    %c0_i32 = arith.constant 0 : i32
    %c0_i32_0 = arith.constant 0 : i32
    %c0_i32_1 = arith.constant 0 : i32
    return %arg0, %c0_i32, %c0_i32_0 : i32, i32, i32
  }
  func.func @transform_17(%arg0: i32) -> (i32, i32, i32) {
    %c0_i32 = arith.constant 0 : i32
    %c0_i32_0 = arith.constant 0 : i32
    %c0_i32_1 = arith.constant 0 : i32
    return %arg0, %c0_i32, %c0_i32_0 : i32, i32, i32
  }
  func.func @transform_18(%arg0: i32) -> (i32, i32, i32) {
    %c0_i32 = arith.constant 0 : i32
    %c0_i32_0 = arith.constant 0 : i32
    %c0_i32_1 = arith.constant 0 : i32
    return %arg0, %c0_i32, %c0_i32_0 : i32, i32, i32
  }
}

</mosaic_0001>

<sc_bundles>
// kernel: kernel.10.cloned.1.call-start
scs
__scs_entry_jumppad:
0x0: {  	(pc) =	sbr.rel $0x88, $3  }
0x1: {  	(tag) =	ssettag $0x0;
	lr =	simm.s32 $0x1  }
0x2: {  	[smem:$0x3F8E] =	sst lr;
	_ =	strace $0xD0000000  }
0x3: {  	_ = 	snop  }
0x4: {  	_ = 	snop  }
0x5: {  	_ = 	snop  }
0x6: {  	_ = 	snop  }
0x7: {  	_ = 	snop  }
__scs_overlays_trampoline_lowered:
0x8: {  	[smem:$0x3F9D] =	sst s0  }
0x9: {  	[smem:$0x3F9E] =	sst s1  }
0xa: {  	[smem:$0x3F9F] =	sst s2  }
0xb: {  	[smem:$0x3FA0] =	sst s3  }
0xc: {  	[smem:$0x3FA1] =	sst s4  }
0xd: {  	[smem:$0x3FA2] =	sst s5  }
0xe: {  	[smem:$0x3FA3] =	sst s6  }
0xf: {  	[smem:$0x3FA4] =	sst s7  }
0x10: {  	[smem:$0x3FA5] =	sst s8  }
0x11: {  	[smem:$0x3FA6] =	sst s9;
	s0 =	simm.s32 @!p0 $0x0  }
0x12: {  	s1 =	sld [smem:$0x3F8C];
	s0 =	simm.s32 @p0 $0x1  }
0x13: {  	[smem:$0x3FA7] =	sst s0;
	s0 =	simm.s32 @!p1 $0x0  }
0x14: {  	s2 =	sld [smem:$0x3F8B];
	s0 =	simm.s32 @p1 $0x1  }
0x15: {  	[smem:$0x3FA8] =	sst s0;
	s0 =	simm.s32 @!p2 $0x0  }
0x16: {  	s3 =	sld [smem:$0x3FDB];
	s0 =	simm.s32 @p2 $0x1  }
0x17: {  	s4 =	simm.s32 $0x1BF5;
	[smem:$0x3FAA] =	sst s0  }
0x18: {  	s0 =	sld [smem:$0x3F8D];
	_ =	swait.ge [sflag:s4], $0x0  }
0x19: {  	s7 =	sld [smem:$0x3F8E]  }
0x1a: {  	s8 =	sadd.s32 $0xFFFFE003, lr  }
0x1b: {  	s9 =	sadd.s32 $0xFFFFFEF7, lr;
	s5 =	simm.s32 $0xFFFFFFFF;
	p2 =	slt.u32 s8, $0xFFFFF086  }
0x1c: {  	p1 =	slt.u32 s9, $0xF7A;
	s5 =	simm.s32 @!p2 $0x0  }
0x1d: {  	s5 =	simm.s32 @p1 $0x1;
	p0 =	seq.s32 s7, s2  }
0x1e: {  	s7 =	smul.u32 @!p0 $0xF7A, s2;
	p2 =	seq.s32 @!p0 s5, $0x0  }
0x1f: {  	s9 =	smul.u32 $0xF7A, s1;
	s8 =	simm.s32 @!p0 $0x1BF5;
	p2 =	por !p2, p0  }
0x20: {  	[sflag:s8] =	ssyncset.s32 @!p0 $0xFFFFF086;
	s6 =	sadd.s32 @!p0 s3, s7;
	s7 =	simm.s32 @!p0 $0x108  }
0x21: {  	s3 =	sadd.s32 s3, s9;
	s6 =	sadd.s32 @!p0 $0x88, s6;
	s7 =	simm.s32 @p2 $0x1082  }
0x22: {  	[simem:s7], [sflag:s8] =	dma.local @!p0 [hbm:s6], $0xF7A  }
0x23: {  	s9 =	sor.u32 $0xD0000000, s2;
	s6 =	simm.s32 $0x108;
	_ =	swait.ge @!p0 [sflag:s8], $0x0  }
0x24: {  	s3 =	sadd.s32 $0x88, s3;
	s6 =	simm.s32 @!p1 $0x1082;
	[sflag:s4] =	ssyncset.s32 $0xFFFFF086  }
0x25: {  	[simem:s6], [sflag:s4] =	dma.local [hbm:s3], $0xF7A  }
0x26: {  	[smem:$0x3F8E] =	sst s1;
	(tag) =	ssettag s2;
	_ =	strace s9  }
0x27: {  	s1 =	sld [smem:$0x3F9E]  }
0x28: {  	s2 =	sld [smem:$0x3F9F]  }
0x29: {  	s4 =	sld [smem:$0x3FA1]  }
0x2a: {  	p0 =	seq.s32 s5, $0x0;
	s5 =	sld [smem:$0x3FA2]  }
0x2b: {  	s6 =	sld [smem:$0x3FA3]  }
0x2c: {  	s7 =	sld [smem:$0x3FA4]  }
0x2d: {  	s3 =	simm.s32 $0x108;
	s8 =	sld [smem:$0x3FA5]  }
0x2e: {  	s3 =	simm.s32 @!p0 $0x1082;
	s9 =	sld [smem:$0x3FA6]  }
0x2f: {  	lr =	sadd.s32 s0, s3;
	s0 =	sld [smem:$0x3F9D]  }
0x30: {  	s3 =	sld [smem:$0x3FA0]  }
0x31: {  	[smem:$0x3FA9] =	sst s10  }
0x32: {  	s10 =	sld [smem:$0x3FA7];
	_ =	sdelay $0x3  }
0x33: {  	p0 =	seq.s32 s10, $0x1;
	s10 =	sld [smem:$0x3FA9];
	_ =	sdelay $0x3  }
0x34: {  	[smem:$0x3FA9] =	sst s10  }
0x35: {  	s10 =	sld [smem:$0x3FA8];
	_ =	sdelay $0x3  }
0x36: {  	p1 =	seq.s32 s10, $0x1;
	s10 =	sld [smem:$0x3FA9];
	_ =	sdelay $0x3  }
0x37: {  	[smem:$0x3FA9] =	sst s10  }
0x38: {  	s10 =	sld [smem:$0x3FAA]  }
0x39: {  	_ = 	snop;
	(pc) =	sbr.ind lr, $3  }
0x3a: {  	_ = 	snop  }
0x3b: {  	_ = 	snop  }
0x3c: {  	p2 =	seq.s32 s10, $0x1;
	s10 =	sld [smem:$0x3FA9]  }
0x3d: {  	_ =	shalt  }
0x3e: {  	_ =	shalt  }
0x3f: {  	_ =	shalt  }
0x40: {  	_ =	shalt  }
0x41: {  	_ =	shalt  }
0x42: {  	_ =	shalt  }
0x43: {  	_ =	shalt  }
0x44: {  	_ =	shalt  }
0x45: {  	_ =	shalt  }
0x46: {  	_ =	shalt  }
0x47: {  	_ =	shalt  }
0x48: {  	_ =	shalt  }
0x49: {  	_ =	shalt  }
0x4a: {  	_ =	shalt  }
0x4b: {  	_ =	shalt  }
0x4c: {  	_ =	shalt  }
0x4d: {  	_ =	shalt  }
0x4e: {  	_ =	shalt  }
0x4f: {  	_ =	shalt  }
0x50: {  	_ =	shalt  }
0x51: {  	_ =	shalt  }
0x52: {  	_ =	shalt  }
0x53: {  	_ =	shalt  }
0x54: {  	_ =	shalt  }
0x55: {  	_ =	shalt  }
0x56: {  	_ =	shalt  }
0x57: {  	_ =	shalt  }
0x58: {  	_ =	shalt  }
0x59: {  	_ =	shalt  }
0x5a: {  	_ =	shalt  }
0x5b: {  	_ =	shalt  }
0x5c: {  	_ =	shalt  }
0x5d: {  	_ =	shalt  }
0x5e: {  	_ =	shalt  }
0x5f: {  	_ =	shalt  }
0x60: {  	_ =	shalt  }
0x61: {  	_ =	shalt  }
0x62: {  	_ =	shalt  }
0x63: {  	_ =	shalt  }
0x64: {  	_ =	shalt  }
0x65: {  	_ =	shalt  }
0x66: {  	_ =	shalt  }
0x67: {  	_ =	shalt  }
0x68: {  	_ =	shalt  }
0x69: {  	_ =	shalt  }
0x6a: {  	_ =	shalt  }
0x6b: {  	_ =	shalt  }
0x6c: {  	_ =	shalt  }
0x6d: {  	_ =	shalt  }
0x6e: {  	_ =	shalt  }
0x6f: {  	_ =	shalt  }
0x70: {  	_ =	shalt  }
0x71: {  	_ =	shalt  }
0x72: {  	_ =	shalt  }
0x73: {  	_ =	shalt  }
0x74: {  	_ =	shalt  }
0x75: {  	_ =	shalt  }
0x76: {  	_ =	shalt  }
0x77: {  	_ =	shalt  }
0x78: {  	_ =	shalt  }
0x79: {  	_ =	shalt  }
0x7a: {  	_ =	shalt  }
0x7b: {  	_ =	shalt  }
0x7c: {  	_ =	shalt  }
0x7d: {  	_ =	shalt  }
0x7e: {  	_ =	shalt  }
0x7f: {  	_ =	shalt  }
0x80: {  	_ =	shalt  }
0x81: {  	_ =	shalt  }
0x82: {  	_ =	shalt  }
0x83: {  	_ =	shalt  }
0x84: {  	_ =	shalt  }
0x85: {  	_ =	shalt  }
0x86: {  	_ =	shalt  }
0x87: {  	_ =	shalt  }
.Lfunc_end0:
.L_simem_size_0:
called_computation_lowered:
.L_overlay_start_0:
0x88: {  	s2 =	sld [smem:$0x3FD9]  }
0x89: {  	s3 =	sld [smem:$0x3FFE];
	_ =	sdelay $0x1  }
0x8a: {  	s1 =	srdreg.scid  }
0x8b: {  	s0 =	sand.u32 $0x1, s1  }
0x8c: {  	s14 =	sshll.u32 s0, $0xA;
	s2 =	sadd.s32 s3, s2  }
0x8d: {  	s2 =	sadd.s32 s2, s14  }
0x8e: {  	[smem:$0x3FB5] =	sst s2  }
0x8f: {  	_ = 	snop  }
0x90: {  	s2 =	sld [smem:$0x3FD0];
	_ =	sdelay $0x2  }
0x91: {  	s15 =	simm.s32 $0xA;
	s4 =	simm.s32 $0x10  }
0x92: {  	[smem:s4], [sflag:s15] =	dma.local [hbm:s2], $0x1  }
0x93: {  	_ =	swait.eq [sflag:s15], $0x1  }
0x94: {  	[sflag:s15] =	ssyncset.done $0x0  }
0x95: {  	[sflag:s15] =	ssyncadd.s32 $0xFFFFFFFF  }
0x96: {  	s16 =	sld [smem:$0x11];
	(tm) =	ssettm $0x1  }
0x97: {  	s17 =	sld [smem:$0x3FFB];
	_ =	sdelay $0x3  }
0x98: {  	_ =	strace s17  }
0x99: {  	s3 =	sld [smem:$0x3FFC];
	_ =	sdelay $0x3  }
0x9a: {  	_ =	strace s3  }
0x9b: {  	s3 =	sld [smem:$0x3FFD];
	_ =	sdelay $0x3  }
0x9c: {  	_ =	strace s3  }
0x9d: {  	_ =	strace $0x8FFFFFFF  }
0x9e: {  	s18 =	sld [smem:$0x3FDB];
	_ =	sdelay $0x1  }
0x9f: {  	s19 =	simm.s32 $_scs_section_size  }
0xa0: {  	s5 =	simm.s32 $_size__tile_overlayer_lowered;
	s6 =	simm.s32 $_tile_overlayer_lowered  }
0xa1: {  	s22 =	simm.s32 $0x1BFF;
	s21 =	sshll.u32 s6, $0x1;
	s3 =	sadd.s32 s19, s18  }
0xa2: {  	s7 =	simm.s32 $0x0;
	s20 =	sshll.u32 s5, $0x1;
	s5 =	sadd.s32 s21, s3  }
0xa3: {  	[timem:s7], [sflag:s22] =	dma.local [hbm:s5], s20  }
0xa4: {  	_ =	swait.ge [sflag:s22], s20  }
0xa5: {  	s4 =	ssub.s32 $0x0, s20;
	[sflag:s22] =	ssyncset.done $0x0  }
0xa6: {  	[sflag:s22] =	ssyncadd.s32 s4;
	_ =	sdelay $0x1  }
0xa7: {  	s23 =	simm.s32 $0x1B8B  }
0xa8: {  	_ =	swait.ge [sflag:s23], $0x1  }
0xa9: {  	[sflag:s23] =	ssyncset.done $0x0  }
0xaa: {  	s25 =	simm.s32 $0x1B8E;
	s24 =	sld [smem:$0x3FFE];
	[sflag:s23] =	ssyncadd.s32 $0xFFFFFFFF  }
0xab: {  	s26 =	simm.s32 $execute0_lowered;
	[smem:$0x3FD2] =	sst s25  }
0xac: {  	s5 =	sshll.u32 s26, $0x1;
	_ =	strace $0x80000046;
	[dreg:$0x1] =	wrdreg $0xFFFFFFFF  }
0xad: {  	s28 =	simm.s32 $_size_execute0_lowered;
	s3 =	sadd.s32 s3, s5;
	[dreg:$0x0] =	wrdreg $0x0  }
0xae: {  	s5 =	sshll.u32 s28, $0x1;
	[dreg:$0x2] =	wrdreg s3  }
0xaf: {  	[dreg:$0x3] =	wrdreg s5  }
0xb0: {  	[dreg:$0x4] =	wrdreg $0xC0  }
0xb1: {  	_ =	task [dreg:s7], $0x5FFFF  }
0xb2: {  	[dreg:$0x1] =	wrdreg $0xFFFFFFFF  }
0xb3: {  	[dreg:$0x0] =	wrdreg $0x60  }
0xb4: {  	[dreg:$0x2] =	wrdreg s24  }
0xb5: {  	[dreg:$0x3] =	wrdreg s16  }
0xb6: {  	[dreg:$0x4] =	wrdreg $0x1BD00  }
0xb7: {  	[dreg:$0x5] =	wrdreg $0x9  }
0xb8: {  	_ =	task.clear_ibuf [dreg:s7], $0x6FFFF;
	_ =	strace $0x90000046  }
0xb9: {  	s29 =	simm.s32 $0x9;
	_ =	strace $0x80000048  }
0xba: {  	_ =	swait.ge [sflag:s29], $0x1  }
0xbb: {  	[sflag:s29] =	ssyncadd.s32 $0xFFFFFFFF  }
0xbc: {  	_ =	strace $0x90000048  }
0xbd: {  	_ =	sfence  }
0xbe: {  	s30 =	sld [smem:$0x0];
	_ =	sdelay $0x2  }
0xbf: {  	s31 =	sshll.u32 s1, $0xD;
	s1 =	sshrl.u32 s1, $0x2  }
0xc0: {  	s3 =	sand.u32 $0x4000, s31;
	s1 =	sadd.s32 s1, s30  }
0xc1: {  	s0 =	sor.u32 s3, s0;
	s1 =	sshll.u32 s1, $0x11  }
0xc2: {  	s0 =	sor.u32 s1, s0  }
0xc3: {  	s0 =	sadd.s32 $0x8F2B, s0  }
0xc4: {  	[sflag:s0] =	ssyncadd.remote.s32 $0x1  }
0xc5: {  	_ =	sfence.sel $0xFFFF  }
0xc6: {  	[dreg:$0x0] =	wrdreg $0xFFFFFFFF;
	(pc) =	sbr.abs _section_cstart, $3  }
0xc7: {  	[dreg:$0x1] =	wrdreg $0xFFFFFFFF  }
0xc8: {  	_ =	task.clear_ibuf [dreg:s7], $0x2FFFF;
	_ =	strace $0x9FFFFFFF  }
0xc9: {  	(tm) =	ssettm $0x7FFFFFFF  }
tec
execute0_lowered:
.L_overlay_start_1:
0x0: {  	(tag) =	ssettag $0x1  }
0x1: {  	s6 =	rddreg [dreg:$0x0]  }
0x2: {  	s2 =	rddreg [dreg:$0x1]  }
0x3: {  	s0 =	srdreg.scid;
	s3 =	rddreg [dreg:$0x2]  }
0x4: {  	s1 =	rddreg [dreg:$0x3];
	s5 =	sand.u32 $0x1, s0  }
0x5: {  	s0 =	stileid.u32;
	s7 =	smul.u32 $0x14000, s5  }
0x6: {  	s4 =	simm.s32 $0x0;
	s12 =	simm.s32 $0x1400;
	s8 =	smul.u32 $0x1400, s0  }
0x7: {  	s13 =	simm.s32 $0x7D;
	[smem:$0x7FF] =	sst s4;
	s9 =	smul.u32 $0xC380, s0  }
0x8: {  	s14 =	simm.s32 $0x0;
	s10 =	smul.u32 $0xC3800, s5;
	_ =	strace $0x80000047  }
0x9: {  	s29 =	ssub.s32 $0x2, s5;
	s5 =	sadd.s32 $0xD800, s6;
	s31 =	sshll.u32 s0, $0x6  }
0xa: {  	s30 =	sshrl.u32 s29, $0x1;
	s7 =	sadd.s32 s8, s7;
	s28 =	sadd.s32 s9, s10  }
0xb: {  	s10 =	ssub.s32 s29, s30;
	s11 =	sadd.s32 s9, s3;
	s7 =	sshrl.u32 s7, $0x3  }
0xc: {  	s8 =	sshrl.u32 s28, $0x3;
	s9 =	smax.u32 s10, $0x1;
	s10 =	sshrl.u32 s11, $0x3  }
0xd: {  	s11 =	simm.s32 $0x1;
	s7 =	sadd.s32 s7, s6;
	s8 =	sadd.s32 s8, s6  }
0xe: {  	s6 =	sor.u32 $0x1C01, s31;
	s7 =	sadd.s32 $0x8800, s7;
	s8 =	sadd.s32 $0xF200, s8  }
.LBB2_1:
0xf: {  	[spmem:s10], [sflag:s6] =	dma.local [hbm:s5], $0x1870  }
0x10: {  	_ =	swait.ge [sflag:s11], $0x1870  }
0x11: {  	[sflag:s11] =	ssyncset.done $0x0  }
0x12: {  	[sflag:s11] =	ssyncadd.s32 $0xFFFFE790  }
0x13: {  	[tilespmem:s12], [sflag:$0x1] =	stream.linear.gather [hbm4b:s2+s4], $0x7D0, $0x38;
	[tilespmem:$0xDF50] =	vst v63  }
0x14: {  	_ =	swait.ge [sflag:s11], $0x7D0  }
0x15: {  	[sflag:s11] =	ssyncset.done $0x0  }
0x16: {  	[sflag:s11] =	ssyncadd.s32 $0xFFFFF830  }
0x17: {  	[tilespmem:s4], [sflag:$0x1] =	stream.linear.gather [hbm4b:s7+s4], $0x1400, $0x38;
	[tilespmem:$0xDF50] =	vst v63  }
0x18: {  	_ =	swait.ge [sflag:s11], $0x1400  }
0x19: {  	[sflag:s11] =	ssyncset.done $0x0  }
0x1a: {  	[sflag:s11] =	ssyncadd.s32 $0xFFFFEC00  }
0x1b: {  	s15 =	simm.s32 $0x0;
	[bflag:$0x0] =	sbarrier.arrive $0xFFFF  }
0x1c: {  	[spmem:s3] =	stream.indirect.scatter.add.f32 [tilespmem:s12], [sflag:$0x1], $0x10, s15, s13, $0xb8;
	[tilespmem:$0xDF50] =	vst v63  }
0x1d: {  	_ =	swait.ge [sflag:s11], $0x7D0  }
0x1e: {  	s15 =	simm.s32 $0x200;
	[sflag:s11] =	ssyncset.done $0x0  }
.LBB2_2:
0x1f: {  	s16 =	sshra.s32 s15, $0x2;
	[sflag:s11] =	ssyncadd.s32 $0xFFFFF830;
	p0 =	sne.s32 s15, $0x4E00  }
0x20: {  	[spmem:s3] =	stream.indirect.scatter.add.f32 [tilespmem:s12], [sflag:$0x1], $0x10, s16, s13, $0xb8;
	[tilespmem:$0xDF50] =	vst v63  }
.Ltmp0:
0x21: {  	_ = 	snop;
	(pc) =	sbr.rel @p0 .LBB2_2-.Ltmp0, $4  }
0x22: {  	_ = 	snop  }
0x23: {  	s15 =	sadd.s32 $0x200, s15  }
0x24: {  	_ =	swait.ge [sflag:s11], $0x7D0  }
0x25: {  	[sflag:s11] =	ssyncset.done $0x0  }
0x26: {  	s14 =	sadd.s32 $0x1, s14  }
0x27: {  	[sflag:s11] =	ssyncadd.s32 $0xFFFFF830;
	p0 =	sne.s32 s14, s9  }
.Ltmp1:
0x28: {  	[bflag:$0x0] =	sbarrier.arrive $0xFFFF;
	(pc) =	sbr.rel @p0 .LBB2_1-.Ltmp1, $4  }
0x29: {  	[hbm:s8], [sflag:s6] =	dma.local [spmem:s10], $0x1870  }
0x2a: {  	_ =	swait.ge [sflag:s11], $0x1870  }
0x2b: {  	[sflag:s11] =	ssyncset.done $0x0  }
0x2c: {  	[sflag:s11] =	ssyncadd.s32 $0xFFFFE790  }
0x2d: {  	_ =	sfence.sel $0x180000  }
0x2e: {  	[bflag:$0x0] =	sbarrier.arrive $0xFFFF  }
0x2f: {  	p0 =	sne.s32 s0, $0x0;
	_ =	strace $0x90000047  }
0x30: {  	s0 =	sadd.s32 @!p0 $0x100000, s1;
	[bflag:$0x2] =	sbarrier.arrive $0xFFFF  }
0x31: {  	[sflag:s0] =	ssyncadd.tile.s32 @!p0 $0x1;
	_ =	shalt  }
.Lfunc_end2:
_tile_overlayer_lowered:
.L_overlay_start_2:
0x32: {  	(tag) =	ssettag $0x2  }
0x33: {  	s0 =	rddreg [dreg:$0x0];
	s2 =	stileid.u32  }
0x34: {  	s1 =	rddreg [dreg:$0x1];
	p0 =	sne.s32 s2, $0x0  }
0x35: {  	s3 =	rddreg [dreg:$0x2];
	[bflag:$0x3] =	sbarrier.arrive $0xFFFF;
	s2 =	simm.s32 @!p0 $0x1C01  }
0x36: {  	[timem:s3], [sflag:s2] =	dma.local @!p0 [hbm:s0], s1  }
0x37: {  	s0 =	simm.s32 @!p0 $0x1  }
0x38: {  	_ =	swait.ge @!p0 [sflag:s0], s1  }
0x39: {  	s1 =	ssub.s32 @!p0 $0x0, s1;
	[sflag:s0] =	ssyncset.done @!p0 $0x0  }
0x3a: {  	[sflag:s0] =	ssyncadd.s32 @!p0 s1  }
0x3b: {  	[bflag:$0x3] =	sbarrier.arrive $0xFFFF  }
0x3c: {  	_ =	shalt  }

// kernel: kernel.13.cloned.1.call-start
scs
__scs_entry_jumppad:
0x0: {  	(pc) =	sbr.rel $0x88, $3  }
0x1: {  	(tag) =	ssettag $0x0;
	lr =	simm.s32 $0x1  }
0x2: {  	[smem:$0x3F8E] =	sst lr;
	_ =	strace $0xD0000000  }
0x3: {  	_ = 	snop  }
0x4: {  	_ = 	snop  }
0x5: {  	_ = 	snop  }
0x6: {  	_ = 	snop  }
0x7: {  	_ = 	snop  }
__scs_overlays_trampoline_lowered:
0x8: {  	[smem:$0x3F9D] =	sst s0  }
0x9: {  	[smem:$0x3F9E] =	sst s1  }
0xa: {  	[smem:$0x3F9F] =	sst s2  }
0xb: {  	[smem:$0x3FA0] =	sst s3  }
0xc: {  	[smem:$0x3FA1] =	sst s4  }
0xd: {  	[smem:$0x3FA2] =	sst s5  }
0xe: {  	[smem:$0x3FA3] =	sst s6  }
0xf: {  	[smem:$0x3FA4] =	sst s7  }
0x10: {  	[smem:$0x3FA5] =	sst s8  }
0x11: {  	[smem:$0x3FA6] =	sst s9;
	s0 =	simm.s32 @!p0 $0x0  }
0x12: {  	s1 =	sld [smem:$0x3F8C];
	s0 =	simm.s32 @p0 $0x1  }
0x13: {  	[smem:$0x3FA7] =	sst s0;
	s0 =	simm.s32 @!p1 $0x0  }
0x14: {  	s2 =	sld [smem:$0x3F8B];
	s0 =	simm.s32 @p1 $0x1  }
0x15: {  	[smem:$0x3FA8] =	sst s0;
	s0 =	simm.s32 @!p2 $0x0  }
0x16: {  	s3 =	sld [smem:$0x3FDB];
	s0 =	simm.s32 @p2 $0x1  }
0x17: {  	s4 =	simm.s32 $0x1BF5;
	[smem:$0x3FAA] =	sst s0  }
0x18: {  	s0 =	sld [smem:$0x3F8D];
	_ =	swait.ge [sflag:s4], $0x0  }
0x19: {  	s7 =	sld [smem:$0x3F8E]  }
0x1a: {  	s8 =	sadd.s32 $0xFFFFE003, lr  }
0x1b: {  	s9 =	sadd.s32 $0xFFFFFEF7, lr;
	s5 =	simm.s32 $0xFFFFFFFF;
	p2 =	slt.u32 s8, $0xFFFFF086  }
0x1c: {  	p1 =	slt.u32 s9, $0xF7A;
	s5 =	simm.s32 @!p2 $0x0  }
0x1d: {  	s5 =	simm.s32 @p1 $0x1;
	p0 =	seq.s32 s7, s2  }
0x1e: {  	s7 =	smul.u32 @!p0 $0xF7A, s2;
	p2 =	seq.s32 @!p0 s5, $0x0  }
0x1f: {  	s9 =	smul.u32 $0xF7A, s1;
	s8 =	simm.s32 @!p0 $0x1BF5;
	p2 =	por !p2, p0  }
0x20: {  	[sflag:s8] =	ssyncset.s32 @!p0 $0xFFFFF086;
	s6 =	sadd.s32 @!p0 s3, s7;
	s7 =	simm.s32 @!p0 $0x108  }
0x21: {  	s3 =	sadd.s32 s3, s9;
	s6 =	sadd.s32 @!p0 $0x88, s6;
	s7 =	simm.s32 @p2 $0x1082  }
0x22: {  	[simem:s7], [sflag:s8] =	dma.local @!p0 [hbm:s6], $0xF7A  }
0x23: {  	s9 =	sor.u32 $0xD0000000, s2;
	s6 =	simm.s32 $0x108;
	_ =	swait.ge @!p0 [sflag:s8], $0x0  }
0x24: {  	s3 =	sadd.s32 $0x88, s3;
	s6 =	simm.s32 @!p1 $0x1082;
	[sflag:s4] =	ssyncset.s32 $0xFFFFF086  }
0x25: {  	[simem:s6], [sflag:s4] =	dma.local [hbm:s3], $0xF7A  }
0x26: {  	[smem:$0x3F8E] =	sst s1;
	(tag) =	ssettag s2;
	_ =	strace s9  }
0x27: {  	s1 =	sld [smem:$0x3F9E]  }
0x28: {  	s2 =	sld [smem:$0x3F9F]  }
0x29: {  	s4 =	sld [smem:$0x3FA1]  }
0x2a: {  	p0 =	seq.s32 s5, $0x0;
	s5 =	sld [smem:$0x3FA2]  }
0x2b: {  	s6 =	sld [smem:$0x3FA3]  }
0x2c: {  	s7 =	sld [smem:$0x3FA4]  }
0x2d: {  	s3 =	simm.s32 $0x108;
	s8 =	sld [smem:$0x3FA5]  }
0x2e: {  	s3 =	simm.s32 @!p0 $0x1082;
	s9 =	sld [smem:$0x3FA6]  }
0x2f: {  	lr =	sadd.s32 s0, s3;
	s0 =	sld [smem:$0x3F9D]  }
0x30: {  	s3 =	sld [smem:$0x3FA0]  }
0x31: {  	[smem:$0x3FA9] =	sst s10  }
0x32: {  	s10 =	sld [smem:$0x3FA7];
	_ =	sdelay $0x3  }
0x33: {  	p0 =	seq.s32 s10, $0x1;
	s10 =	sld [smem:$0x3FA9];
	_ =	sdelay $0x3  }
0x34: {  	[smem:$0x3FA9] =	sst s10  }
0x35: {  	s10 =	sld [smem:$0x3FA8];
	_ =	sdelay $0x3  }
0x36: {  	p1 =	seq.s32 s10, $0x1;
	s10 =	sld [smem:$0x3FA9];
	_ =	sdelay $0x3  }
0x37: {  	[smem:$0x3FA9] =	sst s10  }
0x38: {  	s10 =	sld [smem:$0x3FAA]  }
0x39: {  	_ = 	snop;
	(pc) =	sbr.ind lr, $3  }
0x3a: {  	_ = 	snop  }
0x3b: {  	_ = 	snop  }
0x3c: {  	p2 =	seq.s32 s10, $0x1;
	s10 =	sld [smem:$0x3FA9]  }
0x3d: {  	_ =	shalt  }
0x3e: {  	_ =	shalt  }
0x3f: {  	_ =	shalt  }
0x40: {  	_ =	shalt  }
0x41: {  	_ =	shalt  }
0x42: {  	_ =	shalt  }
0x43: {  	_ =	shalt  }
0x44: {  	_ =	shalt  }
0x45: {  	_ =	shalt  }
0x46: {  	_ =	shalt  }
0x47: {  	_ =	shalt  }
0x48: {  	_ =	shalt  }
0x49: {  	_ =	shalt  }
0x4a: {  	_ =	shalt  }
0x4b: {  	_ =	shalt  }
0x4c: {  	_ =	shalt  }
0x4d: {  	_ =	shalt  }
0x4e: {  	_ =	shalt  }
0x4f: {  	_ =	shalt  }
0x50: {  	_ =	shalt  }
0x51: {  	_ =	shalt  }
0x52: {  	_ =	shalt  }
0x53: {  	_ =	shalt  }
0x54: {  	_ =	shalt  }
0x55: {  	_ =	shalt  }
0x56: {  	_ =	shalt  }
0x57: {  	_ =	shalt  }
0x58: {  	_ =	shalt  }
0x59: {  	_ =	shalt  }
0x5a: {  	_ =	shalt  }
0x5b: {  	_ =	shalt  }
0x5c: {  	_ =	shalt  }
0x5d: {  	_ =	shalt  }
0x5e: {  	_ =	shalt  }
0x5f: {  	_ =	shalt  }
0x60: {  	_ =	shalt  }
0x61: {  	_ =	shalt  }
0x62: {  	_ =	shalt  }
0x63: {  	_ =	shalt  }
0x64: {  	_ =	shalt  }
0x65: {  	_ =	shalt  }
0x66: {  	_ =	shalt  }
0x67: {  	_ =	shalt  }
0x68: {  	_ =	shalt  }
0x69: {  	_ =	shalt  }
0x6a: {  	_ =	shalt  }
0x6b: {  	_ =	shalt  }
0x6c: {  	_ =	shalt  }
0x6d: {  	_ =	shalt  }
0x6e: {  	_ =	shalt  }
0x6f: {  	_ =	shalt  }
0x70: {  	_ =	shalt  }
0x71: {  	_ =	shalt  }
0x72: {  	_ =	shalt  }
0x73: {  	_ =	shalt  }
0x74: {  	_ =	shalt  }
0x75: {  	_ =	shalt  }
0x76: {  	_ =	shalt  }
0x77: {  	_ =	shalt  }
0x78: {  	_ =	shalt  }
0x79: {  	_ =	shalt  }
0x7a: {  	_ =	shalt  }
0x7b: {  	_ =	shalt  }
0x7c: {  	_ =	shalt  }
0x7d: {  	_ =	shalt  }
0x7e: {  	_ =	shalt  }
0x7f: {  	_ =	shalt  }
0x80: {  	_ =	shalt  }
0x81: {  	_ =	shalt  }
0x82: {  	_ =	shalt  }
0x83: {  	_ =	shalt  }
0x84: {  	_ =	shalt  }
0x85: {  	_ =	shalt  }
0x86: {  	_ =	shalt  }
0x87: {  	_ =	shalt  }
.Lfunc_end0:
.L_simem_size_0:
called_computation.1_lowered:
.L_overlay_start_0:
0x88: {  	s2 =	sld [smem:$0x3FD9]  }
0x89: {  	s3 =	sld [smem:$0x3FFE];
	_ =	sdelay $0x1  }
0x8a: {  	s1 =	srdreg.scid  }
0x8b: {  	s0 =	sand.u32 $0x1, s1  }
0x8c: {  	s16 =	sshll.u32 s0, $0xA;
	s2 =	sadd.s32 s3, s2  }
0x8d: {  	s2 =	sadd.s32 s2, s16  }
0x8e: {  	[smem:$0x3FB5] =	sst s2  }
0x8f: {  	_ = 	snop  }
0x90: {  	(tm) =	ssettm $0x1  }
0x91: {  	s17 =	sld [smem:$0x3FFB];
	_ =	sdelay $0x3  }
0x92: {  	_ =	strace s17  }
0x93: {  	s2 =	sld [smem:$0x3FFC];
	_ =	sdelay $0x3  }
0x94: {  	_ =	strace s2  }
0x95: {  	s2 =	sld [smem:$0x3FFD];
	_ =	sdelay $0x3  }
0x96: {  	_ =	strace s2  }
0x97: {  	_ =	strace $0x8FFFFFFF  }
0x98: {  	s18 =	sld [smem:$0x3FDB];
	_ =	sdelay $0x1  }
0x99: {  	s19 =	simm.s32 $_scs_section_size  }
0x9a: {  	s4 =	simm.s32 $_size__tile_overlayer_lowered;
	s5 =	simm.s32 $_tile_overlayer_lowered  }
0x9b: {  	s22 =	simm.s32 $0x1BFF;
	s21 =	sshll.u32 s5, $0x1;
	s2 =	sadd.s32 s19, s18  }
0x9c: {  	s6 =	simm.s32 $0x0;
	s20 =	sshll.u32 s4, $0x1;
	s4 =	sadd.s32 s21, s2  }
0x9d: {  	[timem:s6], [sflag:s22] =	dma.local [hbm:s4], s20  }
0x9e: {  	_ =	swait.ge [sflag:s22], s20  }
0x9f: {  	s3 =	ssub.s32 $0x0, s20;
	[sflag:s22] =	ssyncset.done $0x0  }
0xa0: {  	[sflag:s22] =	ssyncadd.s32 s3;
	_ =	sdelay $0x1  }
0xa1: {  	s23 =	simm.s32 $0x1B8B  }
0xa2: {  	_ =	swait.ge [sflag:s23], $0x1  }
0xa3: {  	[sflag:s23] =	ssyncset.done $0x0  }
0xa4: {  	s25 =	simm.s32 $0x1B8E;
	s24 =	sld [smem:$0x3FFE];
	[sflag:s23] =	ssyncadd.s32 $0xFFFFFFFF  }
0xa5: {  	s26 =	simm.s32 $execute0_lowered;
	[smem:$0x3FD2] =	sst s25  }
0xa6: {  	s4 =	sshll.u32 s26, $0x1;
	_ =	strace $0x80000049;
	[dreg:$0x1] =	wrdreg $0xFFFFFFFF  }
0xa7: {  	s28 =	simm.s32 $_size_execute0_lowered;
	s2 =	sadd.s32 s2, s4;
	[dreg:$0x0] =	wrdreg $0x0  }
0xa8: {  	s4 =	sshll.u32 s28, $0x1;
	[dreg:$0x2] =	wrdreg s2  }
0xa9: {  	[dreg:$0x3] =	wrdreg s4  }
0xaa: {  	[dreg:$0x4] =	wrdreg $0xC0  }
0xab: {  	_ =	task [dreg:s6], $0x5FFFF  }
0xac: {  	[dreg:$0x1] =	wrdreg $0xFFFFFFFF  }
0xad: {  	[dreg:$0x0] =	wrdreg $0x60  }
0xae: {  	[dreg:$0x2] =	wrdreg s24  }
0xaf: {  	[dreg:$0x3] =	wrdreg $0x37A00  }
0xb0: {  	[dreg:$0x4] =	wrdreg $0x9  }
0xb1: {  	_ =	task.clear_ibuf [dreg:s6], $0x5FFFF;
	_ =	strace $0x90000049  }
0xb2: {  	s29 =	simm.s32 $0x9;
	_ =	strace $0x8000004B  }
0xb3: {  	_ =	swait.ge [sflag:s29], $0x1  }
0xb4: {  	[sflag:s29] =	ssyncadd.s32 $0xFFFFFFFF  }
0xb5: {  	_ =	strace $0x9000004B  }
0xb6: {  	_ =	sfence  }
0xb7: {  	s30 =	sld [smem:$0x0];
	_ =	sdelay $0x2  }
0xb8: {  	s31 =	sshll.u32 s1, $0xD;
	s1 =	sshrl.u32 s1, $0x2  }
0xb9: {  	s3 =	sand.u32 $0x4000, s31;
	s1 =	sadd.s32 s1, s30  }
0xba: {  	s0 =	sor.u32 s3, s0;
	s1 =	sshll.u32 s1, $0x11  }
0xbb: {  	s0 =	sor.u32 s1, s0  }
0xbc: {  	s0 =	sadd.s32 $0x8F2B, s0  }
0xbd: {  	[sflag:s0] =	ssyncadd.remote.s32 $0x1  }
0xbe: {  	_ =	sfence.sel $0xFFFF  }
0xbf: {  	[dreg:$0x0] =	wrdreg $0xFFFFFFFF;
	(pc) =	sbr.abs _section_cstart, $3  }
0xc0: {  	[dreg:$0x1] =	wrdreg $0xFFFFFFFF  }
0xc1: {  	_ =	task.clear_ibuf [dreg:s6], $0x2FFFF;
	_ =	strace $0x9FFFFFFF  }
0xc2: {  	(tm) =	ssettm $0x7FFFFFFF  }
0xc3: {  	_ =	shalt  }
tec
execute0_lowered:
.L_overlay_start_1:
0x0: {  	(tag) =	ssettag $0x1  }
0x1: {  	s6 =	rddreg [dreg:$0x0]  }
0x2: {  	s2 =	rddreg [dreg:$0x1]  }
0x3: {  	s0 =	srdreg.scid;
	s1 =	rddreg [dreg:$0x2]  }
0x4: {  	s3 =	simm.s32 $0x0;
	s13 =	simm.s32 $0x1400;
	s14 =	simm.s32 $0x7D  }
0x5: {  	s15 =	simm.s32 $0x2800;
	s16 =	simm.s32 $0x2FD0;
	s5 =	sand.u32 $0x1, s0  }
0x6: {  	s17 =	simm.s32 $0x1;
	s0 =	stileid.u32;
	s4 =	smul.u32 $0x14000, s5  }
0x7: {  	s18 =	simm.s32 $0x2;
	s19 =	simm.s32 $0x1380;
	s7 =	smul.u32 $0x1400, s0  }
0x8: {  	s20 =	simm.s32 $0x2700;
	s21 =	simm.s32 $0x2780;
	s29 =	smul.u32 $0xC380, s0  }
0x9: {  	s22 =	simm.s32 $0x0;
	[smem:$0x7FF] =	sst s3;
	s8 =	smul.u32 $0xC3800, s5  }
0xa: {  	_ =	strace $0x8000004A;
	s10 =	ssub.s32 $0x2, s5;
	s5 =	sadd.s32 $0xD800, s6  }
0xb: {  	s30 =	sshll.u32 s0, $0x6;
	s11 =	sshrl.u32 s10, $0x1;
	s4 =	sadd.s32 s7, s4  }
0xc: {  	s8 =	sadd.s32 s29, s8;
	s10 =	ssub.s32 s10, s11;
	s31 =	sadd.s32 s29, s2  }
0xd: {  	s4 =	sshrl.u32 s4, $0x3;
	s8 =	sshrl.u32 s8, $0x3;
	s10 =	smax.u32 s10, $0x1  }
0xe: {  	s11 =	sshrl.u32 s31, $0x3;
	s9 =	sadd.s32 s4, s6;
	s4 =	sadd.s32 $0xF200, s6  }
0xf: {  	s12 =	sadd.s32 s8, s6;
	s6 =	sor.u32 $0x1C03, s30;
	s7 =	sadd.s32 $0x40000, s9  }
0x10: {  	s8 =	sadd.s32 $0x8800, s9;
	s9 =	sadd.s32 $0x45000, s12;
	s12 =	simm.s32 $0x3  }
.LBB2_1:
0x11: {  	[spmem:s11], [sflag:s6] =	dma.local [hbm:s5], $0x1870  }
0x12: {  	_ =	swait.ge [sflag:s12], $0x1870  }
0x13: {  	[sflag:s12] =	ssyncset.done $0x0  }
0x14: {  	[sflag:s12] =	ssyncadd.s32 $0xFFFFE790  }
0x15: {  	[tilespmem:s3], [sflag:$0x3] =	stream.linear.gather [hbm4b:s7+s3], $0x1400, $0x38;
	[tilespmem:$0xFB20] =	vst v63  }
0x16: {  	_ =	swait.ge [sflag:s12], $0x1400  }
0x17: {  	[sflag:s12] =	ssyncset.done $0x0  }
0x18: {  	[sflag:s12] =	ssyncadd.s32 $0xFFFFEC00  }
0x19: {  	[tilespmem:s13], [sflag:$0x3] =	stream.linear.gather [hbm4b:s8+s3], $0x1400, $0x38;
	[tilespmem:$0xFB20] =	vst v63  }
0x1a: {  	_ =	swait.ge [sflag:s12], $0x1400  }
0x1b: {  	[sflag:s12] =	ssyncset.done $0x0  }
0x1c: {  	[sflag:s12] =	ssyncadd.s32 $0xFFFFEC00  }
0x1d: {  	[bflag:$0x0] =	sbarrier.arrive $0xFFFF  }
0x1e: {  	[tilespmem:s15], [sflag:$0x1] =	stream.indirect.gather [hbm4b:s4+s14], $0x10, s3, s14, $0xb8;
	[tilespmem:$0xFB20] =	vst v63  }
0x1f: {  	s23 =	simm.s32 $0x80  }
0x20: {  	[tilespmem:s16], [sflag:$0x2] =	stream.indirect.gather [hbm4b:s4+s14], $0x10, s23, s14, $0xb8;
	[tilespmem:$0xFB20] =	vst v63  }
0x21: {  	_ =	swait.ge [sflag:s17], $0x7D0  }
0x22: {  	[sflag:s17] =	ssyncset.done $0x0  }
0x23: {  	s29 =	simm.s32 $0x1400;
	[sflag:s17] =	ssyncadd.s32 $0xFFFFF830  }
0x24: {  	[spmem:s2] =	stream.indirect.scatter.add.f32 [tilespmem:s15], [sflag:$0x3], $0x10, s29, s14, $0xb8;
	[tilespmem:$0xFB20] =	vst v63  }
0x25: {  	_ =	swait.ge [sflag:s12], $0x7D0  }
0x26: {  	[sflag:s12] =	ssyncset.done $0x0  }
0x27: {  	s30 =	simm.s32 $0x100;
	[sflag:s12] =	ssyncadd.s32 $0xFFFFF830  }
0x28: {  	[tilespmem:s15], [sflag:$0x1] =	stream.indirect.gather [hbm4b:s4+s14], $0x10, s30, s14, $0xb8;
	[tilespmem:$0xFB20] =	vst v63  }
0x29: {  	_ =	swait.ge [sflag:s18], $0x7D0  }
0x2a: {  	[sflag:s18] =	ssyncset.done $0x0  }
0x2b: {  	s31 =	simm.s32 $0x1480;
	[sflag:s18] =	ssyncadd.s32 $0xFFFFF830  }
0x2c: {  	[spmem:s2] =	stream.indirect.scatter.add.f32 [tilespmem:s16], [sflag:$0x3], $0x10, s31, s14, $0xb8;
	[tilespmem:$0xFB20] =	vst v63  }
0x2d: {  	_ =	swait.ge [sflag:s12], $0x7D0  }
0x2e: {  	s24 =	simm.s32 $0x800;
	s23 =	simm.s32 $0x100;
	[sflag:s12] =	ssyncset.done $0x0  }
.LBB2_2:
0x2f: {  	s25 =	sadd.s32 $0x80, s23  }
0x30: {  	[sflag:s12] =	ssyncadd.s32 $0xFFFFF830;
	s26 =	smov.u32 s24;
	s28 =	sadd.s32 $0x400, s24  }
0x31: {  	[tilespmem:s16], [sflag:$0x2] =	stream.indirect.gather [hbm4b:s4+s14], $0x10, s25, s14, $0xb8;
	[tilespmem:$0xFB20] =	vst v63  }
0x32: {  	p0 =	sne.s32 s24, $0x4800;
	_ =	swait.ge [sflag:s17], $0x7D0  }
0x33: {  	[sflag:s17] =	ssyncset.done $0x0  }
0x34: {  	s24 =	sadd.s32 $0x1400, s23;
	[sflag:s17] =	ssyncadd.s32 $0xFFFFF830  }
0x35: {  	[spmem:s2] =	stream.indirect.scatter.add.f32 [tilespmem:s15], [sflag:$0x3], $0x10, s24, s14, $0xb8;
	[tilespmem:$0xFB20] =	vst v63  }
0x36: {  	_ =	swait.ge [sflag:s12], $0x7D0  }
0x37: {  	[sflag:s12] =	ssyncset.done $0x0  }
0x38: {  	s24 =	sadd.s32 $0x100, s23;
	[sflag:s12] =	ssyncadd.s32 $0xFFFFF830  }
0x39: {  	[tilespmem:s15], [sflag:$0x1] =	stream.indirect.gather [hbm4b:s4+s14], $0x10, s24, s14, $0xb8;
	[tilespmem:$0xFB20] =	vst v63  }
0x3a: {  	_ =	swait.ge [sflag:s18], $0x7D0  }
.Ltmp0:
0x3b: {  	[sflag:s18] =	ssyncset.done $0x0;
	(pc) =	sbr.rel @p0 .LBB2_2-.Ltmp0, $4  }
0x3c: {  	s23 =	sadd.s32 $0x1480, s23;
	[sflag:s18] =	ssyncadd.s32 $0xFFFFF830  }
0x3d: {  	[spmem:s2] =	stream.indirect.scatter.add.f32 [tilespmem:s16], [sflag:$0x3], $0x10, s23, s14, $0xb8;
	[tilespmem:$0xFB20] =	vst v63  }
0x3e: {  	_ =	swait.ge [sflag:s12], $0x7D0  }
0x3f: {  	s24 =	smov.u32 s28;
	s23 =	sshra.s32 s26, $0x2;
	[sflag:s12] =	ssyncset.done $0x0  }
0x40: {  	s24 =	sadd.s32 $0x80, s23;
	[sflag:s12] =	ssyncadd.s32 $0xFFFFF830  }
0x41: {  	[tilespmem:s16], [sflag:$0x2] =	stream.indirect.gather [hbm4b:s4+s14], $0x10, s24, s14, $0xb8;
	[tilespmem:$0xFB20] =	vst v63  }
0x42: {  	_ =	swait.ge [sflag:s17], $0x7D0  }
0x43: {  	[sflag:s17] =	ssyncset.done $0x0  }
0x44: {  	s29 =	sadd.s32 $0x1400, s23;
	[sflag:s17] =	ssyncadd.s32 $0xFFFFF830  }
0x45: {  	[spmem:s2] =	stream.indirect.scatter.add.f32 [tilespmem:s15], [sflag:$0x3], $0x10, s29, s14, $0xb8;
	[tilespmem:$0xFB20] =	vst v63  }
0x46: {  	_ =	swait.ge [sflag:s12], $0x7D0  }
0x47: {  	[sflag:s12] =	ssyncset.done $0x0  }
0x48: {  	s30 =	sadd.s32 $0x100, s23;
	[sflag:s12] =	ssyncadd.s32 $0xFFFFF830  }
0x49: {  	[tilespmem:s15], [sflag:$0x1] =	stream.indirect.gather [hbm4b:s4+s14], $0x10, s30, s14, $0xb8;
	[tilespmem:$0xFB20] =	vst v63  }
0x4a: {  	_ =	swait.ge [sflag:s18], $0x7D0  }
0x4b: {  	[sflag:s18] =	ssyncset.done $0x0  }
0x4c: {  	s31 =	sadd.s32 $0x1480, s23;
	[sflag:s18] =	ssyncadd.s32 $0xFFFFF830  }
0x4d: {  	[spmem:s2] =	stream.indirect.scatter.add.f32 [tilespmem:s16], [sflag:$0x3], $0x10, s31, s14, $0xb8;
	[tilespmem:$0xFB20] =	vst v63  }
0x4e: {  	_ =	swait.ge [sflag:s12], $0x7D0  }
0x4f: {  	[sflag:s12] =	ssyncset.done $0x0  }
0x50: {  	[sflag:s12] =	ssyncadd.s32 $0xFFFFF830  }
0x51: {  	[tilespmem:s16], [sflag:$0x2] =	stream.indirect.gather [hbm4b:s4+s14], $0x10, s19, s14, $0xb8;
	[tilespmem:$0xFB20] =	vst v63  }
0x52: {  	_ =	swait.ge [sflag:s17], $0x7D0  }
0x53: {  	[sflag:s17] =	ssyncset.done $0x0  }
0x54: {  	[sflag:s17] =	ssyncadd.s32 $0xFFFFF830  }
0x55: {  	[spmem:s2] =	stream.indirect.scatter.add.f32 [tilespmem:s15], [sflag:$0x3], $0x10, s20, s14, $0xb8;
	[tilespmem:$0xFB20] =	vst v63  }
0x56: {  	_ =	swait.ge [sflag:s12], $0x7D0  }
0x57: {  	[sflag:s12] =	ssyncset.done $0x0  }
0x58: {  	[sflag:s12] =	ssyncadd.s32 $0xFFFFF830  }
0x59: {  	_ =	swait.ge [sflag:s18], $0x7D0  }
0x5a: {  	[sflag:s18] =	ssyncset.done $0x0  }
0x5b: {  	[sflag:s18] =	ssyncadd.s32 $0xFFFFF830  }
0x5c: {  	[spmem:s2] =	stream.indirect.scatter.add.f32 [tilespmem:s16], [sflag:$0x3], $0x10, s21, s14, $0xb8;
	[tilespmem:$0xFB20] =	vst v63  }
0x5d: {  	_ =	swait.ge [sflag:s12], $0x7D0  }
0x5e: {  	s22 =	sadd.s32 $0x1, s22;
	[sflag:s12] =	ssyncset.done $0x0  }
0x5f: {  	p0 =	sne.s32 s22, s10;
	[sflag:s12] =	ssyncadd.s32 $0xFFFFF830  }
.Ltmp1:
0x60: {  	[bflag:$0x0] =	sbarrier.arrive $0xFFFF;
	(pc) =	sbr.rel @p0 .LBB2_1-.Ltmp1, $4  }
0x61: {  	[hbm:s9], [sflag:s6] =	dma.local [spmem:s11], $0x1870  }
0x62: {  	_ =	swait.ge [sflag:s12], $0x1870  }
0x63: {  	[sflag:s12] =	ssyncset.done $0x0  }
0x64: {  	[sflag:s12] =	ssyncadd.s32 $0xFFFFE790  }
0x65: {  	_ =	sfence.sel $0x180000  }
0x66: {  	[bflag:$0x0] =	sbarrier.arrive $0xFFFF  }
0x67: {  	p0 =	sne.s32 s0, $0x0;
	_ =	strace $0x9000004A  }
0x68: {  	s0 =	sadd.s32 @!p0 $0x100000, s1;
	[bflag:$0x2] =	sbarrier.arrive $0xFFFF  }
0x69: {  	[sflag:s0] =	ssyncadd.tile.s32 @!p0 $0x1;
	_ =	shalt  }
.Lfunc_end2:
_tile_overlayer_lowered:
.L_overlay_start_2:
0x6a: {  	(tag) =	ssettag $0x2  }
0x6b: {  	s0 =	rddreg [dreg:$0x0];
	s2 =	stileid.u32  }
0x6c: {  	s1 =	rddreg [dreg:$0x1];
	p0 =	sne.s32 s2, $0x0  }
0x6d: {  	s3 =	rddreg [dreg:$0x2];
	[bflag:$0x3] =	sbarrier.arrive $0xFFFF;
	s2 =	simm.s32 @!p0 $0x1C03  }
0x6e: {  	[timem:s3], [sflag:s2] =	dma.local @!p0 [hbm:s0], s1  }
0x6f: {  	s0 =	simm.s32 @!p0 $0x3  }
0x70: {  	_ =	swait.ge @!p0 [sflag:s0], s1  }
0x71: {  	s1 =	ssub.s32 @!p0 $0x0, s1;
	[sflag:s0] =	ssyncset.done @!p0 $0x0  }
0x72: {  	[sflag:s0] =	ssyncadd.s32 @!p0 s1  }
0x73: {  	[bflag:$0x3] =	sbarrier.arrive $0xFFFF  }
0x74: {  	_ =	shalt  }

// kernel: kernel.16.cloned.1.call-start
scs
__scs_entry_jumppad:
0x0: {  	(pc) =	sbr.rel $0x88, $3  }
0x1: {  	(tag) =	ssettag $0x0;
	lr =	simm.s32 $0x1  }
0x2: {  	[smem:$0x3F8E] =	sst lr;
	_ =	strace $0xD0000000  }
0x3: {  	_ = 	snop  }
0x4: {  	_ = 	snop  }
0x5: {  	_ = 	snop  }
0x6: {  	_ = 	snop  }
0x7: {  	_ = 	snop  }
__scs_overlays_trampoline_lowered:
0x8: {  	[smem:$0x3F9D] =	sst s0  }
0x9: {  	[smem:$0x3F9E] =	sst s1  }
0xa: {  	[smem:$0x3F9F] =	sst s2  }
0xb: {  	[smem:$0x3FA0] =	sst s3  }
0xc: {  	[smem:$0x3FA1] =	sst s4  }
0xd: {  	[smem:$0x3FA2] =	sst s5  }
0xe: {  	[smem:$0x3FA3] =	sst s6  }
0xf: {  	[smem:$0x3FA4] =	sst s7  }
0x10: {  	[smem:$0x3FA5] =	sst s8  }
0x11: {  	[smem:$0x3FA6] =	sst s9;
	s0 =	simm.s32 @!p0 $0x0  }
0x12: {  	s1 =	sld [smem:$0x3F8C];
	s0 =	simm.s32 @p0 $0x1  }
0x13: {  	[smem:$0x3FA7] =	sst s0;
	s0 =	simm.s32 @!p1 $0x0  }
0x14: {  	s2 =	sld [smem:$0x3F8B];
	s0 =	simm.s32 @p1 $0x1  }
0x15: {  	[smem:$0x3FA8] =	sst s0;
	s0 =	simm.s32 @!p2 $0x0  }
0x16: {  	s3 =	sld [smem:$0x3FDB];
	s0 =	simm.s32 @p2 $0x1  }
0x17: {  	s4 =	simm.s32 $0x1BF5;
	[smem:$0x3FAA] =	sst s0  }
0x18: {  	s0 =	sld [smem:$0x3F8D];
	_ =	swait.ge [sflag:s4], $0x0  }
0x19: {  	s7 =	sld [smem:$0x3F8E]  }
0x1a: {  	s8 =	sadd.s32 $0xFFFFE003, lr  }
0x1b: {  	s9 =	sadd.s32 $0xFFFFFEF7, lr;
	s5 =	simm.s32 $0xFFFFFFFF;
	p2 =	slt.u32 s8, $0xFFFFF086  }
0x1c: {  	p1 =	slt.u32 s9, $0xF7A;
	s5 =	simm.s32 @!p2 $0x0  }
0x1d: {  	s5 =	simm.s32 @p1 $0x1;
	p0 =	seq.s32 s7, s2  }
0x1e: {  	s7 =	smul.u32 @!p0 $0xF7A, s2;
	p2 =	seq.s32 @!p0 s5, $0x0  }
0x1f: {  	s9 =	smul.u32 $0xF7A, s1;
	s8 =	simm.s32 @!p0 $0x1BF5;
	p2 =	por !p2, p0  }
0x20: {  	[sflag:s8] =	ssyncset.s32 @!p0 $0xFFFFF086;
	s6 =	sadd.s32 @!p0 s3, s7;
	s7 =	simm.s32 @!p0 $0x108  }
0x21: {  	s3 =	sadd.s32 s3, s9;
	s6 =	sadd.s32 @!p0 $0x88, s6;
	s7 =	simm.s32 @p2 $0x1082  }
0x22: {  	[simem:s7], [sflag:s8] =	dma.local @!p0 [hbm:s6], $0xF7A  }
0x23: {  	s9 =	sor.u32 $0xD0000000, s2;
	s6 =	simm.s32 $0x108;
	_ =	swait.ge @!p0 [sflag:s8], $0x0  }
0x24: {  	s3 =	sadd.s32 $0x88, s3;
	s6 =	simm.s32 @!p1 $0x1082;
	[sflag:s4] =	ssyncset.s32 $0xFFFFF086  }
0x25: {  	[simem:s6], [sflag:s4] =	dma.local [hbm:s3], $0xF7A  }
0x26: {  	[smem:$0x3F8E] =	sst s1;
	(tag) =	ssettag s2;
	_ =	strace s9  }
0x27: {  	s1 =	sld [smem:$0x3F9E]  }
0x28: {  	s2 =	sld [smem:$0x3F9F]  }
0x29: {  	s4 =	sld [smem:$0x3FA1]  }
0x2a: {  	p0 =	seq.s32 s5, $0x0;
	s5 =	sld [smem:$0x3FA2]  }
0x2b: {  	s6 =	sld [smem:$0x3FA3]  }
0x2c: {  	s7 =	sld [smem:$0x3FA4]  }
0x2d: {  	s3 =	simm.s32 $0x108;
	s8 =	sld [smem:$0x3FA5]  }
0x2e: {  	s3 =	simm.s32 @!p0 $0x1082;
	s9 =	sld [smem:$0x3FA6]  }
0x2f: {  	lr =	sadd.s32 s0, s3;
	s0 =	sld [smem:$0x3F9D]  }
0x30: {  	s3 =	sld [smem:$0x3FA0]  }
0x31: {  	[smem:$0x3FA9] =	sst s10  }
0x32: {  	s10 =	sld [smem:$0x3FA7];
	_ =	sdelay $0x3  }
0x33: {  	p0 =	seq.s32 s10, $0x1;
	s10 =	sld [smem:$0x3FA9];
	_ =	sdelay $0x3  }
0x34: {  	[smem:$0x3FA9] =	sst s10  }
0x35: {  	s10 =	sld [smem:$0x3FA8];
	_ =	sdelay $0x3  }
0x36: {  	p1 =	seq.s32 s10, $0x1;
	s10 =	sld [smem:$0x3FA9];
	_ =	sdelay $0x3  }
0x37: {  	[smem:$0x3FA9] =	sst s10  }
0x38: {  	s10 =	sld [smem:$0x3FAA]  }
0x39: {  	_ = 	snop;
	(pc) =	sbr.ind lr, $3  }
0x3a: {  	_ = 	snop  }
0x3b: {  	_ = 	snop  }
0x3c: {  	p2 =	seq.s32 s10, $0x1;
	s10 =	sld [smem:$0x3FA9]  }
0x3d: {  	_ =	shalt  }
0x3e: {  	_ =	shalt  }
0x3f: {  	_ =	shalt  }
0x40: {  	_ =	shalt  }
0x41: {  	_ =	shalt  }
0x42: {  	_ =	shalt  }
0x43: {  	_ =	shalt  }
0x44: {  	_ =	shalt  }
0x45: {  	_ =	shalt  }
0x46: {  	_ =	shalt  }
0x47: {  	_ =	shalt  }
0x48: {  	_ =	shalt  }
0x49: {  	_ =	shalt  }
0x4a: {  	_ =	shalt  }
0x4b: {  	_ =	shalt  }
0x4c: {  	_ =	shalt  }
0x4d: {  	_ =	shalt  }
0x4e: {  	_ =	shalt  }
0x4f: {  	_ =	shalt  }
0x50: {  	_ =	shalt  }
0x51: {  	_ =	shalt  }
0x52: {  	_ =	shalt  }
0x53: {  	_ =	shalt  }
0x54: {  	_ =	shalt  }
0x55: {  	_ =	shalt  }
0x56: {  	_ =	shalt  }
0x57: {  	_ =	shalt  }
0x58: {  	_ =	shalt  }
0x59: {  	_ =	shalt  }
0x5a: {  	_ =	shalt  }
0x5b: {  	_ =	shalt  }
0x5c: {  	_ =	shalt  }
0x5d: {  	_ =	shalt  }
0x5e: {  	_ =	shalt  }
0x5f: {  	_ =	shalt  }
0x60: {  	_ =	shalt  }
0x61: {  	_ =	shalt  }
0x62: {  	_ =	shalt  }
0x63: {  	_ =	shalt  }
0x64: {  	_ =	shalt  }
0x65: {  	_ =	shalt  }
0x66: {  	_ =	shalt  }
0x67: {  	_ =	shalt  }
0x68: {  	_ =	shalt  }
0x69: {  	_ =	shalt  }
0x6a: {  	_ =	shalt  }
0x6b: {  	_ =	shalt  }
0x6c: {  	_ =	shalt  }
0x6d: {  	_ =	shalt  }
0x6e: {  	_ =	shalt  }
0x6f: {  	_ =	shalt  }
0x70: {  	_ =	shalt  }
0x71: {  	_ =	shalt  }
0x72: {  	_ =	shalt  }
0x73: {  	_ =	shalt  }
0x74: {  	_ =	shalt  }
0x75: {  	_ =	shalt  }
0x76: {  	_ =	shalt  }
0x77: {  	_ =	shalt  }
0x78: {  	_ =	shalt  }
0x79: {  	_ =	shalt  }
0x7a: {  	_ =	shalt  }
0x7b: {  	_ =	shalt  }
0x7c: {  	_ =	shalt  }
0x7d: {  	_ =	shalt  }
0x7e: {  	_ =	shalt  }
0x7f: {  	_ =	shalt  }
0x80: {  	_ =	shalt  }
0x81: {  	_ =	shalt  }
0x82: {  	_ =	shalt  }
0x83: {  	_ =	shalt  }
0x84: {  	_ =	shalt  }
0x85: {  	_ =	shalt  }
0x86: {  	_ =	shalt  }
0x87: {  	_ =	shalt  }
.Lfunc_end0:
.L_simem_size_0:
called_computation.2_lowered:
.L_overlay_start_0:
0x88: {  	s2 =	sld [smem:$0x3FD9]  }
0x89: {  	s3 =	sld [smem:$0x3FFE];
	_ =	sdelay $0x1  }
0x8a: {  	s1 =	srdreg.scid  }
0x8b: {  	s0 =	sand.u32 $0x1, s1  }
0x8c: {  	s14 =	sshll.u32 s0, $0xA;
	s2 =	sadd.s32 s3, s2  }
0x8d: {  	s2 =	sadd.s32 s2, s14  }
0x8e: {  	[smem:$0x3FB5] =	sst s2  }
0x8f: {  	_ = 	snop  }
0x90: {  	s2 =	sld [smem:$0x3FD0];
	_ =	sdelay $0x2  }
0x91: {  	s15 =	simm.s32 $0xA;
	s4 =	simm.s32 $0x10  }
0x92: {  	[smem:s4], [sflag:s15] =	dma.local [hbm:s2], $0x1  }
0x93: {  	_ =	swait.eq [sflag:s15], $0x1  }
0x94: {  	[sflag:s15] =	ssyncset.done $0x0  }
0x95: {  	s16 =	sld [smem:$0x10];
	[sflag:s15] =	ssyncadd.s32 $0xFFFFFFFF  }
0x96: {  	s17 =	sld [smem:$0x11];
	(tm) =	ssettm $0x1  }
0x97: {  	s18 =	sld [smem:$0x3FFB];
	_ =	sdelay $0x3  }
0x98: {  	_ =	strace s18  }
0x99: {  	s4 =	sld [smem:$0x3FFC];
	_ =	sdelay $0x3  }
0x9a: {  	_ =	strace s4  }
0x9b: {  	s4 =	sld [smem:$0x3FFD];
	_ =	sdelay $0x3  }
0x9c: {  	_ =	strace s4  }
0x9d: {  	_ =	strace $0x8FFFFFFF  }
0x9e: {  	s19 =	sld [smem:$0x3FDB];
	_ =	sdelay $0x1  }
0x9f: {  	s5 =	simm.s32 $_scs_section_size  }
0xa0: {  	s6 =	simm.s32 $_size__tile_overlayer_lowered;
	s7 =	simm.s32 $_tile_overlayer_lowered  }
0xa1: {  	s22 =	simm.s32 $0x1BFF;
	s21 =	sshll.u32 s7, $0x1;
	s4 =	sadd.s32 s5, s19  }
0xa2: {  	s8 =	simm.s32 $0x0;
	s20 =	sshll.u32 s6, $0x1;
	s6 =	sadd.s32 s21, s4  }
0xa3: {  	[timem:s8], [sflag:s22] =	dma.local [hbm:s6], s20  }
0xa4: {  	_ =	swait.ge [sflag:s22], s20  }
0xa5: {  	s5 =	ssub.s32 $0x0, s20;
	[sflag:s22] =	ssyncset.done $0x0  }
0xa6: {  	[sflag:s22] =	ssyncadd.s32 s5;
	_ =	sdelay $0x1  }
0xa7: {  	s23 =	simm.s32 $0x1B8B  }
0xa8: {  	_ =	swait.ge [sflag:s23], $0x1  }
0xa9: {  	[sflag:s23] =	ssyncset.done $0x0  }
0xaa: {  	s25 =	simm.s32 $0x1B8E;
	s24 =	sld [smem:$0x3FFE];
	[sflag:s23] =	ssyncadd.s32 $0xFFFFFFFF  }
0xab: {  	s26 =	simm.s32 $execute0_lowered;
	[smem:$0x3FD2] =	sst s25  }
0xac: {  	s6 =	sshll.u32 s26, $0x1;
	_ =	strace $0x8000004C;
	[dreg:$0x1] =	wrdreg $0xFFFFFFFF  }
0xad: {  	s28 =	simm.s32 $_size_execute0_lowered;
	s4 =	sadd.s32 s4, s6;
	[dreg:$0x0] =	wrdreg $0x0  }
0xae: {  	s6 =	sshll.u32 s28, $0x1;
	[dreg:$0x2] =	wrdreg s4  }
0xaf: {  	[dreg:$0x3] =	wrdreg s6  }
0xb0: {  	[dreg:$0x4] =	wrdreg $0xC0  }
0xb1: {  	_ =	task [dreg:s8], $0x5FFFF  }
0xb2: {  	[dreg:$0x1] =	wrdreg $0xFFFFFFFF  }
0xb3: {  	[dreg:$0x0] =	wrdreg $0x60  }
0xb4: {  	[dreg:$0x2] =	wrdreg s17  }
0xb5: {  	[dreg:$0x3] =	wrdreg s16  }
0xb6: {  	[dreg:$0x4] =	wrdreg s24  }
0xb7: {  	[dreg:$0x5] =	wrdreg $0x6F400  }
0xb8: {  	[dreg:$0x6] =	wrdreg $0x9  }
0xb9: {  	_ =	task.clear_ibuf [dreg:s8], $0x7FFFF;
	_ =	strace $0x9000004C  }
0xba: {  	s29 =	simm.s32 $0x9;
	_ =	strace $0x8000004E  }
0xbb: {  	_ =	swait.ge [sflag:s29], $0x1  }
0xbc: {  	[sflag:s29] =	ssyncadd.s32 $0xFFFFFFFF  }
0xbd: {  	_ =	strace $0x9000004E  }
0xbe: {  	_ =	sfence  }
0xbf: {  	s30 =	sld [smem:$0x0];
	_ =	sdelay $0x2  }
0xc0: {  	s31 =	sshll.u32 s1, $0xD;
	s1 =	sshrl.u32 s1, $0x2  }
0xc1: {  	s3 =	sand.u32 $0x4000, s31;
	s1 =	sadd.s32 s1, s30  }
0xc2: {  	s0 =	sor.u32 s3, s0;
	s1 =	sshll.u32 s1, $0x11  }
0xc3: {  	s0 =	sor.u32 s1, s0  }
0xc4: {  	s0 =	sadd.s32 $0x8F2B, s0  }
0xc5: {  	[sflag:s0] =	ssyncadd.remote.s32 $0x1  }
0xc6: {  	_ =	sfence.sel $0xFFFF  }
0xc7: {  	[dreg:$0x0] =	wrdreg $0xFFFFFFFF;
	(pc) =	sbr.abs _section_cstart, $3  }
0xc8: {  	[dreg:$0x1] =	wrdreg $0xFFFFFFFF  }
0xc9: {  	_ =	task.clear_ibuf [dreg:s8], $0x2FFFF;
	_ =	strace $0x9FFFFFFF  }
0xca: {  	(tm) =	ssettm $0x7FFFFFFF  }
0xcb: {  	_ =	shalt  }
tec
execute0_lowered:
.L_overlay_start_1:
0x0: {  	(tag) =	ssettag $0x1  }
0x1: {  	s0 =	rddreg [dreg:$0x0]  }
0x2: {  	s8 =	rddreg [dreg:$0x1]  }
0x3: {  	s15 =	rddreg [dreg:$0x2]  }
0x4: {  	s1 =	rddreg [dreg:$0x3];
	s3 =	simm.s32 $0x0  }
0x5: {  	s4 =	srdreg.scid;
	s2 =	stileid.u32;
	s18 =	simm.s32 $0x3  }
0x6: {  	s21 =	simm.s32 $0x7D;
	s22 =	simm.s32 $0x5000;
	s23 =	simm.s32 $0x5FA0  }
0x7: {  	s24 =	simm.s32 $0x1;
	s28 =	simm.s32 $0x4F00;
	s29 =	simm.s32 $0x4F80  }
0x8: {  	s30 =	simm.s32 $0x0;
	[smem:$0x7FF] =	sst s3;
	s10 =	sand.u32 $0x1, s4  }
0x9: {  	s4 =	sadd.s32 $0x8800, s15;
	s11 =	smul.u32 $0x500, s2;
	s5 =	sadd.s32 $0xCBE00, s15  }
0xa: {  	s6 =	smul.u32 $0x18700, s2;
	s7 =	sadd.s32 $0xCF000, s15;
	s13 =	sadd.s32 $0x6A280, s15  }
0xb: {  	s19 =	sshll.u32 s2, $0x6;
	_ =	strace $0x8000004D;
	s9 =	ssub.s32 $0x2, s10  }
0xc: {  	s25 =	smul.u32 $0x30E000, s10;
	p0 =	seq.s32 s10, $0x1;
	s19 =	sor.u32 $0x1C03, s19  }
0xd: {  	s12 =	sshrl.u32 s9, $0x1;
	s8 =	sadd.s32 s8, s11;
	s26 =	sadd.s32 s6, s1  }
.Ltmp0:
0xe: {  	s31 =	sshrl.u32 s6, $0x3;
	s16 =	ssub.s32 s9, s12;
	(pc) =	sbr.rel .LBB2_1-.Ltmp0, $4  }
0xf: {  	s9 =	sadd.s32 s0, s11;
	s10 =	sadd.s32 s6, s25;
	s11 =	sadd.s32 s7, s31  }
0x10: {  	s12 =	sadd.s32 $0x39540, s15;
	s15 =	sadd.s32 $0x9AFC0, s15;
	s20 =	sshrl.u32 s26, $0x3  }
0x11: {  	s25 =	simm.s32 $0x2;
	s26 =	simm.s32 $0x2780;
	s14 =	sshrl.u32 s10, $0x3  }
0x12: {  	[dreg:$0x5] =	wrdreg s11;
	s16 =	smax.u32 s16, $0x1;
	s14 =	sadd.s32 s7, s14  }
.LBB2_11:
0x13: {  	s0 =	sadd.s32 $0x80, s31;
	[sflag:s18] =	ssyncadd.s32 $0xFFFFF060  }
0x14: {  	[tilespmem:s23], [sflag:$0x2] =	stream.indirect.gather [hbm4b:s15+s21], $0x20, s0, s21, $0xb8;
	[tilespmem:$0x1F640] =	vst v63  }
0x15: {  	_ =	swait.ge [sflag:s24], $0xFA0  }
0x16: {  	[sflag:s24] =	ssyncset.done $0x0  }
0x17: {  	s2 =	sadd.s32 $0x2800, s31;
	[sflag:s24] =	ssyncadd.s32 $0xFFFFF060  }
0x18: {  	[spmem:s1] =	stream.indirect.scatter.add.f32 [tilespmem:s22], [sflag:$0x3], $0x20, s2, s21, $0xb8;
	[tilespmem:$0x1F640] =	vst v63  }
0x19: {  	_ =	swait.ge [sflag:s18], $0xFA0  }
0x1a: {  	[sflag:s18] =	ssyncset.done $0x0  }
0x1b: {  	s11 =	sadd.s32 $0x100, s31;
	[sflag:s18] =	ssyncadd.s32 $0xFFFFF060  }
0x1c: {  	[tilespmem:s22], [sflag:$0x1] =	stream.indirect.gather [hbm4b:s15+s21], $0x20, s11, s21, $0xb8;
	[tilespmem:$0x1F640] =	vst v63  }
0x1d: {  	_ =	swait.ge [sflag:s25], $0xFA0  }
0x1e: {  	[sflag:s25] =	ssyncset.done $0x0  }
0x1f: {  	s17 =	sadd.s32 $0x2880, s31;
	[sflag:s25] =	ssyncadd.s32 $0xFFFFF060  }
0x20: {  	[spmem:s1] =	stream.indirect.scatter.add.f32 [tilespmem:s23], [sflag:$0x3], $0x20, s17, s21, $0xb8;
	[tilespmem:$0x1F640] =	vst v63  }
0x21: {  	_ =	swait.ge [sflag:s18], $0xFA0  }
0x22: {  	[sflag:s18] =	ssyncset.done $0x0  }
0x23: {  	s31 =	smov.u32 s10;
	[sflag:s18] =	ssyncadd.s32 $0xFFFFF060  }
0x24: {  	[tilespmem:s23], [sflag:$0x2] =	stream.indirect.gather [hbm4b:s15+s21], $0x20, s26, s21, $0xb8;
	[tilespmem:$0x1F640] =	vst v63  }
.LBB2_12:
0x25: {  	_ =	swait.ge [sflag:s24], $0xFA0  }
0x26: {  	[sflag:s24] =	ssyncset.done $0x0  }
0x27: {  	[sflag:s24] =	ssyncadd.s32 $0xFFFFF060  }
0x28: {  	[spmem:s1] =	stream.indirect.scatter.add.f32 [tilespmem:s22], [sflag:$0x3], $0x20, s28, s21, $0xb8;
	[tilespmem:$0x1F640] =	vst v63  }
0x29: {  	_ =	swait.ge [sflag:s18], $0xFA0  }
0x2a: {  	[sflag:s18] =	ssyncset.done $0x0  }
0x2b: {  	[sflag:s18] =	ssyncadd.s32 $0xFFFFF060  }
0x2c: {  	_ =	swait.ge [sflag:s25], $0xFA0  }
0x2d: {  	[sflag:s25] =	ssyncset.done $0x0  }
0x2e: {  	[sflag:s25] =	ssyncadd.s32 $0xFFFFF060  }
0x2f: {  	[spmem:s1] =	stream.indirect.scatter.add.f32 [tilespmem:s23], [sflag:$0x3], $0x20, s29, s21, $0xb8;
	[tilespmem:$0x1F640] =	vst v63  }
0x30: {  	_ =	swait.ge [sflag:s18], $0xFA0  }
0x31: {  	s0 =	sshrl.u32 s31, $0x3;
	s30 =	sadd.s32 $0x1, s30;
	[sflag:s18] =	ssyncset.done $0x0  }
0x32: {  	s0 =	sadd.s32 s7, s0;
	p1 =	sne.s32 s30, s16;
	[sflag:s18] =	ssyncadd.s32 $0xFFFFF060  }
.Ltmp1:
0x33: {  	s0 =	sadd.s32 $0x30E00, s0;
	[bflag:$0x0] =	sbarrier.arrive $0xFFFF;
	(pc) =	sbr.rel @!p1 .LBB2_13-.Ltmp1, $4  }
0x34: {  	[hbm:s0], [sflag:s19] =	dma.local [spmem:s20], $0x30E0  }
0x35: {  	_ =	swait.ge [sflag:s18], $0x30E0  }
0x36: {  	[sflag:s18] =	ssyncset.done $0x0  }
0x37: {  	[sflag:s18] =	ssyncadd.s32 $0xFFFFCF20  }
.LBB2_1:
0x38: {  	s0 =	simm.s32 $0x2800  }
0x39: {  	[tilespmem:s0], [sflag:$0x3] =	stream.linear.gather [hbm4b:s8+s3], $0x2800, $0x38;
	[tilespmem:$0x1F640] =	vst v63  }
0x3a: {  	_ =	swait.ge [sflag:s18], $0x2800  }
0x3b: {  	[sflag:s18] =	ssyncset.done $0x0  }
0x3c: {  	[sflag:s18] =	ssyncadd.s32 $0xFFFFD800  }
0x3d: {  	[tilespmem:s3], [sflag:$0x3] =	stream.linear.gather [hbm4b:s9+s3], $0x2800, $0x38;
	[tilespmem:$0x1F640] =	vst v63  }
0x3e: {  	_ =	swait.ge [sflag:s18], $0x2800  }
0x3f: {  	[sflag:s18] =	ssyncset.done $0x0  }
0x40: {  	[sflag:s18] =	ssyncadd.s32 $0xFFFFD800  }
0x41: {  	[spmem:s20], [sflag:s19] =	dma.local [hbm:s5], $0x30E0  }
.Ltmp2:
0x42: {  	_ =	swait.ge [sflag:s18], $0x30E0;
	(pc) =	sbr.rel @!p0 .LBB2_2-.Ltmp2, $4  }
0x43: {  	[sflag:s18] =	ssyncset.done $0x0  }
0x44: {  	[sflag:s18] =	ssyncadd.s32 $0xFFFFCF20  }
0x45: {  	[bflag:$0x0] =	sbarrier.arrive $0xFFFF  }
0x46: {  	s0 =	simm.s32 $0x0  }
0x47: {  	[tilespmem:s22], [sflag:$0x1] =	stream.indirect.gather [hbm4b:s13+s21], $0x20, s0, s21, $0xb8;
	[tilespmem:$0x1F640] =	vst v63  }
0x48: {  	s17 =	simm.s32 $0x80  }
0x49: {  	[tilespmem:s23], [sflag:$0x2] =	stream.indirect.gather [hbm4b:s13+s21], $0x20, s17, s21, $0xb8;
	[tilespmem:$0x1F640] =	vst v63  }
0x4a: {  	_ =	swait.ge [sflag:s24], $0xFA0  }
0x4b: {  	[sflag:s24] =	ssyncset.done $0x0  }
0x4c: {  	s2 =	simm.s32 $0x2800;
	[sflag:s24] =	ssyncadd.s32 $0xFFFFF060  }
0x4d: {  	[spmem:s1] =	stream.indirect.scatter.add.f32 [tilespmem:s22], [sflag:$0x3], $0x20, s2, s21, $0xb8;
	[tilespmem:$0x1F640] =	vst v63  }
0x4e: {  	_ =	swait.ge [sflag:s18], $0xFA0  }
0x4f: {  	[sflag:s18] =	ssyncset.done $0x0  }
0x50: {  	s11 =	simm.s32 $0x100;
	[sflag:s18] =	ssyncadd.s32 $0xFFFFF060  }
0x51: {  	[tilespmem:s22], [sflag:$0x1] =	stream.indirect.gather [hbm4b:s13+s21], $0x20, s11, s21, $0xb8;
	[tilespmem:$0x1F640] =	vst v63  }
0x52: {  	_ =	swait.ge [sflag:s25], $0xFA0  }
0x53: {  	[sflag:s25] =	ssyncset.done $0x0  }
0x54: {  	s17 =	simm.s32 $0x2880;
	[sflag:s25] =	ssyncadd.s32 $0xFFFFF060  }
0x55: {  	[spmem:s1] =	stream.indirect.scatter.add.f32 [tilespmem:s23], [sflag:$0x3], $0x20, s17, s21, $0xb8;
	[tilespmem:$0x1F640] =	vst v63  }
0x56: {  	_ =	swait.ge [sflag:s18], $0xFA0  }
0x57: {  	s0 =	simm.s32 $0x800;
	s31 =	simm.s32 $0x100;
	[sflag:s18] =	ssyncset.done $0x0  }
.LBB2_8:
0x58: {  	s2 =	sadd.s32 $0x80, s31  }
0x59: {  	[sflag:s18] =	ssyncadd.s32 $0xFFFFF060;
	s11 =	smov.u32 s0;
	s17 =	sadd.s32 $0x400, s0  }
0x5a: {  	[tilespmem:s23], [sflag:$0x2] =	stream.indirect.gather [hbm4b:s13+s21], $0x20, s2, s21, $0xb8;
	[tilespmem:$0x1F640] =	vst v63  }
0x5b: {  	p1 =	sne.s32 s0, $0x9800;
	_ =	swait.ge [sflag:s24], $0xFA0  }
0x5c: {  	[sflag:s24] =	ssyncset.done $0x0  }
0x5d: {  	s0 =	sadd.s32 $0x2800, s31;
	[sflag:s24] =	ssyncadd.s32 $0xFFFFF060  }
0x5e: {  	[spmem:s1] =	stream.indirect.scatter.add.f32 [tilespmem:s22], [sflag:$0x3], $0x20, s0, s21, $0xb8;
	[tilespmem:$0x1F640] =	vst v63  }
0x5f: {  	_ =	swait.ge [sflag:s18], $0xFA0  }
0x60: {  	[sflag:s18] =	ssyncset.done $0x0  }
0x61: {  	s0 =	sadd.s32 $0x100, s31;
	[sflag:s18] =	ssyncadd.s32 $0xFFFFF060  }
0x62: {  	[tilespmem:s22], [sflag:$0x1] =	stream.indirect.gather [hbm4b:s13+s21], $0x20, s0, s21, $0xb8;
	[tilespmem:$0x1F640] =	vst v63  }
0x63: {  	_ =	swait.ge [sflag:s25], $0xFA0  }
.Ltmp3:
0x64: {  	[sflag:s25] =	ssyncset.done $0x0;
	(pc) =	sbr.rel @p1 .LBB2_8-.Ltmp3, $4  }
0x65: {  	s0 =	sadd.s32 $0x2880, s31;
	[sflag:s25] =	ssyncadd.s32 $0xFFFFF060  }
0x66: {  	[spmem:s1] =	stream.indirect.scatter.add.f32 [tilespmem:s23], [sflag:$0x3], $0x20, s0, s21, $0xb8;
	[tilespmem:$0x1F640] =	vst v63  }
0x67: {  	_ =	swait.ge [sflag:s18], $0xFA0  }
0x68: {  	s31 =	sshra.s32 s11, $0x2;
	s0 =	smov.u32 s17;
	[sflag:s18] =	ssyncset.done $0x0  }
0x69: {  	s0 =	sadd.s32 $0x80, s31;
	[sflag:s18] =	ssyncadd.s32 $0xFFFFF060  }
0x6a: {  	[tilespmem:s23], [sflag:$0x2] =	stream.indirect.gather [hbm4b:s13+s21], $0x20, s0, s21, $0xb8;
	[tilespmem:$0x1F640] =	vst v63  }
0x6b: {  	_ =	swait.ge [sflag:s24], $0xFA0  }
0x6c: {  	[sflag:s24] =	ssyncset.done $0x0  }
0x6d: {  	s11 =	sadd.s32 $0x2800, s31;
	[sflag:s24] =	ssyncadd.s32 $0xFFFFF060  }
0x6e: {  	[spmem:s1] =	stream.indirect.scatter.add.f32 [tilespmem:s22], [sflag:$0x3], $0x20, s11, s21, $0xb8;
	[tilespmem:$0x1F640] =	vst v63  }
0x6f: {  	_ =	swait.ge [sflag:s18], $0xFA0  }
0x70: {  	[sflag:s18] =	ssyncset.done $0x0  }
0x71: {  	s17 =	sadd.s32 $0x100, s31;
	[sflag:s18] =	ssyncadd.s32 $0xFFFFF060  }
0x72: {  	[tilespmem:s22], [sflag:$0x1] =	stream.indirect.gather [hbm4b:s13+s21], $0x20, s17, s21, $0xb8;
	[tilespmem:$0x1F640] =	vst v63  }
0x73: {  	_ =	swait.ge [sflag:s25], $0xFA0  }
0x74: {  	[sflag:s25] =	ssyncset.done $0x0  }
0x75: {  	s2 =	sadd.s32 $0x2880, s31;
	[sflag:s25] =	ssyncadd.s32 $0xFFFFF060  }
0x76: {  	[spmem:s1] =	stream.indirect.scatter.add.f32 [tilespmem:s23], [sflag:$0x3], $0x20, s2, s21, $0xb8;
	[tilespmem:$0x1F640] =	vst v63  }
0x77: {  	_ =	swait.ge [sflag:s18], $0xFA0  }
0x78: {  	[sflag:s18] =	ssyncset.done $0x0  }
0x79: {  	[sflag:s18] =	ssyncadd.s32 $0xFFFFF060  }
0x7a: {  	[tilespmem:s23], [sflag:$0x2] =	stream.indirect.gather [hbm4b:s13+s21], $0x20, s26, s21, $0xb8;
	[tilespmem:$0x1F640] =	vst v63  }
0x7b: {  	_ =	swait.ge [sflag:s24], $0xFA0  }
0x7c: {  	[sflag:s24] =	ssyncset.done $0x0  }
0x7d: {  	[sflag:s24] =	ssyncadd.s32 $0xFFFFF060  }
0x7e: {  	[spmem:s1] =	stream.indirect.scatter.add.f32 [tilespmem:s22], [sflag:$0x3], $0x20, s28, s21, $0xb8;
	[tilespmem:$0x1F640] =	vst v63  }
0x7f: {  	_ =	swait.ge [sflag:s18], $0xFA0  }
0x80: {  	[sflag:s18] =	ssyncset.done $0x0  }
0x81: {  	[sflag:s18] =	ssyncadd.s32 $0xFFFFF060  }
0x82: {  	_ =	swait.ge [sflag:s25], $0xFA0  }
0x83: {  	[sflag:s25] =	ssyncset.done $0x0  }
0x84: {  	[sflag:s25] =	ssyncadd.s32 $0xFFFFF060  }
0x85: {  	[spmem:s1] =	stream.indirect.scatter.add.f32 [tilespmem:s23], [sflag:$0x3], $0x20, s29, s21, $0xb8;
	[tilespmem:$0x1F640] =	vst v63  }
0x86: {  	_ =	swait.ge [sflag:s18], $0xFA0  }
0x87: {  	[sflag:s18] =	ssyncset.done $0x0  }
0x88: {  	[sflag:s18] =	ssyncadd.s32 $0xFFFFF060  }
0x89: {  	[bflag:$0x0] =	sbarrier.arrive $0xFFFF  }
0x8a: {  	[hbm:s14], [sflag:s19] =	dma.local [spmem:s20], $0x30E0  }
0x8b: {  	_ =	swait.ge [sflag:s18], $0x30E0  }
0x8c: {  	[sflag:s18] =	ssyncset.done $0x0  }
0x8d: {  	[sflag:s18] =	ssyncadd.s32 $0xFFFFCF20  }
0x8e: {  	[spmem:s20], [sflag:s19] =	dma.local [hbm:s5], $0x30E0  }
0x8f: {  	_ =	swait.ge [sflag:s18], $0x30E0  }
0x90: {  	[sflag:s18] =	ssyncset.done $0x0  }
0x91: {  	[sflag:s18] =	ssyncadd.s32 $0xFFFFCF20  }
0x92: {  	s11 =	simm.s32 $0x0;
	[bflag:$0x0] =	sbarrier.arrive $0xFFFF  }
0x93: {  	[tilespmem:s22], [sflag:$0x1] =	stream.indirect.gather [hbm4b:s15+s21], $0x20, s11, s21, $0xb8;
	[tilespmem:$0x1F640] =	vst v63  }
0x94: {  	s17 =	simm.s32 $0x80  }
0x95: {  	[tilespmem:s23], [sflag:$0x2] =	stream.indirect.gather [hbm4b:s15+s21], $0x20, s17, s21, $0xb8;
	[tilespmem:$0x1F640] =	vst v63  }
0x96: {  	_ =	swait.ge [sflag:s24], $0xFA0  }
0x97: {  	[sflag:s24] =	ssyncset.done $0x0  }
0x98: {  	s2 =	simm.s32 $0x2800;
	[sflag:s24] =	ssyncadd.s32 $0xFFFFF060  }
0x99: {  	[spmem:s1] =	stream.indirect.scatter.add.f32 [tilespmem:s22], [sflag:$0x3], $0x20, s2, s21, $0xb8;
	[tilespmem:$0x1F640] =	vst v63  }
0x9a: {  	_ =	swait.ge [sflag:s18], $0xFA0  }
0x9b: {  	[sflag:s18] =	ssyncset.done $0x0  }
0x9c: {  	s11 =	simm.s32 $0x100;
	[sflag:s18] =	ssyncadd.s32 $0xFFFFF060  }
0x9d: {  	[tilespmem:s22], [sflag:$0x1] =	stream.indirect.gather [hbm4b:s15+s21], $0x20, s11, s21, $0xb8;
	[tilespmem:$0x1F640] =	vst v63  }
0x9e: {  	_ =	swait.ge [sflag:s25], $0xFA0  }
0x9f: {  	[sflag:s25] =	ssyncset.done $0x0  }
0xa0: {  	s17 =	simm.s32 $0x2880;
	[sflag:s25] =	ssyncadd.s32 $0xFFFFF060  }
0xa1: {  	[spmem:s1] =	stream.indirect.scatter.add.f32 [tilespmem:s23], [sflag:$0x3], $0x20, s17, s21, $0xb8;
	[tilespmem:$0x1F640] =	vst v63  }
0xa2: {  	_ =	swait.ge [sflag:s18], $0xFA0  }
0xa3: {  	s31 =	simm.s32 $0x100;
	s0 =	simm.s32 $0x800;
	[sflag:s18] =	ssyncset.done $0x0  }
.LBB2_10:
0xa4: {  	s2 =	sadd.s32 $0x80, s31  }
0xa5: {  	[sflag:s18] =	ssyncadd.s32 $0xFFFFF060;
	s11 =	smov.u32 s0;
	s17 =	sadd.s32 $0x400, s0  }
0xa6: {  	[tilespmem:s23], [sflag:$0x2] =	stream.indirect.gather [hbm4b:s15+s21], $0x20, s2, s21, $0xb8;
	[tilespmem:$0x1F640] =	vst v63  }
0xa7: {  	p1 =	sne.s32 s0, $0x9800;
	_ =	swait.ge [sflag:s24], $0xFA0  }
0xa8: {  	[sflag:s24] =	ssyncset.done $0x0  }
0xa9: {  	s0 =	sadd.s32 $0x2800, s31;
	[sflag:s24] =	ssyncadd.s32 $0xFFFFF060  }
0xaa: {  	[spmem:s1] =	stream.indirect.scatter.add.f32 [tilespmem:s22], [sflag:$0x3], $0x20, s0, s21, $0xb8;
	[tilespmem:$0x1F640] =	vst v63  }
0xab: {  	_ =	swait.ge [sflag:s18], $0xFA0  }
0xac: {  	[sflag:s18] =	ssyncset.done $0x0  }
0xad: {  	s0 =	sadd.s32 $0x100, s31;
	[sflag:s18] =	ssyncadd.s32 $0xFFFFF060  }
0xae: {  	[tilespmem:s22], [sflag:$0x1] =	stream.indirect.gather [hbm4b:s15+s21], $0x20, s0, s21, $0xb8;
	[tilespmem:$0x1F640] =	vst v63  }
0xaf: {  	_ =	swait.ge [sflag:s25], $0xFA0  }
.Ltmp4:
0xb0: {  	[sflag:s25] =	ssyncset.done $0x0;
	(pc) =	sbr.rel @p1 .LBB2_10-.Ltmp4, $4  }
0xb1: {  	s0 =	sadd.s32 $0x2880, s31;
	[sflag:s25] =	ssyncadd.s32 $0xFFFFF060  }
0xb2: {  	[spmem:s1] =	stream.indirect.scatter.add.f32 [tilespmem:s23], [sflag:$0x3], $0x20, s0, s21, $0xb8;
	[tilespmem:$0x1F640] =	vst v63  }
0xb3: {  	_ =	swait.ge [sflag:s18], $0xFA0  }
0xb4: {  	s31 =	sshra.s32 s11, $0x2;
	s0 =	smov.u32 s17;
	[sflag:s18] =	ssyncset.done $0x0  }
.Ltmp5:
0xb5: {  	_ = 	snop;
	(pc) =	sbr.rel .LBB2_11-.Ltmp5, $1  }
0xb6: {  	_ =	sdelay $0x3  }
.LBB2_2:
0xb7: {  	[tilespmem:s22], [sflag:$0x1] =	stream.indirect.gather [hbm4b:s4+s21], $0x20, s0, s21, $0xb8;
	[tilespmem:$0x1F640] =	vst v63  }
0xb8: {  	s17 =	simm.s32 $0x80  }
0xb9: {  	[tilespmem:s23], [sflag:$0x2] =	stream.indirect.gather [hbm4b:s4+s21], $0x20, s17, s21, $0xb8;
	[tilespmem:$0x1F640] =	vst v63  }
0xba: {  	_ =	swait.ge [sflag:s24], $0xFA0  }
0xbb: {  	[sflag:s24] =	ssyncset.done $0x0  }
0xbc: {  	s2 =	simm.s32 $0x2800;
	[sflag:s24] =	ssyncadd.s32 $0xFFFFF060  }
0xbd: {  	[spmem:s1] =	stream.indirect.scatter.add.f32 [tilespmem:s22], [sflag:$0x3], $0x20, s2, s21, $0xb8;
	[tilespmem:$0x1F640] =	vst v63  }
0xbe: {  	_ =	swait.ge [sflag:s18], $0xFA0  }
0xbf: {  	[sflag:s18] =	ssyncset.done $0x0  }
0xc0: {  	s11 =	simm.s32 $0x100;
	[sflag:s18] =	ssyncadd.s32 $0xFFFFF060  }
0xc1: {  	[tilespmem:s22], [sflag:$0x1] =	stream.indirect.gather [hbm4b:s4+s21], $0x20, s11, s21, $0xb8;
	[tilespmem:$0x1F640] =	vst v63  }
0xc2: {  	_ =	swait.ge [sflag:s25], $0xFA0  }
0xc3: {  	[sflag:s25] =	ssyncset.done $0x0  }
0xc4: {  	s17 =	simm.s32 $0x2880;
	[sflag:s25] =	ssyncadd.s32 $0xFFFFF060  }
0xc5: {  	[spmem:s1] =	stream.indirect.scatter.add.f32 [tilespmem:s23], [sflag:$0x3], $0x20, s17, s21, $0xb8;
	[tilespmem:$0x1F640] =	vst v63  }
0xc6: {  	_ =	swait.ge [sflag:s18], $0xFA0  }
0xc7: {  	s0 =	simm.s32 $0x800;
	s31 =	simm.s32 $0x100;
	[sflag:s18] =	ssyncset.done $0x0  }
.LBB2_3:
0xc8: {  	s2 =	sadd.s32 $0x80, s31  }
0xc9: {  	[sflag:s18] =	ssyncadd.s32 $0xFFFFF060;
	s17 =	smov.u32 s0;
	s11 =	sadd.s32 $0x400, s0  }
0xca: {  	[tilespmem:s23], [sflag:$0x2] =	stream.indirect.gather [hbm4b:s4+s21], $0x20, s2, s21, $0xb8;
	[tilespmem:$0x1F640] =	vst v63  }
0xcb: {  	p1 =	sne.s32 s0, $0x9800;
	_ =	swait.ge [sflag:s24], $0xFA0  }
0xcc: {  	[sflag:s24] =	ssyncset.done $0x0  }
0xcd: {  	s0 =	sadd.s32 $0x2800, s31;
	[sflag:s24] =	ssyncadd.s32 $0xFFFFF060  }
0xce: {  	[spmem:s1] =	stream.indirect.scatter.add.f32 [tilespmem:s22], [sflag:$0x3], $0x20, s0, s21, $0xb8;
	[tilespmem:$0x1F640] =	vst v63  }
0xcf: {  	_ =	swait.ge [sflag:s18], $0xFA0  }
0xd0: {  	[sflag:s18] =	ssyncset.done $0x0  }
0xd1: {  	s0 =	sadd.s32 $0x100, s31;
	[sflag:s18] =	ssyncadd.s32 $0xFFFFF060  }
0xd2: {  	[tilespmem:s22], [sflag:$0x1] =	stream.indirect.gather [hbm4b:s4+s21], $0x20, s0, s21, $0xb8;
	[tilespmem:$0x1F640] =	vst v63  }
0xd3: {  	_ =	swait.ge [sflag:s25], $0xFA0  }
.Ltmp6:
0xd4: {  	[sflag:s25] =	ssyncset.done $0x0;
	(pc) =	sbr.rel @p1 .LBB2_3-.Ltmp6, $4  }
0xd5: {  	s0 =	sadd.s32 $0x2880, s31;
	[sflag:s25] =	ssyncadd.s32 $0xFFFFF060  }
0xd6: {  	[spmem:s1] =	stream.indirect.scatter.add.f32 [tilespmem:s23], [sflag:$0x3], $0x20, s0, s21, $0xb8;
	[tilespmem:$0x1F640] =	vst v63  }
0xd7: {  	_ =	swait.ge [sflag:s18], $0xFA0  }
0xd8: {  	s31 =	sshra.s32 s17, $0x2;
	s0 =	smov.u32 s11;
	[sflag:s18] =	ssyncset.done $0x0  }
0xd9: {  	s0 =	sadd.s32 $0x80, s31;
	[sflag:s18] =	ssyncadd.s32 $0xFFFFF060  }
0xda: {  	[tilespmem:s23], [sflag:$0x2] =	stream.indirect.gather [hbm4b:s4+s21], $0x20, s0, s21, $0xb8;
	[tilespmem:$0x1F640] =	vst v63  }
0xdb: {  	_ =	swait.ge [sflag:s24], $0xFA0  }
0xdc: {  	[sflag:s24] =	ssyncset.done $0x0  }
0xdd: {  	s2 =	sadd.s32 $0x2800, s31;
	[sflag:s24] =	ssyncadd.s32 $0xFFFFF060  }
0xde: {  	[spmem:s1] =	stream.indirect.scatter.add.f32 [tilespmem:s22], [sflag:$0x3], $0x20, s2, s21, $0xb8;
	[tilespmem:$0x1F640] =	vst v63  }
0xdf: {  	_ =	swait.ge [sflag:s18], $0xFA0  }
0xe0: {  	[sflag:s18] =	ssyncset.done $0x0  }
0xe1: {  	s11 =	sadd.s32 $0x100, s31;
	[sflag:s18] =	ssyncadd.s32 $0xFFFFF060  }
0xe2: {  	[tilespmem:s22], [sflag:$0x1] =	stream.indirect.gather [hbm4b:s4+s21], $0x20, s11, s21, $0xb8;
	[tilespmem:$0x1F640] =	vst v63  }
0xe3: {  	_ =	swait.ge [sflag:s25], $0xFA0  }
0xe4: {  	[sflag:s25] =	ssyncset.done $0x0  }
0xe5: {  	s17 =	sadd.s32 $0x2880, s31;
	[sflag:s25] =	ssyncadd.s32 $0xFFFFF060  }
0xe6: {  	[spmem:s1] =	stream.indirect.scatter.add.f32 [tilespmem:s23], [sflag:$0x3], $0x20, s17, s21, $0xb8;
	[tilespmem:$0x1F640] =	vst v63  }
0xe7: {  	_ =	swait.ge [sflag:s18], $0xFA0  }
0xe8: {  	[sflag:s18] =	ssyncset.done $0x0  }
0xe9: {  	[sflag:s18] =	ssyncadd.s32 $0xFFFFF060  }
0xea: {  	[tilespmem:s23], [sflag:$0x2] =	stream.indirect.gather [hbm4b:s4+s21], $0x20, s26, s21, $0xb8;
	[tilespmem:$0x1F640] =	vst v63  }
0xeb: {  	_ =	swait.ge [sflag:s24], $0xFA0  }
0xec: {  	[sflag:s24] =	ssyncset.done $0x0  }
0xed: {  	[sflag:s24] =	ssyncadd.s32 $0xFFFFF060  }
0xee: {  	[spmem:s1] =	stream.indirect.scatter.add.f32 [tilespmem:s22], [sflag:$0x3], $0x20, s28, s21, $0xb8;
	[tilespmem:$0x1F640] =	vst v63  }
0xef: {  	_ =	swait.ge [sflag:s18], $0xFA0  }
0xf0: {  	[sflag:s18] =	ssyncset.done $0x0  }
0xf1: {  	[sflag:s18] =	ssyncadd.s32 $0xFFFFF060  }
0xf2: {  	_ =	swait.ge [sflag:s25], $0xFA0  }
0xf3: {  	[sflag:s25] =	ssyncset.done $0x0  }
0xf4: {  	[sflag:s25] =	ssyncadd.s32 $0xFFFFF060  }
0xf5: {  	[spmem:s1] =	stream.indirect.scatter.add.f32 [tilespmem:s23], [sflag:$0x3], $0x20, s29, s21, $0xb8;
	[tilespmem:$0x1F640] =	vst v63  }
0xf6: {  	_ =	swait.ge [sflag:s18], $0xFA0  }
0xf7: {  	[sflag:s18] =	ssyncset.done $0x0  }
0xf8: {  	[sflag:s18] =	ssyncadd.s32 $0xFFFFF060  }
0xf9: {  	[bflag:$0x0] =	sbarrier.arrive $0xFFFF  }
0xfa: {  	s2 =	rddreg [dreg:$0x5]  }
0xfb: {  	[hbm:s2], [sflag:s19] =	dma.local [spmem:s20], $0x30E0  }
0xfc: {  	_ =	swait.ge [sflag:s18], $0x30E0  }
0xfd: {  	[sflag:s18] =	ssyncset.done $0x0  }
0xfe: {  	[sflag:s18] =	ssyncadd.s32 $0xFFFFCF20  }
0xff: {  	[spmem:s20], [sflag:s19] =	dma.local [hbm:s5], $0x30E0  }
0x100: {  	_ =	swait.ge [sflag:s18], $0x30E0  }
0x101: {  	[sflag:s18] =	ssyncset.done $0x0  }
0x102: {  	[sflag:s18] =	ssyncadd.s32 $0xFFFFCF20  }
0x103: {  	s11 =	simm.s32 $0x0;
	[bflag:$0x0] =	sbarrier.arrive $0xFFFF  }
0x104: {  	[tilespmem:s22], [sflag:$0x1] =	stream.indirect.gather [hbm4b:s12+s21], $0x20, s11, s21, $0xb8;
	[tilespmem:$0x1F640] =	vst v63  }
0x105: {  	s17 =	simm.s32 $0x80  }
0x106: {  	[tilespmem:s23], [sflag:$0x2] =	stream.indirect.gather [hbm4b:s12+s21], $0x20, s17, s21, $0xb8;
	[tilespmem:$0x1F640] =	vst v63  }
0x107: {  	_ =	swait.ge [sflag:s24], $0xFA0  }
0x108: {  	[sflag:s24] =	ssyncset.done $0x0  }
0x109: {  	s2 =	simm.s32 $0x2800;
	[sflag:s24] =	ssyncadd.s32 $0xFFFFF060  }
0x10a: {  	[spmem:s1] =	stream.indirect.scatter.add.f32 [tilespmem:s22], [sflag:$0x3], $0x20, s2, s21, $0xb8;
	[tilespmem:$0x1F640] =	vst v63  }
0x10b: {  	_ =	swait.ge [sflag:s18], $0xFA0  }
0x10c: {  	[sflag:s18] =	ssyncset.done $0x0  }
0x10d: {  	s11 =	simm.s32 $0x100;
	[sflag:s18] =	ssyncadd.s32 $0xFFFFF060  }
0x10e: {  	[tilespmem:s22], [sflag:$0x1] =	stream.indirect.gather [hbm4b:s12+s21], $0x20, s11, s21, $0xb8;
	[tilespmem:$0x1F640] =	vst v63  }
0x10f: {  	_ =	swait.ge [sflag:s25], $0xFA0  }
0x110: {  	[sflag:s25] =	ssyncset.done $0x0  }
0x111: {  	s17 =	simm.s32 $0x2880;
	[sflag:s25] =	ssyncadd.s32 $0xFFFFF060  }
0x112: {  	[spmem:s1] =	stream.indirect.scatter.add.f32 [tilespmem:s23], [sflag:$0x3], $0x20, s17, s21, $0xb8;
	[tilespmem:$0x1F640] =	vst v63  }
0x113: {  	_ =	swait.ge [sflag:s18], $0xFA0  }
0x114: {  	s31 =	simm.s32 $0x100;
	s0 =	simm.s32 $0x800;
	[sflag:s18] =	ssyncset.done $0x0  }
.LBB2_5:
0x115: {  	s2 =	sadd.s32 $0x80, s31  }
0x116: {  	[sflag:s18] =	ssyncadd.s32 $0xFFFFF060;
	s11 =	smov.u32 s0;
	s17 =	sadd.s32 $0x400, s0  }
0x117: {  	[tilespmem:s23], [sflag:$0x2] =	stream.indirect.gather [hbm4b:s12+s21], $0x20, s2, s21, $0xb8;
	[tilespmem:$0x1F640] =	vst v63  }
0x118: {  	p1 =	sne.s32 s0, $0x9800;
	_ =	swait.ge [sflag:s24], $0xFA0  }
0x119: {  	[sflag:s24] =	ssyncset.done $0x0  }
0x11a: {  	s0 =	sadd.s32 $0x2800, s31;
	[sflag:s24] =	ssyncadd.s32 $0xFFFFF060  }
0x11b: {  	[spmem:s1] =	stream.indirect.scatter.add.f32 [tilespmem:s22], [sflag:$0x3], $0x20, s0, s21, $0xb8;
	[tilespmem:$0x1F640] =	vst v63  }
0x11c: {  	_ =	swait.ge [sflag:s18], $0xFA0  }
0x11d: {  	[sflag:s18] =	ssyncset.done $0x0  }
0x11e: {  	s0 =	sadd.s32 $0x100, s31;
	[sflag:s18] =	ssyncadd.s32 $0xFFFFF060  }
0x11f: {  	[tilespmem:s22], [sflag:$0x1] =	stream.indirect.gather [hbm4b:s12+s21], $0x20, s0, s21, $0xb8;
	[tilespmem:$0x1F640] =	vst v63  }
0x120: {  	_ =	swait.ge [sflag:s25], $0xFA0  }
.Ltmp7:
0x121: {  	[sflag:s25] =	ssyncset.done $0x0;
	(pc) =	sbr.rel @p1 .LBB2_5-.Ltmp7, $4  }
0x122: {  	s0 =	sadd.s32 $0x2880, s31;
	[sflag:s25] =	ssyncadd.s32 $0xFFFFF060  }
0x123: {  	[spmem:s1] =	stream.indirect.scatter.add.f32 [tilespmem:s23], [sflag:$0x3], $0x20, s0, s21, $0xb8;
	[tilespmem:$0x1F640] =	vst v63  }
0x124: {  	_ =	swait.ge [sflag:s18], $0xFA0  }
0x125: {  	s31 =	sshra.s32 s11, $0x2;
	s0 =	smov.u32 s17;
	[sflag:s18] =	ssyncset.done $0x0  }
0x126: {  	s0 =	sadd.s32 $0x80, s31;
	[sflag:s18] =	ssyncadd.s32 $0xFFFFF060  }
0x127: {  	[tilespmem:s23], [sflag:$0x2] =	stream.indirect.gather [hbm4b:s12+s21], $0x20, s0, s21, $0xb8;
	[tilespmem:$0x1F640] =	vst v63  }
0x128: {  	_ =	swait.ge [sflag:s24], $0xFA0  }
0x129: {  	[sflag:s24] =	ssyncset.done $0x0  }
0x12a: {  	s2 =	sadd.s32 $0x2800, s31;
	[sflag:s24] =	ssyncadd.s32 $0xFFFFF060  }
0x12b: {  	[spmem:s1] =	stream.indirect.scatter.add.f32 [tilespmem:s22], [sflag:$0x3], $0x20, s2, s21, $0xb8;
	[tilespmem:$0x1F640] =	vst v63  }
0x12c: {  	_ =	swait.ge [sflag:s18], $0xFA0  }
0x12d: {  	[sflag:s18] =	ssyncset.done $0x0  }
0x12e: {  	s11 =	sadd.s32 $0x100, s31;
	[sflag:s18] =	ssyncadd.s32 $0xFFFFF060  }
0x12f: {  	[tilespmem:s22], [sflag:$0x1] =	stream.indirect.gather [hbm4b:s12+s21], $0x20, s11, s21, $0xb8;
	[tilespmem:$0x1F640] =	vst v63  }
0x130: {  	_ =	swait.ge [sflag:s25], $0xFA0  }
0x131: {  	[sflag:s25] =	ssyncset.done $0x0  }
0x132: {  	s17 =	sadd.s32 $0x2880, s31;
	[sflag:s25] =	ssyncadd.s32 $0xFFFFF060  }
0x133: {  	[spmem:s1] =	stream.indirect.scatter.add.f32 [tilespmem:s23], [sflag:$0x3], $0x20, s17, s21, $0xb8;
	[tilespmem:$0x1F640] =	vst v63  }
.Ltmp8:
0x134: {  	_ = 	snop;
	(pc) =	sbr.rel .LBB2_12-.Ltmp8, $4  }
0x135: {  	_ =	swait.ge [sflag:s18], $0xFA0  }
0x136: {  	[sflag:s18] =	ssyncset.done $0x0  }
0x137: {  	s31 =	smov.u32 s6;
	[sflag:s18] =	ssyncadd.s32 $0xFFFFF060  }
0x138: {  	[tilespmem:s23], [sflag:$0x2] =	stream.indirect.gather [hbm4b:s12+s21], $0x20, s26, s21, $0xb8;
	[tilespmem:$0x1F640] =	vst v63  }
.LBB2_13:
0x139: {  	_ =	sfence.sel $0x180000  }
0x13a: {  	[bflag:$0x0] =	sbarrier.arrive $0xFFFF  }
0x13b: {  	_ =	strace $0x9000004D  }
0x13c: {  	s0 =	stileid.u32;
	[bflag:$0x2] =	sbarrier.arrive $0xFFFF  }
0x13d: {  	p0 =	sne.s32 s0, $0x0;
	s0 =	rddreg [dreg:$0x4]  }
0x13e: {  	s0 =	sadd.s32 @!p0 $0x100000, s0  }
0x13f: {  	[sflag:s0] =	ssyncadd.tile.s32 @!p0 $0x1;
	_ =	shalt  }
.Lfunc_end2:
_tile_overlayer_lowered:
.L_overlay_start_2:
0x140: {  	(tag) =	ssettag $0x2  }
0x141: {  	s0 =	rddreg [dreg:$0x0];
	s2 =	stileid.u32  }
0x142: {  	s1 =	rddreg [dreg:$0x1];
	p0 =	sne.s32 s2, $0x0  }
0x143: {  	s3 =	rddreg [dreg:$0x2];
	[bflag:$0x3] =	sbarrier.arrive $0xFFFF;
	s2 =	simm.s32 @!p0 $0x1C03  }
0x144: {  	[timem:s3], [sflag:s2] =	dma.local @!p0 [hbm:s0], s1  }
0x145: {  	s0 =	simm.s32 @!p0 $0x3  }
0x146: {  	_ =	swait.ge @!p0 [sflag:s0], s1  }
0x147: {  	s1 =	ssub.s32 @!p0 $0x0, s1;
	[sflag:s0] =	ssyncset.done @!p0 $0x0  }
0x148: {  	[sflag:s0] =	ssyncadd.s32 @!p0 s1  }
0x149: {  	[bflag:$0x3] =	sbarrier.arrive $0xFFFF  }
0x14a: {  	_ =	shalt  }

// kernel: kernel.19.cloned.1.call-start
scs
__scs_entry_jumppad:
0x0: {  	(pc) =	sbr.rel $0x88, $3  }
0x1: {  	(tag) =	ssettag $0x0;
	lr =	simm.s32 $0x1  }
0x2: {  	[smem:$0x3F8E] =	sst lr;
	_ =	strace $0xD0000000  }
0x3: {  	_ = 	snop  }
0x4: {  	_ = 	snop  }
0x5: {  	_ = 	snop  }
0x6: {  	_ = 	snop  }
0x7: {  	_ = 	snop  }
__scs_overlays_trampoline_lowered:
0x8: {  	[smem:$0x3F9D] =	sst s0  }
0x9: {  	[smem:$0x3F9E] =	sst s1  }
0xa: {  	[smem:$0x3F9F] =	sst s2  }
0xb: {  	[smem:$0x3FA0] =	sst s3  }
0xc: {  	[smem:$0x3FA1] =	sst s4  }
0xd: {  	[smem:$0x3FA2] =	sst s5  }
0xe: {  	[smem:$0x3FA3] =	sst s6  }
0xf: {  	[smem:$0x3FA4] =	sst s7  }
0x10: {  	[smem:$0x3FA5] =	sst s8  }
0x11: {  	[smem:$0x3FA6] =	sst s9;
	s0 =	simm.s32 @!p0 $0x0  }
0x12: {  	s1 =	sld [smem:$0x3F8C];
	s0 =	simm.s32 @p0 $0x1  }
0x13: {  	[smem:$0x3FA7] =	sst s0;
	s0 =	simm.s32 @!p1 $0x0  }
0x14: {  	s2 =	sld [smem:$0x3F8B];
	s0 =	simm.s32 @p1 $0x1  }
0x15: {  	[smem:$0x3FA8] =	sst s0;
	s0 =	simm.s32 @!p2 $0x0  }
0x16: {  	s3 =	sld [smem:$0x3FDB];
	s0 =	simm.s32 @p2 $0x1  }
0x17: {  	s4 =	simm.s32 $0x1BF5;
	[smem:$0x3FAA] =	sst s0  }
0x18: {  	s0 =	sld [smem:$0x3F8D];
	_ =	swait.ge [sflag:s4], $0x0  }
0x19: {  	s7 =	sld [smem:$0x3F8E]  }
0x1a: {  	s8 =	sadd.s32 $0xFFFFE003, lr  }
0x1b: {  	s9 =	sadd.s32 $0xFFFFFEF7, lr;
	s5 =	simm.s32 $0xFFFFFFFF;
	p2 =	slt.u32 s8, $0xFFFFF086  }
0x1c: {  	p1 =	slt.u32 s9, $0xF7A;
	s5 =	simm.s32 @!p2 $0x0  }
0x1d: {  	s5 =	simm.s32 @p1 $0x1;
	p0 =	seq.s32 s7, s2  }
0x1e: {  	s7 =	smul.u32 @!p0 $0xF7A, s2;
	p2 =	seq.s32 @!p0 s5, $0x0  }
0x1f: {  	s9 =	smul.u32 $0xF7A, s1;
	s8 =	simm.s32 @!p0 $0x1BF5;
	p2 =	por !p2, p0  }
0x20: {  	[sflag:s8] =	ssyncset.s32 @!p0 $0xFFFFF086;
	s6 =	sadd.s32 @!p0 s3, s7;
	s7 =	simm.s32 @!p0 $0x108  }
0x21: {  	s3 =	sadd.s32 s3, s9;
	s6 =	sadd.s32 @!p0 $0x88, s6;
	s7 =	simm.s32 @p2 $0x1082  }
0x22: {  	[simem:s7], [sflag:s8] =	dma.local @!p0 [hbm:s6], $0xF7A  }
0x23: {  	s9 =	sor.u32 $0xD0000000, s2;
	s6 =	simm.s32 $0x108;
	_ =	swait.ge @!p0 [sflag:s8], $0x0  }
0x24: {  	s3 =	sadd.s32 $0x88, s3;
	s6 =	simm.s32 @!p1 $0x1082;
	[sflag:s4] =	ssyncset.s32 $0xFFFFF086  }
0x25: {  	[simem:s6], [sflag:s4] =	dma.local [hbm:s3], $0xF7A  }
0x26: {  	[smem:$0x3F8E] =	sst s1;
	(tag) =	ssettag s2;
	_ =	strace s9  }
0x27: {  	s1 =	sld [smem:$0x3F9E]  }
0x28: {  	s2 =	sld [smem:$0x3F9F]  }
0x29: {  	s4 =	sld [smem:$0x3FA1]  }
0x2a: {  	p0 =	seq.s32 s5, $0x0;
	s5 =	sld [smem:$0x3FA2]  }
0x2b: {  	s6 =	sld [smem:$0x3FA3]  }
0x2c: {  	s7 =	sld [smem:$0x3FA4]  }
0x2d: {  	s3 =	simm.s32 $0x108;
	s8 =	sld [smem:$0x3FA5]  }
0x2e: {  	s3 =	simm.s32 @!p0 $0x1082;
	s9 =	sld [smem:$0x3FA6]  }
0x2f: {  	lr =	sadd.s32 s0, s3;
	s0 =	sld [smem:$0x3F9D]  }
0x30: {  	s3 =	sld [smem:$0x3FA0]  }
0x31: {  	[smem:$0x3FA9] =	sst s10  }
0x32: {  	s10 =	sld [smem:$0x3FA7];
	_ =	sdelay $0x3  }
0x33: {  	p0 =	seq.s32 s10, $0x1;
	s10 =	sld [smem:$0x3FA9];
	_ =	sdelay $0x3  }
0x34: {  	[smem:$0x3FA9] =	sst s10  }
0x35: {  	s10 =	sld [smem:$0x3FA8];
	_ =	sdelay $0x3  }
0x36: {  	p1 =	seq.s32 s10, $0x1;
	s10 =	sld [smem:$0x3FA9];
	_ =	sdelay $0x3  }
0x37: {  	[smem:$0x3FA9] =	sst s10  }
0x38: {  	s10 =	sld [smem:$0x3FAA]  }
0x39: {  	_ = 	snop;
	(pc) =	sbr.ind lr, $3  }
0x3a: {  	_ = 	snop  }
0x3b: {  	_ = 	snop  }
0x3c: {  	p2 =	seq.s32 s10, $0x1;
	s10 =	sld [smem:$0x3FA9]  }
0x3d: {  	_ =	shalt  }
0x3e: {  	_ =	shalt  }
0x3f: {  	_ =	shalt  }
0x40: {  	_ =	shalt  }
0x41: {  	_ =	shalt  }
0x42: {  	_ =	shalt  }
0x43: {  	_ =	shalt  }
0x44: {  	_ =	shalt  }
0x45: {  	_ =	shalt  }
0x46: {  	_ =	shalt  }
0x47: {  	_ =	shalt  }
0x48: {  	_ =	shalt  }
0x49: {  	_ =	shalt  }
0x4a: {  	_ =	shalt  }
0x4b: {  	_ =	shalt  }
0x4c: {  	_ =	shalt  }
0x4d: {  	_ =	shalt  }
0x4e: {  	_ =	shalt  }
0x4f: {  	_ =	shalt  }
0x50: {  	_ =	shalt  }
0x51: {  	_ =	shalt  }
0x52: {  	_ =	shalt  }
0x53: {  	_ =	shalt  }
0x54: {  	_ =	shalt  }
0x55: {  	_ =	shalt  }
0x56: {  	_ =	shalt  }
0x57: {  	_ =	shalt  }
0x58: {  	_ =	shalt  }
0x59: {  	_ =	shalt  }
0x5a: {  	_ =	shalt  }
0x5b: {  	_ =	shalt  }
0x5c: {  	_ =	shalt  }
0x5d: {  	_ =	shalt  }
0x5e: {  	_ =	shalt  }
0x5f: {  	_ =	shalt  }
0x60: {  	_ =	shalt  }
0x61: {  	_ =	shalt  }
0x62: {  	_ =	shalt  }
0x63: {  	_ =	shalt  }
0x64: {  	_ =	shalt  }
0x65: {  	_ =	shalt  }
0x66: {  	_ =	shalt  }
0x67: {  	_ =	shalt  }
0x68: {  	_ =	shalt  }
0x69: {  	_ =	shalt  }
0x6a: {  	_ =	shalt  }
0x6b: {  	_ =	shalt  }
0x6c: {  	_ =	shalt  }
0x6d: {  	_ =	shalt  }
0x6e: {  	_ =	shalt  }
0x6f: {  	_ =	shalt  }
0x70: {  	_ =	shalt  }
0x71: {  	_ =	shalt  }
0x72: {  	_ =	shalt  }
0x73: {  	_ =	shalt  }
0x74: {  	_ =	shalt  }
0x75: {  	_ =	shalt  }
0x76: {  	_ =	shalt  }
0x77: {  	_ =	shalt  }
0x78: {  	_ =	shalt  }
0x79: {  	_ =	shalt  }
0x7a: {  	_ =	shalt  }
0x7b: {  	_ =	shalt  }
0x7c: {  	_ =	shalt  }
0x7d: {  	_ =	shalt  }
0x7e: {  	_ =	shalt  }
0x7f: {  	_ =	shalt  }
0x80: {  	_ =	shalt  }
0x81: {  	_ =	shalt  }
0x82: {  	_ =	shalt  }
0x83: {  	_ =	shalt  }
0x84: {  	_ =	shalt  }
0x85: {  	_ =	shalt  }
0x86: {  	_ =	shalt  }
0x87: {  	_ =	shalt  }
.Lfunc_end0:
.L_simem_size_0:
called_computation.3_lowered:
.L_overlay_start_0:
0x88: {  	s2 =	sld [smem:$0x3FD9]  }
0x89: {  	s3 =	sld [smem:$0x3FFE];
	_ =	sdelay $0x1  }
0x8a: {  	s1 =	srdreg.scid  }
0x8b: {  	s0 =	sand.u32 $0x1, s1  }
0x8c: {  	s16 =	sshll.u32 s0, $0xA;
	s2 =	sadd.s32 s3, s2  }
0x8d: {  	s2 =	sadd.s32 s2, s16  }
0x8e: {  	[smem:$0x3FB5] =	sst s2  }
0x8f: {  	_ = 	snop  }
0x90: {  	(tm) =	ssettm $0x1  }
0x91: {  	s17 =	sld [smem:$0x3FFB];
	_ =	sdelay $0x3  }
0x92: {  	_ =	strace s17  }
0x93: {  	s2 =	sld [smem:$0x3FFC];
	_ =	sdelay $0x3  }
0x94: {  	_ =	strace s2  }
0x95: {  	s2 =	sld [smem:$0x3FFD];
	_ =	sdelay $0x3  }
0x96: {  	_ =	strace s2  }
0x97: {  	_ =	strace $0x8FFFFFFF  }
0x98: {  	s18 =	sld [smem:$0x3FDB];
	_ =	sdelay $0x1  }
0x99: {  	s19 =	simm.s32 $_scs_section_size  }
0x9a: {  	s4 =	simm.s32 $_size__tile_overlayer_lowered;
	s5 =	simm.s32 $_tile_overlayer_lowered  }
0x9b: {  	s22 =	simm.s32 $0x1BFF;
	s21 =	sshll.u32 s5, $0x1;
	s2 =	sadd.s32 s19, s18  }
0x9c: {  	s6 =	simm.s32 $0x0;
	s20 =	sshll.u32 s4, $0x1;
	s4 =	sadd.s32 s21, s2  }
0x9d: {  	[timem:s6], [sflag:s22] =	dma.local [hbm:s4], s20  }
0x9e: {  	_ =	swait.ge [sflag:s22], s20  }
0x9f: {  	s3 =	ssub.s32 $0x0, s20;
	[sflag:s22] =	ssyncset.done $0x0  }
0xa0: {  	[sflag:s22] =	ssyncadd.s32 s3;
	_ =	sdelay $0x1  }
0xa1: {  	s23 =	simm.s32 $0x1B8B  }
0xa2: {  	_ =	swait.ge [sflag:s23], $0x1  }
0xa3: {  	[sflag:s23] =	ssyncset.done $0x0  }
0xa4: {  	s25 =	simm.s32 $0x1B8E;
	s24 =	sld [smem:$0x3FFE];
	[sflag:s23] =	ssyncadd.s32 $0xFFFFFFFF  }
0xa5: {  	s26 =	simm.s32 $execute0_lowered;
	[smem:$0x3FD2] =	sst s25  }
0xa6: {  	s4 =	sshll.u32 s26, $0x1;
	_ =	strace $0x8000004F;
	[dreg:$0x1] =	wrdreg $0xFFFFFFFF  }
0xa7: {  	s28 =	simm.s32 $_size_execute0_lowered;
	s2 =	sadd.s32 s2, s4;
	[dreg:$0x0] =	wrdreg $0x0  }
0xa8: {  	s4 =	sshll.u32 s28, $0x1;
	[dreg:$0x2] =	wrdreg s2  }
0xa9: {  	[dreg:$0x3] =	wrdreg s4  }
0xaa: {  	[dreg:$0x4] =	wrdreg $0xC0  }
0xab: {  	_ =	task [dreg:s6], $0x5FFFF  }
0xac: {  	[dreg:$0x1] =	wrdreg $0xFFFFFFFF  }
0xad: {  	[dreg:$0x0] =	wrdreg $0x60  }
0xae: {  	[dreg:$0x2] =	wrdreg s24  }
0xaf: {  	[dreg:$0x3] =	wrdreg $0x9  }
0xb0: {  	_ =	task.clear_ibuf [dreg:s6], $0x4FFFF;
	_ =	strace $0x9000004F  }
0xb1: {  	s29 =	simm.s32 $0x9;
	_ =	strace $0x80000051  }
0xb2: {  	_ =	swait.ge [sflag:s29], $0x1  }
0xb3: {  	[sflag:s29] =	ssyncadd.s32 $0xFFFFFFFF  }
0xb4: {  	_ =	strace $0x90000051  }
0xb5: {  	_ =	sfence  }
0xb6: {  	s30 =	sld [smem:$0x0];
	_ =	sdelay $0x2  }
0xb7: {  	s31 =	sshll.u32 s1, $0xD;
	s1 =	sshrl.u32 s1, $0x2  }
0xb8: {  	s3 =	sand.u32 $0x4000, s31;
	s1 =	sadd.s32 s1, s30  }
0xb9: {  	s0 =	sor.u32 s3, s0;
	s1 =	sshll.u32 s1, $0x11  }
0xba: {  	s0 =	sor.u32 s1, s0  }
0xbb: {  	s0 =	sadd.s32 $0x8F2B, s0  }
0xbc: {  	[sflag:s0] =	ssyncadd.remote.s32 $0x1  }
0xbd: {  	_ =	sfence.sel $0xFFFF  }
0xbe: {  	[dreg:$0x0] =	wrdreg $0xFFFFFFFF;
	(pc) =	sbr.abs _section_cstart, $3  }
0xbf: {  	[dreg:$0x1] =	wrdreg $0xFFFFFFFF  }
0xc0: {  	_ =	task.clear_ibuf [dreg:s6], $0x2FFFF;
	_ =	strace $0x9FFFFFFF  }
0xc1: {  	(tm) =	ssettm $0x7FFFFFFF  }
tec
execute0_lowered:
.L_overlay_start_1:
0x0: {  	(tag) =	ssettag $0x1  }
0x1: {  	s0 =	srdreg.scid;
	s5 =	rddreg [dreg:$0x0]  }
0x2: {  	s1 =	rddreg [dreg:$0x1];
	s2 =	simm.s32 $0x0;
	s11 =	simm.s32 $0x7D  }
0x3: {  	s12 =	simm.s32 $0x1400;
	s13 =	simm.s32 $0x5280;
	s4 =	sand.u32 $0x1, s0  }
0x4: {  	s14 =	simm.s32 $0x1;
	s0 =	stileid.u32;
	s3 =	smul.u32 $0x14000, s4  }
0x5: {  	s15 =	simm.s32 $0x2;
	s16 =	simm.s32 $0x1380;
	s6 =	smul.u32 $0x1400, s0  }
0x6: {  	s17 =	simm.s32 $0x0;
	[smem:$0x7FF] =	sst s2;
	s30 =	smul.u32 $0x9C4000, s4  }
0x7: {  	s9 =	sadd.s32 $0x25AE00, s5;
	s8 =	smul.u32 $0x9C400, s0;
	s4 =	ssub.s32 $0x2, s4  }
0x8: {  	_ =	strace $0x80000050;
	s31 =	sshrl.u32 s4, $0x1;
	s3 =	sadd.s32 s6, s3  }
0x9: {  	s8 =	sadd.s32 s8, s30;
	s7 =	sshrl.u32 s3, $0x3;
	s3 =	sadd.s32 $0x197800, s5  }
0xa: {  	s6 =	sshrl.u32 s8, $0x3;
	s10 =	sadd.s32 $0x3E80, s8;
	s7 =	sadd.s32 s7, s5  }
0xb: {  	s5 =	ssub.s32 s4, s31;
	s6 =	sadd.s32 s6, s9;
	s10 =	sshrl.u32 s10, $0x3  }
0xc: {  	s4 =	sadd.s32 $0x192800, s7;
	s5 =	smax.u32 s5, $0x1;
	s7 =	sadd.s32 $0x128E0, s6  }
0xd: {  	s8 =	sadd.s32 $0x130B0, s6;
	s9 =	sadd.s32 s10, s9;
	s10 =	simm.s32 $0x3  }
.LBB2_1:
0xe: {  	[tilespmem:s2], [sflag:$0x3] =	stream.linear.gather [hbm4b:s4+s2], $0x1400, $0x38;
	[tilespmem:$0x9100] =	vst v63  }
0xf: {  	_ =	swait.ge [sflag:s10], $0x1400  }
0x10: {  	[sflag:s10] =	ssyncset.done $0x0  }
0x11: {  	[sflag:s10] =	ssyncadd.s32 $0xFFFFEC00  }
0x12: {  	[tilespmem:s12], [sflag:$0x1] =	stream.indirect.gather [hbm4b:s3+s11], $0x80, s2, s11, $0xb8;
	[tilespmem:$0x9100] =	vst v63  }
0x13: {  	s18 =	simm.s32 $0x80  }
0x14: {  	[tilespmem:s13], [sflag:$0x2] =	stream.indirect.gather [hbm4b:s3+s11], $0x80, s18, s11, $0xb8;
	[tilespmem:$0x9100] =	vst v63  }
0x15: {  	_ =	swait.ge [sflag:s14], $0x3E80  }
0x16: {  	[sflag:s14] =	ssyncset.done $0x0  }
0x17: {  	s19 =	sadd.s32 $0x0, s6;
	[sflag:s14] =	ssyncadd.s32 $0xFFFFC180  }
0x18: {  	[hbm4b:s19+s2] =	stream.linear.scatter [tilespmem:s12], [sflag:$0x3], $0x3E80, $0x38;
	[tilespmem:$0x9100] =	vst v63  }
0x19: {  	_ =	swait.ge [sflag:s10], $0x3E80  }
0x1a: {  	[sflag:s10] =	ssyncset.done $0x0  }
0x1b: {  	s30 =	simm.s32 $0x100;
	[sflag:s10] =	ssyncadd.s32 $0xFFFFC180  }
0x1c: {  	[tilespmem:s12], [sflag:$0x1] =	stream.indirect.gather [hbm4b:s3+s11], $0x80, s30, s11, $0xb8;
	[tilespmem:$0x9100] =	vst v63  }
0x1d: {  	_ =	swait.ge [sflag:s15], $0x3E80  }
0x1e: {  	[sflag:s15] =	ssyncset.done $0x0  }
0x1f: {  	s31 =	sadd.s32 $0x0, s9;
	[sflag:s15] =	ssyncadd.s32 $0xFFFFC180  }
0x20: {  	[hbm4b:s31+s2] =	stream.linear.scatter [tilespmem:s13], [sflag:$0x3], $0x3E80, $0x38;
	[tilespmem:$0x9100] =	vst v63  }
0x21: {  	_ =	swait.ge [sflag:s10], $0x3E80  }
0x22: {  	s19 =	simm.s32 $0xFA0;
	[sflag:s10] =	ssyncset.done $0x0  }
.LBB2_2:
0x23: {  	p0 =	sne.s32 s19, $0x11940;
	[sflag:s10] =	ssyncadd.s32 $0xFFFFC180;
	s18 =	sadd.s32 $0x100, s18  }
0x24: {  	[tilespmem:s13], [sflag:$0x2] =	stream.indirect.gather [hbm4b:s3+s11], $0x80, s18, s11, $0xb8;
	[tilespmem:$0x9100] =	vst v63  }
0x25: {  	s20 =	smov.u32 s19;
	s19 =	sadd.s32 $0xFA0, s19;
	_ =	swait.ge [sflag:s14], $0x3E80  }
0x26: {  	[sflag:s14] =	ssyncset.done $0x0  }
0x27: {  	s21 =	sadd.s32 s20, s6;
	[sflag:s14] =	ssyncadd.s32 $0xFFFFC180  }
0x28: {  	[hbm4b:s21+s2] =	stream.linear.scatter [tilespmem:s12], [sflag:$0x3], $0x3E80, $0x38;
	[tilespmem:$0x9100] =	vst v63  }
0x29: {  	_ =	swait.ge [sflag:s10], $0x3E80  }
0x2a: {  	[sflag:s10] =	ssyncset.done $0x0  }
0x2b: {  	s21 =	sadd.s32 $0x80, s18;
	[sflag:s10] =	ssyncadd.s32 $0xFFFFC180  }
0x2c: {  	[tilespmem:s12], [sflag:$0x1] =	stream.indirect.gather [hbm4b:s3+s11], $0x80, s21, s11, $0xb8;
	[tilespmem:$0x9100] =	vst v63  }
0x2d: {  	_ =	swait.ge [sflag:s15], $0x3E80  }
.Ltmp0:
0x2e: {  	[sflag:s15] =	ssyncset.done $0x0;
	(pc) =	sbr.rel @p0 .LBB2_2-.Ltmp0, $4  }
0x2f: {  	s20 =	sadd.s32 s20, s9;
	[sflag:s15] =	ssyncadd.s32 $0xFFFFC180  }
0x30: {  	[hbm4b:s20+s2] =	stream.linear.scatter [tilespmem:s13], [sflag:$0x3], $0x3E80, $0x38;
	[tilespmem:$0x9100] =	vst v63  }
0x31: {  	_ =	swait.ge [sflag:s10], $0x3E80  }
0x32: {  	[sflag:s10] =	ssyncset.done $0x0  }
0x33: {  	[sflag:s10] =	ssyncadd.s32 $0xFFFFC180  }
0x34: {  	[tilespmem:s13], [sflag:$0x2] =	stream.indirect.gather [hbm4b:s3+s11], $0x80, s16, s11, $0xb8;
	[tilespmem:$0x9100] =	vst v63  }
0x35: {  	_ =	swait.ge [sflag:s14], $0x3E80  }
0x36: {  	[sflag:s14] =	ssyncset.done $0x0  }
0x37: {  	[sflag:s14] =	ssyncadd.s32 $0xFFFFC180  }
0x38: {  	[hbm4b:s7+s2] =	stream.linear.scatter [tilespmem:s12], [sflag:$0x3], $0x3E80, $0x38;
	[tilespmem:$0x9100] =	vst v63  }
0x39: {  	_ =	swait.ge [sflag:s10], $0x3E80  }
0x3a: {  	[sflag:s10] =	ssyncset.done $0x0  }
0x3b: {  	[sflag:s10] =	ssyncadd.s32 $0xFFFFC180  }
0x3c: {  	s17 =	sadd.s32 $0x1, s17;
	_ =	swait.ge [sflag:s15], $0x3E80  }
0x3d: {  	p0 =	sne.s32 s17, s5;
	[sflag:s15] =	ssyncset.done $0x0  }
.Ltmp1:
0x3e: {  	[sflag:s15] =	ssyncadd.s32 $0xFFFFC180;
	(pc) =	sbr.rel @p0 .LBB2_1-.Ltmp1, $4  }
0x3f: {  	[hbm4b:s8+s2] =	stream.linear.scatter [tilespmem:s13], [sflag:$0x3], $0x3E80, $0x38;
	[tilespmem:$0x9100] =	vst v63  }
0x40: {  	_ =	swait.ge [sflag:s10], $0x3E80  }
0x41: {  	[sflag:s10] =	ssyncset.done $0x0  }
0x42: {  	[sflag:s10] =	ssyncadd.s32 $0xFFFFC180  }
0x43: {  	_ =	sfence.sel $0x180000  }
0x44: {  	[bflag:$0x0] =	sbarrier.arrive $0xFFFF  }
0x45: {  	p0 =	sne.s32 s0, $0x0;
	_ =	strace $0x90000050  }
0x46: {  	s0 =	sadd.s32 @!p0 $0x100000, s1;
	[bflag:$0x2] =	sbarrier.arrive $0xFFFF  }
0x47: {  	[sflag:s0] =	ssyncadd.tile.s32 @!p0 $0x1;
	_ =	shalt  }
.Lfunc_end2:
_tile_overlayer_lowered:
.L_overlay_start_2:
0x48: {  	(tag) =	ssettag $0x2  }
0x49: {  	s0 =	rddreg [dreg:$0x0];
	s2 =	stileid.u32  }
0x4a: {  	s1 =	rddreg [dreg:$0x1];
	p0 =	sne.s32 s2, $0x0  }
0x4b: {  	s3 =	rddreg [dreg:$0x2];
	[bflag:$0x3] =	sbarrier.arrive $0xFFFF;
	s2 =	simm.s32 @!p0 $0x1C03  }
0x4c: {  	[timem:s3], [sflag:s2] =	dma.local @!p0 [hbm:s0], s1  }
0x4d: {  	s0 =	simm.s32 @!p0 $0x3  }
0x4e: {  	_ =	swait.ge @!p0 [sflag:s0], s1  }
0x4f: {  	s1 =	ssub.s32 @!p0 $0x0, s1;
	[sflag:s0] =	ssyncset.done @!p0 $0x0  }
0x50: {  	[sflag:s0] =	ssyncadd.s32 @!p0 s1  }
0x51: {  	[bflag:$0x3] =	sbarrier.arrive $0xFFFF  }
0x52: {  	_ =	shalt  }

</sc_bundles>
